<compile_context>
chip_gen: v7x
topology: tpu7x:2x2x1
jax: 0.10.2.dev20260603
libtpu: 0.0.44.dev20260713+nightly
codegen_flags: <defaults>
</compile_context>

<pallas_src>
import functools

import jax
import jax.numpy as jnp
from jax import lax
from jax.experimental import pallas as pl
from jax.experimental.pallas import tpu as pltpu
from jax.experimental.pallas import tpu_sc as plsc

NC = 2
NS = 16
NW = NC * NS
CHUNK = 256

_mesh = plsc.VectorSubcoreMesh(core_axis_name="c", subcore_axis_name="s")


def _ceil_to(v, m):
    return (v + m - 1) // m * m


def _make_deg_kernel(n_pad, n_chunks):
    @functools.partial(
        pl.kernel,
        out_type=jax.ShapeDtypeStruct((NW, n_pad // 128, 128), jnp.float32),
        mesh=_mesh,
        compiler_params=pltpu.CompilerParams(needs_layout_passes=False),
        scratch_types=[
            pltpu.VMEM((n_chunks, CHUNK), jnp.int32),
            pltpu.VMEM((n_pad // 128, 128), jnp.float32),
        ],
    )
    def deg_kernel(dst_hbm, out_hbm, dst_v, hist_v):
        cid = lax.axis_index("c")
        sid = lax.axis_index("s")
        wid = cid * NS + sid
        pltpu.sync_copy(dst_hbm.at[wid], dst_v)

        def zero_body(i, carry):
            base = i * 16 + lax.iota(jnp.int32, 16)
            plsc.store_scatter(hist_v, [base >> 7, base & 127],
                               jnp.zeros((16,), jnp.float32))
            return carry

        lax.fori_loop(0, n_pad // 16, zero_body, 0)
        ones = jnp.ones((16,), jnp.float32)

        def row_body(r, carry):
            for g in range(CHUNK // 16):
                idx = dst_v[r, pl.ds(g * 16, 16)]
                plsc.addupdate_scatter(hist_v, [idx >> 7, idx & 127], ones)
            return carry

        lax.fori_loop(0, n_chunks, row_body, 0)
        pltpu.sync_copy(hist_v, out_hbm.at[wid])

    return deg_kernel


def _make_agg_kernel(n_pad, dh, n_chunks):
    @functools.partial(
        pl.kernel,
        out_type=jax.ShapeDtypeStruct((NC, n_pad, dh), jnp.float32),
        mesh=_mesh,
        compiler_params=pltpu.CompilerParams(use_tc_tiling_on_sc=False),
        scratch_types=[
            pltpu.VMEM((4, CHUNK), jnp.int32),
            pltpu.VMEM((4, CHUNK), jnp.int32),
            pltpu.VMEM((CHUNK, dh), jnp.float32),
            pltpu.VMEM((CHUNK, dh), jnp.float32),
            pltpu.VMEM_SHARED((n_pad, dh), jnp.float32),
            pltpu.VMEM_SHARED((n_pad, dh), jnp.float32),
            pltpu.SemaphoreType.DMA,
            pltpu.SemaphoreType.DMA,
            pltpu.SemaphoreType.DMA,
            pltpu.SemaphoreType.DMA,
            pltpu.SemaphoreType.DMA,
            pltpu.SemaphoreType.DMA,
            pltpu.SemaphoreType.DMA,
            pltpu.SemaphoreType.DMA,
            pltpu.SemaphoreType.DMA,
            pltpu.SemaphoreType.DMA,
            pltpu.SemaphoreType.DMA,
            pltpu.SemaphoreType.DMA,
        ],
    )
    def agg_kernel(y_hbm, src_hbm, dst_hbm, out_hbm,
                   sidx, didx, buf0, buf1, yres, acc,
                   is0, is1, is2, is3, id0, id1, id2, id3, g0, g1, s0, s1):
        cid = lax.axis_index("c")
        sid = lax.axis_index("s")
        rpt = n_pad // NS
        bufs = (buf0, buf1)
        gsems = (g0, g1)
        ssems = (s0, s1)
        isrc = (is0, is1, is2, is3)
        idst = (id0, id1, id2, id3)
        rows = pl.ds(sid * rpt, rpt)
        pltpu.sync_copy(y_hbm.at[cid, rows], yres.at[rows])
        pltpu.sync_copy(y_hbm.at[cid, rows], acc.at[rows])
        for r in range(4):
            pltpu.async_copy(src_hbm.at[sid, r], sidx.at[r], isrc[r])
        for r in range(2):
            pltpu.async_copy(dst_hbm.at[sid, r], didx.at[r], idst[r])
        plsc.subcore_barrier()

        def step(i, k):
            j = 4 * i + k
            r = k
            b = k % 2
            def wait_sc():
                pltpu.make_async_copy(
                    bufs[b], acc.at[didx.at[0]], ssems[b]).wait()
            if k < 2:
                @pl.when(i > 0)
                def _():
                    wait_sc()
            else:
                wait_sc()
            @pl.when(j + 2 < n_chunks)
            def _():
                pltpu.async_copy(dst_hbm.at[sid, j + 2],
                                 didx.at[(k + 2) % 4], idst[(k + 2) % 4])
            pltpu.make_async_copy(
                src_hbm.at[sid, 0], sidx.at[r], isrc[r]).wait()
            pltpu.async_copy(yres.at[sidx.at[r]], bufs[b], gsems[b])
            pltpu.make_async_copy(
                yres.at[sidx.at[r]], bufs[b], gsems[b]).wait()
            @pl.when(j + 4 < n_chunks)
            def _():
                pltpu.async_copy(src_hbm.at[sid, j + 4], sidx.at[r],
                                 isrc[r])
            pltpu.make_async_copy(
                dst_hbm.at[sid, 0], didx.at[r], idst[r]).wait()
            pltpu.async_copy(bufs[b], acc.at[didx.at[r]], ssems[b],
                             add=True)

        def body(i, carry):
            for k in range(4):
                step(i, k)
            return carry

        lax.fori_loop(0, n_chunks // 4, body, 0)
        pltpu.make_async_copy(buf0, acc.at[didx.at[0]], s0).wait()
        pltpu.make_async_copy(buf1, acc.at[didx.at[0]], s1).wait()
        plsc.subcore_barrier()
        pltpu.sync_copy(acc.at[rows], out_hbm.at[cid, rows])

    return agg_kernel


def _tca_body(dp_ref, x_ref, dinv_ref, y1_ref):
    deg = jnp.sum(dp_ref[...], axis=0) + 1.0
    dinv = lax.rsqrt(deg)
    n_pad = dp_ref.shape[1]
    n, d = x_ref.shape
    db = jnp.broadcast_to(dinv[:, None], (n_pad, d))
    dinv_ref[...] = db
    y1 = jnp.pad(x_ref[...], ((0, n_pad - n), (0, 0))) * db
    dh = d // 2
    y1_ref[0] = y1[:, :dh]
    y1_ref[1] = y1[:, dh:]


def _tcb_body(t1_ref, dv_ref, w1_ref, b1_ref, wc_ref, y2_ref):
    dv = dv_ref[...]
    pre = dv * jnp.concatenate([t1_ref[0], t1_ref[1]], axis=-1)
    h = jnp.dot(pre, w1_ref[...], preferred_element_type=jnp.float32)
    h = jnp.maximum(h + b1_ref[...], 0.0)
    y2 = dv * jnp.dot(h, wc_ref[...], preferred_element_type=jnp.float32)
    dh = y2.shape[1] // 2
    y2_ref[0] = y2[:, :dh]
    y2_ref[1] = y2[:, dh:]


def _tcc_body(t2_ref, dv_ref, bc_ref, mu_ref, ls_ref):
    out = (dv_ref[...]
           * jnp.concatenate([t2_ref[0], t2_ref[1]], axis=-1)
           + bc_ref[...])
    n, dl = mu_ref.shape
    mu_ref[...] = out[:n, :dl]
    ls_ref[...] = out[:n, dl:2 * dl]


def kernel(x, edge_index, W1, b1, W_mu, b_mu, W_ls, b_ls):
    n, d = x.shape
    e = edge_index.shape[1]
    dh2 = W1.shape[1]
    dl = W_mu.shape[1]
    dhalf = d // 2
    n_pad = _ceil_to(n + 1, 128)
    nc_deg = _ceil_to(-(-e // (NW * CHUNK)), 4)
    nc_agg = _ceil_to(-(-e // (NS * CHUNK)), 4)
    e_pad = NS * nc_agg * CHUNK

    src = edge_index[0]
    dst = edge_index[1]
    fill = jnp.full((e_pad - e,), n, jnp.int32)
    srcp = jnp.concatenate([src, fill])
    dstp = jnp.concatenate([dst, fill])
    src16 = srcp.reshape(NS, nc_agg, CHUNK)
    dst16 = dstp.reshape(NS, nc_agg, CHUNK)
    dst32 = dstp.reshape(NW, nc_deg, CHUNK)
    Wc = jnp.concatenate([W_mu, W_ls], axis=1)
    bc = jnp.concatenate([b_mu, b_ls])[None, :]
    b1r = b1[None, :]

    deg_parts = _make_deg_kernel(n_pad, nc_deg)(dst32)
    deg_parts = deg_parts.reshape(NW, n_pad)

    dinv_b, y1s = pl.pallas_call(
        _tca_body,
        out_shape=[jax.ShapeDtypeStruct((n_pad, d), jnp.float32),
                   jax.ShapeDtypeStruct((NC, n_pad, dhalf), jnp.float32)],
    )(deg_parts, x)

    agg = _make_agg_kernel(n_pad, dhalf, nc_agg)
    t1 = agg(y1s, src16, dst16)

    brb = n_pad // 8
    grid = (n_pad // brb,)
    y2s = pl.pallas_call(
        _tcb_body,
        grid=grid,
        in_specs=[
            pl.BlockSpec((NC, brb, dhalf), lambda j: (0, j, 0)),
            pl.BlockSpec((brb, d), lambda j: (j, 0)),
            pl.BlockSpec((d, dh2), lambda j: (0, 0)),
            pl.BlockSpec((1, dh2), lambda j: (0, 0)),
            pl.BlockSpec((dh2, 2 * dl), lambda j: (0, 0)),
        ],
        out_specs=pl.BlockSpec((NC, brb, dhalf), lambda j: (0, j, 0)),
        out_shape=jax.ShapeDtypeStruct((NC, n_pad, dhalf), jnp.float32),
    )(t1, dinv_b, W1, b1r, Wc)

    t2 = agg(y2s, src16, dst16)

    mu, logstd = pl.pallas_call(
        _tcc_body,
        out_shape=[jax.ShapeDtypeStruct((n, dl), jnp.float32),
                   jax.ShapeDtypeStruct((n, dl), jnp.float32)],
    )(t2, dinv_b, bc)

    return (mu, logstd)

# --- scband reference (transcript-rebuilt; emitter-appended) ---
"""Pipeline reference for scband-gcnencoder-2070174237040 (READ-ONLY COPY).

The authoritative reference and input builder live on the scoring server;
editing this copy changes nothing except your own understanding.
"""

import jax, jax.numpy as jnp
import numpy as np

N = 10000
E = 320000
D_IN = 128
D_HID = 256
D_LAT = 64


def gcn_conv(x, edge_index, W, b):
    # PyG GCNConv: add self-loops, symmetric normalization D^-1/2 (A+I) D^-1/2 X W + b
    n = x.shape[0]
    loop = jnp.arange(n, dtype=edge_index.dtype)
    src = jnp.concatenate([edge_index[0], loop])
    dst = jnp.concatenate([edge_index[1], loop])
    deg = jnp.zeros((n,), x.dtype).at[dst].add(1.0)
    dinv = jnp.where(deg > 0, jax.lax.rsqrt(deg), 0.0)
    norm = dinv[src] * dinv[dst]
    h = x @ W
    msg = h[src] * norm[:, None]
    out = jnp.zeros((n, W.shape[1]), x.dtype).at[dst].add(msg)
    return out + b


def glorot(key, fan_in, fan_out):
    lim = jnp.sqrt(6.0 / (fan_in + fan_out))
    return jax.random.uniform(key, (fan_in, fan_out), jnp.float32, -lim, lim)


def setup_inputs(seed: int = 0) -> dict:
    key = jax.random.key(seed)
    k0, k1, k2, k3, k4 = jax.random.split(key, 5)
    x = jax.random.normal(k0, (N, D_IN), jnp.float32)
    edge_index = jax.random.randint(k1, (2, E), 0, N, dtype=jnp.int32)
    W1 = glorot(k2, D_IN, D_HID)
    b1 = jnp.zeros((D_HID,), jnp.float32)
    W_mu = glorot(k3, D_HID, D_LAT)
    b_mu = jnp.zeros((D_LAT,), jnp.float32)
    W_ls = glorot(k4, D_HID, D_LAT)
    b_ls = jnp.zeros((D_LAT,), jnp.float32)
    return {"x": x, "edge_index": edge_index, "W1": W1, "b1": b1,
            "W_mu": W_mu, "b_mu": b_mu, "W_ls": W_ls, "b_ls": b_ls}


def reference(x, edge_index, W1, b1, W_mu, b_mu, W_ls, b_ls):
    # dropout_rate = 0.0 -> identity (eval mode)
    hidden = jax.nn.relu(gcn_conv(x, edge_index, W1, b1))
    mu = gcn_conv(hidden, edge_index, W_mu, b_mu)
    logstd = gcn_conv(hidden, edge_index, W_ls, b_ls)
    return (mu, logstd)

if __name__ == "__main__":
    import jax
    _d = setup_inputs()
    print(jax.jit(kernel)(*tuple(_d.values())))

</pallas_src>

<mosaic_0001>
#map = affine_map<(d0, d1) -> (0, 0, 0)>
module attributes {stable_mosaic.version = 14 : i64} {
  func.func @agg_kernel(%arg0: i32, %arg1: i32, %arg2: memref<2x10112x64xf32, #tpu.memory_space<hbm>>, %arg3: memref<16x80x256xi32, #tpu.memory_space<hbm>>, %arg4: memref<16x80x256xi32, #tpu.memory_space<hbm>>, %arg5: memref<2x10112x64xf32, #tpu.memory_space<hbm>>, %arg6: memref<4x256xi32, #tpu.memory_space<vmem>>, %arg7: memref<4x256xi32, #tpu.memory_space<vmem>>, %arg8: memref<256x64xf32, #tpu.memory_space<vmem>>, %arg9: memref<256x64xf32, #tpu.memory_space<vmem>>, %arg10: memref<10112x64xf32, #tpu.memory_space<vmem_shared>>, %arg11: memref<10112x64xf32, #tpu.memory_space<vmem_shared>>, %arg12: memref<!tpu.dma_semaphore, #tpu.memory_space<semaphore_mem>>, %arg13: memref<!tpu.dma_semaphore, #tpu.memory_space<semaphore_mem>>, %arg14: memref<!tpu.dma_semaphore, #tpu.memory_space<semaphore_mem>>, %arg15: memref<!tpu.dma_semaphore, #tpu.memory_space<semaphore_mem>>, %arg16: memref<!tpu.dma_semaphore, #tpu.memory_space<semaphore_mem>>, %arg17: memref<!tpu.dma_semaphore, #tpu.memory_space<semaphore_mem>>, %arg18: memref<!tpu.dma_semaphore, #tpu.memory_space<semaphore_mem>>, %arg19: memref<!tpu.dma_semaphore, #tpu.memory_space<semaphore_mem>>, %arg20: memref<!tpu.dma_semaphore, #tpu.memory_space<semaphore_mem>>, %arg21: memref<!tpu.dma_semaphore, #tpu.memory_space<semaphore_mem>>, %arg22: memref<!tpu.dma_semaphore, #tpu.memory_space<semaphore_mem>>, %arg23: memref<!tpu.dma_semaphore, #tpu.memory_space<semaphore_mem>>) attributes {dimension_semantics = [#tpu.dimension_semantics<core_parallel>, #tpu.dimension_semantics<subcore_parallel>], iteration_bounds = array<i64: 2, 16>, scalar_prefetch = 0 : i64, scratch_operands = 18 : i64, tpu.core_type = #tpu.core_type<sc_vector_subcore>, window_params = [{transform_indices = #map}, {transform_indices = #map}, {transform_indices = #map}, {transform_indices = #map}]} {
    %mul3A = arith.constant 632 : i32
    %mul3A_0 = arith.muli %arg1, %mul3A : i32
    "tpu.region"() ({
      %run_scoped3A = tpu.sem_alloc : memref<!tpu.dma_semaphore, #tpu.memory_space<semaphore_mem>>
      %dma_start3A_103 = arith.constant 0 : i32
      %dma_start3A_104 = tpu.memref_slice %arg10[%mul3A_0, %dma_start3A_103] : memref<10112x64xf32, #tpu.memory_space<vmem_shared>> -> memref<632x64xf32, #tpu.memory_space<vmem_shared>>
      %dma_start3A_105 = arith.constant 0 : i32
      %dma_start3A_106 = tpu.memref_slice %arg2[%arg0, %mul3A_0, %dma_start3A_105] : memref<2x10112x64xf32, #tpu.memory_space<hbm>> -> memref<1x632x64xf32, #tpu.memory_space<hbm>>
      %dma_start3A_107 = tpu.memref_squeeze %dma_start3A_106 : memref<1x632x64xf32, #tpu.memory_space<hbm>> -> memref<632x64xf32, #tpu.memory_space<hbm>>
      tpu.enqueue_dma source(%dma_start3A_107 : memref<632x64xf32, #tpu.memory_space<hbm>>) target(%dma_start3A_104 : memref<632x64xf32, #tpu.memory_space<vmem_shared>>) target_semaphore(%run_scoped3A : memref<!tpu.dma_semaphore, #tpu.memory_space<semaphore_mem>>)
      %dma_wait3A_108 = arith.constant 0 : i32
      %dma_wait3A_109 = tpu.memref_slice %arg10[%mul3A_0, %dma_wait3A_108] : memref<10112x64xf32, #tpu.memory_space<vmem_shared>> -> memref<632x64xf32, #tpu.memory_space<vmem_shared>>
      %dma_wait3A_110 = arith.constant 0 : i32
      %dma_wait3A_111 = tpu.memref_slice %arg2[%arg0, %mul3A_0, %dma_wait3A_110] : memref<2x10112x64xf32, #tpu.memory_space<hbm>> -> memref<1x632x64xf32, #tpu.memory_space<hbm>>
      %dma_wait3A_112 = tpu.memref_squeeze %dma_wait3A_111 : memref<1x632x64xf32, #tpu.memory_space<hbm>> -> memref<632x64xf32, #tpu.memory_space<hbm>>
      tpu.wait_dma2 semaphore(%run_scoped3A : memref<!tpu.dma_semaphore, #tpu.memory_space<semaphore_mem>>) src(%dma_wait3A_112 : memref<632x64xf32, #tpu.memory_space<hbm>>) dst(%dma_wait3A_109 : memref<632x64xf32, #tpu.memory_space<vmem_shared>>)
      tpu.yield
    }) : () -> ()
    "tpu.region"() ({
      %run_scoped3A = tpu.sem_alloc : memref<!tpu.dma_semaphore, #tpu.memory_space<semaphore_mem>>
      %dma_start3A_103 = arith.constant 0 : i32
      %dma_start3A_104 = tpu.memref_slice %arg11[%mul3A_0, %dma_start3A_103] : memref<10112x64xf32, #tpu.memory_space<vmem_shared>> -> memref<632x64xf32, #tpu.memory_space<vmem_shared>>
      %dma_start3A_105 = arith.constant 0 : i32
      %dma_start3A_106 = tpu.memref_slice %arg2[%arg0, %mul3A_0, %dma_start3A_105] : memref<2x10112x64xf32, #tpu.memory_space<hbm>> -> memref<1x632x64xf32, #tpu.memory_space<hbm>>
      %dma_start3A_107 = tpu.memref_squeeze %dma_start3A_106 : memref<1x632x64xf32, #tpu.memory_space<hbm>> -> memref<632x64xf32, #tpu.memory_space<hbm>>
      tpu.enqueue_dma source(%dma_start3A_107 : memref<632x64xf32, #tpu.memory_space<hbm>>) target(%dma_start3A_104 : memref<632x64xf32, #tpu.memory_space<vmem_shared>>) target_semaphore(%run_scoped3A : memref<!tpu.dma_semaphore, #tpu.memory_space<semaphore_mem>>)
      %dma_wait3A_108 = arith.constant 0 : i32
      %dma_wait3A_109 = tpu.memref_slice %arg11[%mul3A_0, %dma_wait3A_108] : memref<10112x64xf32, #tpu.memory_space<vmem_shared>> -> memref<632x64xf32, #tpu.memory_space<vmem_shared>>
      %dma_wait3A_110 = arith.constant 0 : i32
      %dma_wait3A_111 = tpu.memref_slice %arg2[%arg0, %mul3A_0, %dma_wait3A_110] : memref<2x10112x64xf32, #tpu.memory_space<hbm>> -> memref<1x632x64xf32, #tpu.memory_space<hbm>>
      %dma_wait3A_112 = tpu.memref_squeeze %dma_wait3A_111 : memref<1x632x64xf32, #tpu.memory_space<hbm>> -> memref<632x64xf32, #tpu.memory_space<hbm>>
      tpu.wait_dma2 semaphore(%run_scoped3A : memref<!tpu.dma_semaphore, #tpu.memory_space<semaphore_mem>>) src(%dma_wait3A_112 : memref<632x64xf32, #tpu.memory_space<hbm>>) dst(%dma_wait3A_109 : memref<632x64xf32, #tpu.memory_space<vmem_shared>>)
      tpu.yield
    }) : () -> ()
    %dma_start3A = arith.constant 0 : i32
    %dma_start3A_1 = arith.constant 0 : i32
    %dma_start3A_2 = arith.constant 0 : i32
    %dma_start3A_3 = tpu.memref_slice %arg6[%dma_start3A_1, %dma_start3A_2] : memref<4x256xi32, #tpu.memory_space<vmem>> -> memref<1x256xi32, #tpu.memory_space<vmem>>
    %dma_start3A_4 = tpu.memref_squeeze %dma_start3A_3 : memref<1x256xi32, #tpu.memory_space<vmem>> -> memref<256xi32, #tpu.memory_space<vmem>>
    %dma_start3A_5 = arith.constant 0 : i32
    %dma_start3A_6 = tpu.memref_slice %arg3[%arg1, %dma_start3A, %dma_start3A_5] : memref<16x80x256xi32, #tpu.memory_space<hbm>> -> memref<1x1x256xi32, #tpu.memory_space<hbm>>
    %dma_start3A_7 = tpu.memref_squeeze %dma_start3A_6 : memref<1x1x256xi32, #tpu.memory_space<hbm>> -> memref<256xi32, #tpu.memory_space<hbm>>
    %dma_start3A_8 = arith.constant 0 : i32
    %dma_start3A_9 = tpu.memref_slice %arg6[%dma_start3A_1, %dma_start3A_8] : memref<4x256xi32, #tpu.memory_space<vmem>> -> memref<1x256xi32, #tpu.memory_space<vmem>>
    %dma_start3A_10 = tpu.memref_squeeze %dma_start3A_9 : memref<1x256xi32, #tpu.memory_space<vmem>> -> memref<256xi32, #tpu.memory_space<vmem>>
    %dma_start3A_11 = arith.constant 0 : i32
    %dma_start3A_12 = tpu.memref_slice %arg3[%arg1, %dma_start3A, %dma_start3A_11] : memref<16x80x256xi32, #tpu.memory_space<hbm>> -> memref<1x1x256xi32, #tpu.memory_space<hbm>>
    %dma_start3A_13 = tpu.memref_squeeze %dma_start3A_12 : memref<1x1x256xi32, #tpu.memory_space<hbm>> -> memref<256xi32, #tpu.memory_space<hbm>>
    tpu.enqueue_dma source(%dma_start3A_13 : memref<256xi32, #tpu.memory_space<hbm>>) target(%dma_start3A_10 : memref<256xi32, #tpu.memory_space<vmem>>) target_semaphore(%arg12 : memref<!tpu.dma_semaphore, #tpu.memory_space<semaphore_mem>>)
    %dma_start3A_14 = arith.constant 1 : i32
    %dma_start3A_15 = arith.constant 1 : i32
    %dma_start3A_16 = arith.constant 0 : i32
    %dma_start3A_17 = tpu.memref_slice %arg6[%dma_start3A_15, %dma_start3A_16] : memref<4x256xi32, #tpu.memory_space<vmem>> -> memref<1x256xi32, #tpu.memory_space<vmem>>
    %dma_start3A_18 = tpu.memref_squeeze %dma_start3A_17 : memref<1x256xi32, #tpu.memory_space<vmem>> -> memref<256xi32, #tpu.memory_space<vmem>>
    %dma_start3A_19 = arith.constant 0 : i32
    %dma_start3A_20 = tpu.memref_slice %arg3[%arg1, %dma_start3A_14, %dma_start3A_19] : memref<16x80x256xi32, #tpu.memory_space<hbm>> -> memref<1x1x256xi32, #tpu.memory_space<hbm>>
    %dma_start3A_21 = tpu.memref_squeeze %dma_start3A_20 : memref<1x1x256xi32, #tpu.memory_space<hbm>> -> memref<256xi32, #tpu.memory_space<hbm>>
    %dma_start3A_22 = arith.constant 0 : i32
    %dma_start3A_23 = tpu.memref_slice %arg6[%dma_start3A_15, %dma_start3A_22] : memref<4x256xi32, #tpu.memory_space<vmem>> -> memref<1x256xi32, #tpu.memory_space<vmem>>
    %dma_start3A_24 = tpu.memref_squeeze %dma_start3A_23 : memref<1x256xi32, #tpu.memory_space<vmem>> -> memref<256xi32, #tpu.memory_space<vmem>>
    %dma_start3A_25 = arith.constant 0 : i32
    %dma_start3A_26 = tpu.memref_slice %arg3[%arg1, %dma_start3A_14, %dma_start3A_25] : memref<16x80x256xi32, #tpu.memory_space<hbm>> -> memref<1x1x256xi32, #tpu.memory_space<hbm>>
    %dma_start3A_27 = tpu.memref_squeeze %dma_start3A_26 : memref<1x1x256xi32, #tpu.memory_space<hbm>> -> memref<256xi32, #tpu.memory_space<hbm>>
    tpu.enqueue_dma source(%dma_start3A_27 : memref<256xi32, #tpu.memory_space<hbm>>) target(%dma_start3A_24 : memref<256xi32, #tpu.memory_space<vmem>>) target_semaphore(%arg13 : memref<!tpu.dma_semaphore, #tpu.memory_space<semaphore_mem>>)
    %dma_start3A_28 = arith.constant 2 : i32
    %dma_start3A_29 = arith.constant 2 : i32
    %dma_start3A_30 = arith.constant 0 : i32
    %dma_start3A_31 = tpu.memref_slice %arg6[%dma_start3A_29, %dma_start3A_30] : memref<4x256xi32, #tpu.memory_space<vmem>> -> memref<1x256xi32, #tpu.memory_space<vmem>>
    %dma_start3A_32 = tpu.memref_squeeze %dma_start3A_31 : memref<1x256xi32, #tpu.memory_space<vmem>> -> memref<256xi32, #tpu.memory_space<vmem>>
    %dma_start3A_33 = arith.constant 0 : i32
    %dma_start3A_34 = tpu.memref_slice %arg3[%arg1, %dma_start3A_28, %dma_start3A_33] : memref<16x80x256xi32, #tpu.memory_space<hbm>> -> memref<1x1x256xi32, #tpu.memory_space<hbm>>
    %dma_start3A_35 = tpu.memref_squeeze %dma_start3A_34 : memref<1x1x256xi32, #tpu.memory_space<hbm>> -> memref<256xi32, #tpu.memory_space<hbm>>
    %dma_start3A_36 = arith.constant 0 : i32
    %dma_start3A_37 = tpu.memref_slice %arg6[%dma_start3A_29, %dma_start3A_36] : memref<4x256xi32, #tpu.memory_space<vmem>> -> memref<1x256xi32, #tpu.memory_space<vmem>>
    %dma_start3A_38 = tpu.memref_squeeze %dma_start3A_37 : memref<1x256xi32, #tpu.memory_space<vmem>> -> memref<256xi32, #tpu.memory_space<vmem>>
    %dma_start3A_39 = arith.constant 0 : i32
    %dma_start3A_40 = tpu.memref_slice %arg3[%arg1, %dma_start3A_28, %dma_start3A_39] : memref<16x80x256xi32, #tpu.memory_space<hbm>> -> memref<1x1x256xi32, #tpu.memory_space<hbm>>
    %dma_start3A_41 = tpu.memref_squeeze %dma_start3A_40 : memref<1x1x256xi32, #tpu.memory_space<hbm>> -> memref<256xi32, #tpu.memory_space<hbm>>
    tpu.enqueue_dma source(%dma_start3A_41 : memref<256xi32, #tpu.memory_space<hbm>>) target(%dma_start3A_38 : memref<256xi32, #tpu.memory_space<vmem>>) target_semaphore(%arg14 : memref<!tpu.dma_semaphore, #tpu.memory_space<semaphore_mem>>)
    %dma_start3A_42 = arith.constant 3 : i32
    %dma_start3A_43 = arith.constant 3 : i32
    %dma_start3A_44 = arith.constant 0 : i32
    %dma_start3A_45 = tpu.memref_slice %arg6[%dma_start3A_43, %dma_start3A_44] : memref<4x256xi32, #tpu.memory_space<vmem>> -> memref<1x256xi32, #tpu.memory_space<vmem>>
    %dma_start3A_46 = tpu.memref_squeeze %dma_start3A_45 : memref<1x256xi32, #tpu.memory_space<vmem>> -> memref<256xi32, #tpu.memory_space<vmem>>
    %dma_start3A_47 = arith.constant 0 : i32
    %dma_start3A_48 = tpu.memref_slice %arg3[%arg1, %dma_start3A_42, %dma_start3A_47] : memref<16x80x256xi32, #tpu.memory_space<hbm>> -> memref<1x1x256xi32, #tpu.memory_space<hbm>>
    %dma_start3A_49 = tpu.memref_squeeze %dma_start3A_48 : memref<1x1x256xi32, #tpu.memory_space<hbm>> -> memref<256xi32, #tpu.memory_space<hbm>>
    %dma_start3A_50 = arith.constant 0 : i32
    %dma_start3A_51 = tpu.memref_slice %arg6[%dma_start3A_43, %dma_start3A_50] : memref<4x256xi32, #tpu.memory_space<vmem>> -> memref<1x256xi32, #tpu.memory_space<vmem>>
    %dma_start3A_52 = tpu.memref_squeeze %dma_start3A_51 : memref<1x256xi32, #tpu.memory_space<vmem>> -> memref<256xi32, #tpu.memory_space<vmem>>
    %dma_start3A_53 = arith.constant 0 : i32
    %dma_start3A_54 = tpu.memref_slice %arg3[%arg1, %dma_start3A_42, %dma_start3A_53] : memref<16x80x256xi32, #tpu.memory_space<hbm>> -> memref<1x1x256xi32, #tpu.memory_space<hbm>>
    %dma_start3A_55 = tpu.memref_squeeze %dma_start3A_54 : memref<1x1x256xi32, #tpu.memory_space<hbm>> -> memref<256xi32, #tpu.memory_space<hbm>>
    tpu.enqueue_dma source(%dma_start3A_55 : memref<256xi32, #tpu.memory_space<hbm>>) target(%dma_start3A_52 : memref<256xi32, #tpu.memory_space<vmem>>) target_semaphore(%arg15 : memref<!tpu.dma_semaphore, #tpu.memory_space<semaphore_mem>>)
    %dma_start3A_56 = arith.constant 0 : i32
    %dma_start3A_57 = arith.constant 0 : i32
    %dma_start3A_58 = arith.constant 0 : i32
    %dma_start3A_59 = tpu.memref_slice %arg7[%dma_start3A_57, %dma_start3A_58] : memref<4x256xi32, #tpu.memory_space<vmem>> -> memref<1x256xi32, #tpu.memory_space<vmem>>
    %dma_start3A_60 = tpu.memref_squeeze %dma_start3A_59 : memref<1x256xi32, #tpu.memory_space<vmem>> -> memref<256xi32, #tpu.memory_space<vmem>>
    %dma_start3A_61 = arith.constant 0 : i32
    %dma_start3A_62 = tpu.memref_slice %arg4[%arg1, %dma_start3A_56, %dma_start3A_61] : memref<16x80x256xi32, #tpu.memory_space<hbm>> -> memref<1x1x256xi32, #tpu.memory_space<hbm>>
    %dma_start3A_63 = tpu.memref_squeeze %dma_start3A_62 : memref<1x1x256xi32, #tpu.memory_space<hbm>> -> memref<256xi32, #tpu.memory_space<hbm>>
    %dma_start3A_64 = arith.constant 0 : i32
    %dma_start3A_65 = tpu.memref_slice %arg7[%dma_start3A_57, %dma_start3A_64] : memref<4x256xi32, #tpu.memory_space<vmem>> -> memref<1x256xi32, #tpu.memory_space<vmem>>
    %dma_start3A_66 = tpu.memref_squeeze %dma_start3A_65 : memref<1x256xi32, #tpu.memory_space<vmem>> -> memref<256xi32, #tpu.memory_space<vmem>>
    %dma_start3A_67 = arith.constant 0 : i32
    %dma_start3A_68 = tpu.memref_slice %arg4[%arg1, %dma_start3A_56, %dma_start3A_67] : memref<16x80x256xi32, #tpu.memory_space<hbm>> -> memref<1x1x256xi32, #tpu.memory_space<hbm>>
    %dma_start3A_69 = tpu.memref_squeeze %dma_start3A_68 : memref<1x1x256xi32, #tpu.memory_space<hbm>> -> memref<256xi32, #tpu.memory_space<hbm>>
    tpu.enqueue_dma source(%dma_start3A_69 : memref<256xi32, #tpu.memory_space<hbm>>) target(%dma_start3A_66 : memref<256xi32, #tpu.memory_space<vmem>>) target_semaphore(%arg16 : memref<!tpu.dma_semaphore, #tpu.memory_space<semaphore_mem>>)
    %dma_start3A_70 = arith.constant 1 : i32
    %dma_start3A_71 = arith.constant 1 : i32
    %dma_start3A_72 = arith.constant 0 : i32
    %dma_start3A_73 = tpu.memref_slice %arg7[%dma_start3A_71, %dma_start3A_72] : memref<4x256xi32, #tpu.memory_space<vmem>> -> memref<1x256xi32, #tpu.memory_space<vmem>>
    %dma_start3A_74 = tpu.memref_squeeze %dma_start3A_73 : memref<1x256xi32, #tpu.memory_space<vmem>> -> memref<256xi32, #tpu.memory_space<vmem>>
    %dma_start3A_75 = arith.constant 0 : i32
    %dma_start3A_76 = tpu.memref_slice %arg4[%arg1, %dma_start3A_70, %dma_start3A_75] : memref<16x80x256xi32, #tpu.memory_space<hbm>> -> memref<1x1x256xi32, #tpu.memory_space<hbm>>
    %dma_start3A_77 = tpu.memref_squeeze %dma_start3A_76 : memref<1x1x256xi32, #tpu.memory_space<hbm>> -> memref<256xi32, #tpu.memory_space<hbm>>
    %dma_start3A_78 = arith.constant 0 : i32
    %dma_start3A_79 = tpu.memref_slice %arg7[%dma_start3A_71, %dma_start3A_78] : memref<4x256xi32, #tpu.memory_space<vmem>> -> memref<1x256xi32, #tpu.memory_space<vmem>>
    %dma_start3A_80 = tpu.memref_squeeze %dma_start3A_79 : memref<1x256xi32, #tpu.memory_space<vmem>> -> memref<256xi32, #tpu.memory_space<vmem>>
    %dma_start3A_81 = arith.constant 0 : i32
    %dma_start3A_82 = tpu.memref_slice %arg4[%arg1, %dma_start3A_70, %dma_start3A_81] : memref<16x80x256xi32, #tpu.memory_space<hbm>> -> memref<1x1x256xi32, #tpu.memory_space<hbm>>
    %dma_start3A_83 = tpu.memref_squeeze %dma_start3A_82 : memref<1x1x256xi32, #tpu.memory_space<hbm>> -> memref<256xi32, #tpu.memory_space<hbm>>
    tpu.enqueue_dma source(%dma_start3A_83 : memref<256xi32, #tpu.memory_space<hbm>>) target(%dma_start3A_80 : memref<256xi32, #tpu.memory_space<vmem>>) target_semaphore(%arg17 : memref<!tpu.dma_semaphore, #tpu.memory_space<semaphore_mem>>)
    %barrier3A = arith.constant 0 : index
    tpu.barrier barrier_id(%barrier3A)
    %scan3A = arith.constant 0 : i32
    %scan3A_84 = arith.constant 0 : i32
    %scan3A_85 = arith.constant 20 : i32
    %scan3A_86 = arith.addi %scan3A_84, %scan3A_85 : i32
    %scan3A_87 = arith.constant 1 : i32
    scf.for %scan3A_103 = %scan3A_84 to %scan3A_86 step %scan3A_87  : i32 {
      %mul3A_104 = arith.constant 4 : i32
      %mul3A_105 = arith.muli %mul3A_104, %scan3A_103 : i32
      %add3A = arith.constant 0 : i32
      %add3A_106 = arith.addi %mul3A_105, %add3A : i32
      %gt3A = arith.constant 0 : i32
      %gt3A_107 = arith.cmpi sgt, %scan3A_103, %gt3A : i32
      %convert_element_type3A = arith.extui %gt3A_107 : i1 to i32
      %cond3A = arith.constant 0 : i32
      %cond3A_108 = arith.cmpi ne, %convert_element_type3A, %cond3A : i32
      scf.if %cond3A_108 {
        %dma_wait3A_391 = arith.constant 0 : i32
        %dma_wait3A_392 = arith.constant 0 : i32
        %dma_wait3A_393 = tpu.memref_slice %arg7[%dma_wait3A_391, %dma_wait3A_392] : memref<4x256xi32, #tpu.memory_space<vmem>> -> memref<1x256xi32, #tpu.memory_space<vmem>>
        %dma_wait3A_394 = tpu.memref_squeeze %dma_wait3A_393 : memref<1x256xi32, #tpu.memory_space<vmem>> -> memref<256xi32, #tpu.memory_space<vmem>>
        %dma_wait3A_395 = arith.constant 0 : i32
        %dma_wait3A_396 = arith.constant 0 : i32
        %dma_wait3A_397 = tpu.memref_slice %arg11[%dma_wait3A_395, %dma_wait3A_396] : memref<10112x64xf32, #tpu.memory_space<vmem_shared>> -> memref<10112x64xf32, #tpu.memory_space<vmem_shared>>
        tpu.wait_indirect_dma semaphore(%arg22 : memref<!tpu.dma_semaphore, #tpu.memory_space<semaphore_mem>>) src(%arg8 : memref<256x64xf32, #tpu.memory_space<vmem>>) dst(%dma_wait3A_397 : memref<10112x64xf32, #tpu.memory_space<vmem_shared>>)
      } else {
      }
      %add3A_109 = arith.constant 2 : i32
      %add3A_110 = arith.addi %add3A_106, %add3A_109 : i32
      %lt3A = arith.constant 80 : i32
      %lt3A_111 = arith.cmpi slt, %add3A_110, %lt3A : i32
      %convert_element_type3A_112 = arith.extui %lt3A_111 : i1 to i32
      %cond3A_113 = arith.constant 0 : i32
      %cond3A_114 = arith.cmpi ne, %convert_element_type3A_112, %cond3A_113 : i32
      scf.if %cond3A_114 {
        %add3A_391 = arith.constant 2 : i32
        %add3A_392 = arith.addi %add3A_106, %add3A_391 : i32
        %dma_start3A_393 = arith.constant 2 : i32
        %dma_start3A_394 = arith.constant 0 : i32
        %dma_start3A_395 = tpu.memref_slice %arg7[%dma_start3A_393, %dma_start3A_394] : memref<4x256xi32, #tpu.memory_space<vmem>> -> memref<1x256xi32, #tpu.memory_space<vmem>>
        %dma_start3A_396 = tpu.memref_squeeze %dma_start3A_395 : memref<1x256xi32, #tpu.memory_space<vmem>> -> memref<256xi32, #tpu.memory_space<vmem>>
        %dma_start3A_397 = arith.constant 0 : i32
        %dma_start3A_398 = tpu.memref_slice %arg4[%arg1, %add3A_392, %dma_start3A_397] : memref<16x80x256xi32, #tpu.memory_space<hbm>> -> memref<1x1x256xi32, #tpu.memory_space<hbm>>
        %dma_start3A_399 = tpu.memref_squeeze %dma_start3A_398 : memref<1x1x256xi32, #tpu.memory_space<hbm>> -> memref<256xi32, #tpu.memory_space<hbm>>
        %dma_start3A_400 = arith.constant 0 : i32
        %dma_start3A_401 = tpu.memref_slice %arg7[%dma_start3A_393, %dma_start3A_400] : memref<4x256xi32, #tpu.memory_space<vmem>> -> memref<1x256xi32, #tpu.memory_space<vmem>>
        %dma_start3A_402 = tpu.memref_squeeze %dma_start3A_401 : memref<1x256xi32, #tpu.memory_space<vmem>> -> memref<256xi32, #tpu.memory_space<vmem>>
        %dma_start3A_403 = arith.constant 0 : i32
        %dma_start3A_404 = tpu.memref_slice %arg4[%arg1, %add3A_392, %dma_start3A_403] : memref<16x80x256xi32, #tpu.memory_space<hbm>> -> memref<1x1x256xi32, #tpu.memory_space<hbm>>
        %dma_start3A_405 = tpu.memref_squeeze %dma_start3A_404 : memref<1x1x256xi32, #tpu.memory_space<hbm>> -> memref<256xi32, #tpu.memory_space<hbm>>
        tpu.enqueue_dma source(%dma_start3A_405 : memref<256xi32, #tpu.memory_space<hbm>>) target(%dma_start3A_402 : memref<256xi32, #tpu.memory_space<vmem>>) target_semaphore(%arg18 : memref<!tpu.dma_semaphore, #tpu.memory_space<semaphore_mem>>)
      } else {
      }
      %dma_wait3A_115 = arith.constant 0 : i32
      %dma_wait3A_116 = arith.constant 0 : i32
      %dma_wait3A_117 = arith.constant 0 : i32
      %dma_wait3A_118 = tpu.memref_slice %arg6[%dma_wait3A_116, %dma_wait3A_117] : memref<4x256xi32, #tpu.memory_space<vmem>> -> memref<1x256xi32, #tpu.memory_space<vmem>>
      %dma_wait3A_119 = tpu.memref_squeeze %dma_wait3A_118 : memref<1x256xi32, #tpu.memory_space<vmem>> -> memref<256xi32, #tpu.memory_space<vmem>>
      %dma_wait3A_120 = arith.constant 0 : i32
      %dma_wait3A_121 = tpu.memref_slice %arg3[%arg1, %dma_wait3A_115, %dma_wait3A_120] : memref<16x80x256xi32, #tpu.memory_space<hbm>> -> memref<1x1x256xi32, #tpu.memory_space<hbm>>
      %dma_wait3A_122 = tpu.memref_squeeze %dma_wait3A_121 : memref<1x1x256xi32, #tpu.memory_space<hbm>> -> memref<256xi32, #tpu.memory_space<hbm>>
      %dma_wait3A_123 = arith.constant 0 : i32
      %dma_wait3A_124 = tpu.memref_slice %arg6[%dma_wait3A_116, %dma_wait3A_123] : memref<4x256xi32, #tpu.memory_space<vmem>> -> memref<1x256xi32, #tpu.memory_space<vmem>>
      %dma_wait3A_125 = tpu.memref_squeeze %dma_wait3A_124 : memref<1x256xi32, #tpu.memory_space<vmem>> -> memref<256xi32, #tpu.memory_space<vmem>>
      %dma_wait3A_126 = arith.constant 0 : i32
      %dma_wait3A_127 = tpu.memref_slice %arg3[%arg1, %dma_wait3A_115, %dma_wait3A_126] : memref<16x80x256xi32, #tpu.memory_space<hbm>> -> memref<1x1x256xi32, #tpu.memory_space<hbm>>
      %dma_wait3A_128 = tpu.memref_squeeze %dma_wait3A_127 : memref<1x1x256xi32, #tpu.memory_space<hbm>> -> memref<256xi32, #tpu.memory_space<hbm>>
      tpu.wait_dma2 semaphore(%arg12 : memref<!tpu.dma_semaphore, #tpu.memory_space<semaphore_mem>>) src(%dma_wait3A_128 : memref<256xi32, #tpu.memory_space<hbm>>) dst(%dma_wait3A_125 : memref<256xi32, #tpu.memory_space<vmem>>)
      %dma_start3A_129 = arith.constant 0 : i32
      %dma_start3A_130 = arith.constant 0 : i32
      %dma_start3A_131 = tpu.memref_slice %arg6[%dma_start3A_129, %dma_start3A_130] : memref<4x256xi32, #tpu.memory_space<vmem>> -> memref<1x256xi32, #tpu.memory_space<vmem>>
      %dma_start3A_132 = tpu.memref_squeeze %dma_start3A_131 : memref<1x256xi32, #tpu.memory_space<vmem>> -> memref<256xi32, #tpu.memory_space<vmem>>
      %dma_start3A_133 = arith.constant 0 : i32
      %dma_start3A_134 = arith.constant 0 : i32
      %dma_start3A_135 = tpu.memref_slice %arg10[%dma_start3A_133, %dma_start3A_134] : memref<10112x64xf32, #tpu.memory_space<vmem_shared>> -> memref<10112x64xf32, #tpu.memory_space<vmem_shared>>
      tpu.enqueue_indirect_dma source(%dma_start3A_135 : memref<10112x64xf32, #tpu.memory_space<vmem_shared>>) target(%arg8 : memref<256x64xf32, #tpu.memory_space<vmem>>) offsets(%dma_start3A_132 : memref<256xi32, #tpu.memory_space<vmem>>) semaphore(%arg20 : memref<!tpu.dma_semaphore, #tpu.memory_space<semaphore_mem>>)
      %dma_wait3A_136 = arith.constant 0 : i32
      %dma_wait3A_137 = arith.constant 0 : i32
      %dma_wait3A_138 = tpu.memref_slice %arg6[%dma_wait3A_136, %dma_wait3A_137] : memref<4x256xi32, #tpu.memory_space<vmem>> -> memref<1x256xi32, #tpu.memory_space<vmem>>
      %dma_wait3A_139 = tpu.memref_squeeze %dma_wait3A_138 : memref<1x256xi32, #tpu.memory_space<vmem>> -> memref<256xi32, #tpu.memory_space<vmem>>
      %dma_wait3A_140 = arith.constant 0 : i32
      %dma_wait3A_141 = arith.constant 0 : i32
      %dma_wait3A_142 = tpu.memref_slice %arg10[%dma_wait3A_140, %dma_wait3A_141] : memref<10112x64xf32, #tpu.memory_space<vmem_shared>> -> memref<10112x64xf32, #tpu.memory_space<vmem_shared>>
      tpu.wait_indirect_dma semaphore(%arg20 : memref<!tpu.dma_semaphore, #tpu.memory_space<semaphore_mem>>) src(%dma_wait3A_142 : memref<10112x64xf32, #tpu.memory_space<vmem_shared>>) dst(%arg8 : memref<256x64xf32, #tpu.memory_space<vmem>>)
      %add3A_143 = arith.constant 4 : i32
      %add3A_144 = arith.addi %add3A_106, %add3A_143 : i32
      %lt3A_145 = arith.constant 80 : i32
      %lt3A_146 = arith.cmpi slt, %add3A_144, %lt3A_145 : i32
      %convert_element_type3A_147 = arith.extui %lt3A_146 : i1 to i32
      %cond3A_148 = arith.constant 0 : i32
      %cond3A_149 = arith.cmpi ne, %convert_element_type3A_147, %cond3A_148 : i32
      scf.if %cond3A_149 {
        %add3A_391 = arith.constant 4 : i32
        %add3A_392 = arith.addi %add3A_106, %add3A_391 : i32
        %dma_start3A_393 = arith.constant 0 : i32
        %dma_start3A_394 = arith.constant 0 : i32
        %dma_start3A_395 = tpu.memref_slice %arg6[%dma_start3A_393, %dma_start3A_394] : memref<4x256xi32, #tpu.memory_space<vmem>> -> memref<1x256xi32, #tpu.memory_space<vmem>>
        %dma_start3A_396 = tpu.memref_squeeze %dma_start3A_395 : memref<1x256xi32, #tpu.memory_space<vmem>> -> memref<256xi32, #tpu.memory_space<vmem>>
        %dma_start3A_397 = arith.constant 0 : i32
        %dma_start3A_398 = tpu.memref_slice %arg3[%arg1, %add3A_392, %dma_start3A_397] : memref<16x80x256xi32, #tpu.memory_space<hbm>> -> memref<1x1x256xi32, #tpu.memory_space<hbm>>
        %dma_start3A_399 = tpu.memref_squeeze %dma_start3A_398 : memref<1x1x256xi32, #tpu.memory_space<hbm>> -> memref<256xi32, #tpu.memory_space<hbm>>
        %dma_start3A_400 = arith.constant 0 : i32
        %dma_start3A_401 = tpu.memref_slice %arg6[%dma_start3A_393, %dma_start3A_400] : memref<4x256xi32, #tpu.memory_space<vmem>> -> memref<1x256xi32, #tpu.memory_space<vmem>>
        %dma_start3A_402 = tpu.memref_squeeze %dma_start3A_401 : memref<1x256xi32, #tpu.memory_space<vmem>> -> memref<256xi32, #tpu.memory_space<vmem>>
        %dma_start3A_403 = arith.constant 0 : i32
        %dma_start3A_404 = tpu.memref_slice %arg3[%arg1, %add3A_392, %dma_start3A_403] : memref<16x80x256xi32, #tpu.memory_space<hbm>> -> memref<1x1x256xi32, #tpu.memory_space<hbm>>
        %dma_start3A_405 = tpu.memref_squeeze %dma_start3A_404 : memref<1x1x256xi32, #tpu.memory_space<hbm>> -> memref<256xi32, #tpu.memory_space<hbm>>
        tpu.enqueue_dma source(%dma_start3A_405 : memref<256xi32, #tpu.memory_space<hbm>>) target(%dma_start3A_402 : memref<256xi32, #tpu.memory_space<vmem>>) target_semaphore(%arg12 : memref<!tpu.dma_semaphore, #tpu.memory_space<semaphore_mem>>)
      } else {
      }
      %dma_wait3A_150 = arith.constant 0 : i32
      %dma_wait3A_151 = arith.constant 0 : i32
      %dma_wait3A_152 = arith.constant 0 : i32
      %dma_wait3A_153 = tpu.memref_slice %arg7[%dma_wait3A_151, %dma_wait3A_152] : memref<4x256xi32, #tpu.memory_space<vmem>> -> memref<1x256xi32, #tpu.memory_space<vmem>>
      %dma_wait3A_154 = tpu.memref_squeeze %dma_wait3A_153 : memref<1x256xi32, #tpu.memory_space<vmem>> -> memref<256xi32, #tpu.memory_space<vmem>>
      %dma_wait3A_155 = arith.constant 0 : i32
      %dma_wait3A_156 = tpu.memref_slice %arg4[%arg1, %dma_wait3A_150, %dma_wait3A_155] : memref<16x80x256xi32, #tpu.memory_space<hbm>> -> memref<1x1x256xi32, #tpu.memory_space<hbm>>
      %dma_wait3A_157 = tpu.memref_squeeze %dma_wait3A_156 : memref<1x1x256xi32, #tpu.memory_space<hbm>> -> memref<256xi32, #tpu.memory_space<hbm>>
      %dma_wait3A_158 = arith.constant 0 : i32
      %dma_wait3A_159 = tpu.memref_slice %arg7[%dma_wait3A_151, %dma_wait3A_158] : memref<4x256xi32, #tpu.memory_space<vmem>> -> memref<1x256xi32, #tpu.memory_space<vmem>>
      %dma_wait3A_160 = tpu.memref_squeeze %dma_wait3A_159 : memref<1x256xi32, #tpu.memory_space<vmem>> -> memref<256xi32, #tpu.memory_space<vmem>>
      %dma_wait3A_161 = arith.constant 0 : i32
      %dma_wait3A_162 = tpu.memref_slice %arg4[%arg1, %dma_wait3A_150, %dma_wait3A_161] : memref<16x80x256xi32, #tpu.memory_space<hbm>> -> memref<1x1x256xi32, #tpu.memory_space<hbm>>
      %dma_wait3A_163 = tpu.memref_squeeze %dma_wait3A_162 : memref<1x1x256xi32, #tpu.memory_space<hbm>> -> memref<256xi32, #tpu.memory_space<hbm>>
      tpu.wait_dma2 semaphore(%arg16 : memref<!tpu.dma_semaphore, #tpu.memory_space<semaphore_mem>>) src(%dma_wait3A_163 : memref<256xi32, #tpu.memory_space<hbm>>) dst(%dma_wait3A_160 : memref<256xi32, #tpu.memory_space<vmem>>)
      %dma_start3A_164 = arith.constant 0 : i32
      %dma_start3A_165 = arith.constant 0 : i32
      %dma_start3A_166 = tpu.memref_slice %arg7[%dma_start3A_164, %dma_start3A_165] : memref<4x256xi32, #tpu.memory_space<vmem>> -> memref<1x256xi32, #tpu.memory_space<vmem>>
      %dma_start3A_167 = tpu.memref_squeeze %dma_start3A_166 : memref<1x256xi32, #tpu.memory_space<vmem>> -> memref<256xi32, #tpu.memory_space<vmem>>
      %dma_start3A_168 = arith.constant 0 : i32
      %dma_start3A_169 = arith.constant 0 : i32
      %dma_start3A_170 = tpu.memref_slice %arg11[%dma_start3A_168, %dma_start3A_169] : memref<10112x64xf32, #tpu.memory_space<vmem_shared>> -> memref<10112x64xf32, #tpu.memory_space<vmem_shared>>
      tpu.enqueue_indirect_dma source(%arg8 : memref<256x64xf32, #tpu.memory_space<vmem>>) target(%dma_start3A_170 : memref<10112x64xf32, #tpu.memory_space<vmem_shared>>) offsets(%dma_start3A_167 : memref<256xi32, #tpu.memory_space<vmem>>) semaphore(%arg22 : memref<!tpu.dma_semaphore, #tpu.memory_space<semaphore_mem>>) {add = true}
      %mul3A_171 = arith.constant 4 : i32
      %mul3A_172 = arith.muli %mul3A_171, %scan3A_103 : i32
      %add3A_173 = arith.constant 1 : i32
      %add3A_174 = arith.addi %mul3A_172, %add3A_173 : i32
      %gt3A_175 = arith.constant 0 : i32
      %gt3A_176 = arith.cmpi sgt, %scan3A_103, %gt3A_175 : i32
      %convert_element_type3A_177 = arith.extui %gt3A_176 : i1 to i32
      %cond3A_178 = arith.constant 0 : i32
      %cond3A_179 = arith.cmpi ne, %convert_element_type3A_177, %cond3A_178 : i32
      scf.if %cond3A_179 {
        %dma_wait3A_391 = arith.constant 0 : i32
        %dma_wait3A_392 = arith.constant 0 : i32
        %dma_wait3A_393 = tpu.memref_slice %arg7[%dma_wait3A_391, %dma_wait3A_392] : memref<4x256xi32, #tpu.memory_space<vmem>> -> memref<1x256xi32, #tpu.memory_space<vmem>>
        %dma_wait3A_394 = tpu.memref_squeeze %dma_wait3A_393 : memref<1x256xi32, #tpu.memory_space<vmem>> -> memref<256xi32, #tpu.memory_space<vmem>>
        %dma_wait3A_395 = arith.constant 0 : i32
        %dma_wait3A_396 = arith.constant 0 : i32
        %dma_wait3A_397 = tpu.memref_slice %arg11[%dma_wait3A_395, %dma_wait3A_396] : memref<10112x64xf32, #tpu.memory_space<vmem_shared>> -> memref<10112x64xf32, #tpu.memory_space<vmem_shared>>
        tpu.wait_indirect_dma semaphore(%arg23 : memref<!tpu.dma_semaphore, #tpu.memory_space<semaphore_mem>>) src(%arg9 : memref<256x64xf32, #tpu.memory_space<vmem>>) dst(%dma_wait3A_397 : memref<10112x64xf32, #tpu.memory_space<vmem_shared>>)
      } else {
      }
      %add3A_180 = arith.constant 2 : i32
      %add3A_181 = arith.addi %add3A_174, %add3A_180 : i32
      %lt3A_182 = arith.constant 80 : i32
      %lt3A_183 = arith.cmpi slt, %add3A_181, %lt3A_182 : i32
      %convert_element_type3A_184 = arith.extui %lt3A_183 : i1 to i32
      %cond3A_185 = arith.constant 0 : i32
      %cond3A_186 = arith.cmpi ne, %convert_element_type3A_184, %cond3A_185 : i32
      scf.if %cond3A_186 {
        %add3A_391 = arith.constant 2 : i32
        %add3A_392 = arith.addi %add3A_174, %add3A_391 : i32
        %dma_start3A_393 = arith.constant 3 : i32
        %dma_start3A_394 = arith.constant 0 : i32
        %dma_start3A_395 = tpu.memref_slice %arg7[%dma_start3A_393, %dma_start3A_394] : memref<4x256xi32, #tpu.memory_space<vmem>> -> memref<1x256xi32, #tpu.memory_space<vmem>>
        %dma_start3A_396 = tpu.memref_squeeze %dma_start3A_395 : memref<1x256xi32, #tpu.memory_space<vmem>> -> memref<256xi32, #tpu.memory_space<vmem>>
        %dma_start3A_397 = arith.constant 0 : i32
        %dma_start3A_398 = tpu.memref_slice %arg4[%arg1, %add3A_392, %dma_start3A_397] : memref<16x80x256xi32, #tpu.memory_space<hbm>> -> memref<1x1x256xi32, #tpu.memory_space<hbm>>
        %dma_start3A_399 = tpu.memref_squeeze %dma_start3A_398 : memref<1x1x256xi32, #tpu.memory_space<hbm>> -> memref<256xi32, #tpu.memory_space<hbm>>
        %dma_start3A_400 = arith.constant 0 : i32
        %dma_start3A_401 = tpu.memref_slice %arg7[%dma_start3A_393, %dma_start3A_400] : memref<4x256xi32, #tpu.memory_space<vmem>> -> memref<1x256xi32, #tpu.memory_space<vmem>>
        %dma_start3A_402 = tpu.memref_squeeze %dma_start3A_401 : memref<1x256xi32, #tpu.memory_space<vmem>> -> memref<256xi32, #tpu.memory_space<vmem>>
        %dma_start3A_403 = arith.constant 0 : i32
        %dma_start3A_404 = tpu.memref_slice %arg4[%arg1, %add3A_392, %dma_start3A_403] : memref<16x80x256xi32, #tpu.memory_space<hbm>> -> memref<1x1x256xi32, #tpu.memory_space<hbm>>
        %dma_start3A_405 = tpu.memref_squeeze %dma_start3A_404 : memref<1x1x256xi32, #tpu.memory_space<hbm>> -> memref<256xi32, #tpu.memory_space<hbm>>
        tpu.enqueue_dma source(%dma_start3A_405 : memref<256xi32, #tpu.memory_space<hbm>>) target(%dma_start3A_402 : memref<256xi32, #tpu.memory_space<vmem>>) target_semaphore(%arg19 : memref<!tpu.dma_semaphore, #tpu.memory_space<semaphore_mem>>)
      } else {
      }
      %dma_wait3A_187 = arith.constant 0 : i32
      %dma_wait3A_188 = arith.constant 1 : i32
      %dma_wait3A_189 = arith.constant 0 : i32
      %dma_wait3A_190 = tpu.memref_slice %arg6[%dma_wait3A_188, %dma_wait3A_189] : memref<4x256xi32, #tpu.memory_space<vmem>> -> memref<1x256xi32, #tpu.memory_space<vmem>>
      %dma_wait3A_191 = tpu.memref_squeeze %dma_wait3A_190 : memref<1x256xi32, #tpu.memory_space<vmem>> -> memref<256xi32, #tpu.memory_space<vmem>>
      %dma_wait3A_192 = arith.constant 0 : i32
      %dma_wait3A_193 = tpu.memref_slice %arg3[%arg1, %dma_wait3A_187, %dma_wait3A_192] : memref<16x80x256xi32, #tpu.memory_space<hbm>> -> memref<1x1x256xi32, #tpu.memory_space<hbm>>
      %dma_wait3A_194 = tpu.memref_squeeze %dma_wait3A_193 : memref<1x1x256xi32, #tpu.memory_space<hbm>> -> memref<256xi32, #tpu.memory_space<hbm>>
      %dma_wait3A_195 = arith.constant 0 : i32
      %dma_wait3A_196 = tpu.memref_slice %arg6[%dma_wait3A_188, %dma_wait3A_195] : memref<4x256xi32, #tpu.memory_space<vmem>> -> memref<1x256xi32, #tpu.memory_space<vmem>>
      %dma_wait3A_197 = tpu.memref_squeeze %dma_wait3A_196 : memref<1x256xi32, #tpu.memory_space<vmem>> -> memref<256xi32, #tpu.memory_space<vmem>>
      %dma_wait3A_198 = arith.constant 0 : i32
      %dma_wait3A_199 = tpu.memref_slice %arg3[%arg1, %dma_wait3A_187, %dma_wait3A_198] : memref<16x80x256xi32, #tpu.memory_space<hbm>> -> memref<1x1x256xi32, #tpu.memory_space<hbm>>
      %dma_wait3A_200 = tpu.memref_squeeze %dma_wait3A_199 : memref<1x1x256xi32, #tpu.memory_space<hbm>> -> memref<256xi32, #tpu.memory_space<hbm>>
      tpu.wait_dma2 semaphore(%arg13 : memref<!tpu.dma_semaphore, #tpu.memory_space<semaphore_mem>>) src(%dma_wait3A_200 : memref<256xi32, #tpu.memory_space<hbm>>) dst(%dma_wait3A_197 : memref<256xi32, #tpu.memory_space<vmem>>)
      %dma_start3A_201 = arith.constant 1 : i32
      %dma_start3A_202 = arith.constant 0 : i32
      %dma_start3A_203 = tpu.memref_slice %arg6[%dma_start3A_201, %dma_start3A_202] : memref<4x256xi32, #tpu.memory_space<vmem>> -> memref<1x256xi32, #tpu.memory_space<vmem>>
      %dma_start3A_204 = tpu.memref_squeeze %dma_start3A_203 : memref<1x256xi32, #tpu.memory_space<vmem>> -> memref<256xi32, #tpu.memory_space<vmem>>
      %dma_start3A_205 = arith.constant 0 : i32
      %dma_start3A_206 = arith.constant 0 : i32
      %dma_start3A_207 = tpu.memref_slice %arg10[%dma_start3A_205, %dma_start3A_206] : memref<10112x64xf32, #tpu.memory_space<vmem_shared>> -> memref<10112x64xf32, #tpu.memory_space<vmem_shared>>
      tpu.enqueue_indirect_dma source(%dma_start3A_207 : memref<10112x64xf32, #tpu.memory_space<vmem_shared>>) target(%arg9 : memref<256x64xf32, #tpu.memory_space<vmem>>) offsets(%dma_start3A_204 : memref<256xi32, #tpu.memory_space<vmem>>) semaphore(%arg21 : memref<!tpu.dma_semaphore, #tpu.memory_space<semaphore_mem>>)
      %dma_wait3A_208 = arith.constant 1 : i32
      %dma_wait3A_209 = arith.constant 0 : i32
      %dma_wait3A_210 = tpu.memref_slice %arg6[%dma_wait3A_208, %dma_wait3A_209] : memref<4x256xi32, #tpu.memory_space<vmem>> -> memref<1x256xi32, #tpu.memory_space<vmem>>
      %dma_wait3A_211 = tpu.memref_squeeze %dma_wait3A_210 : memref<1x256xi32, #tpu.memory_space<vmem>> -> memref<256xi32, #tpu.memory_space<vmem>>
      %dma_wait3A_212 = arith.constant 0 : i32
      %dma_wait3A_213 = arith.constant 0 : i32
      %dma_wait3A_214 = tpu.memref_slice %arg10[%dma_wait3A_212, %dma_wait3A_213] : memref<10112x64xf32, #tpu.memory_space<vmem_shared>> -> memref<10112x64xf32, #tpu.memory_space<vmem_shared>>
      tpu.wait_indirect_dma semaphore(%arg21 : memref<!tpu.dma_semaphore, #tpu.memory_space<semaphore_mem>>) src(%dma_wait3A_214 : memref<10112x64xf32, #tpu.memory_space<vmem_shared>>) dst(%arg9 : memref<256x64xf32, #tpu.memory_space<vmem>>)
      %add3A_215 = arith.constant 4 : i32
      %add3A_216 = arith.addi %add3A_174, %add3A_215 : i32
      %lt3A_217 = arith.constant 80 : i32
      %lt3A_218 = arith.cmpi slt, %add3A_216, %lt3A_217 : i32
      %convert_element_type3A_219 = arith.extui %lt3A_218 : i1 to i32
      %cond3A_220 = arith.constant 0 : i32
      %cond3A_221 = arith.cmpi ne, %convert_element_type3A_219, %cond3A_220 : i32
      scf.if %cond3A_221 {
        %add3A_391 = arith.constant 4 : i32
        %add3A_392 = arith.addi %add3A_174, %add3A_391 : i32
        %dma_start3A_393 = arith.constant 1 : i32
        %dma_start3A_394 = arith.constant 0 : i32
        %dma_start3A_395 = tpu.memref_slice %arg6[%dma_start3A_393, %dma_start3A_394] : memref<4x256xi32, #tpu.memory_space<vmem>> -> memref<1x256xi32, #tpu.memory_space<vmem>>
        %dma_start3A_396 = tpu.memref_squeeze %dma_start3A_395 : memref<1x256xi32, #tpu.memory_space<vmem>> -> memref<256xi32, #tpu.memory_space<vmem>>
        %dma_start3A_397 = arith.constant 0 : i32
        %dma_start3A_398 = tpu.memref_slice %arg3[%arg1, %add3A_392, %dma_start3A_397] : memref<16x80x256xi32, #tpu.memory_space<hbm>> -> memref<1x1x256xi32, #tpu.memory_space<hbm>>
        %dma_start3A_399 = tpu.memref_squeeze %dma_start3A_398 : memref<1x1x256xi32, #tpu.memory_space<hbm>> -> memref<256xi32, #tpu.memory_space<hbm>>
        %dma_start3A_400 = arith.constant 0 : i32
        %dma_start3A_401 = tpu.memref_slice %arg6[%dma_start3A_393, %dma_start3A_400] : memref<4x256xi32, #tpu.memory_space<vmem>> -> memref<1x256xi32, #tpu.memory_space<vmem>>
        %dma_start3A_402 = tpu.memref_squeeze %dma_start3A_401 : memref<1x256xi32, #tpu.memory_space<vmem>> -> memref<256xi32, #tpu.memory_space<vmem>>
        %dma_start3A_403 = arith.constant 0 : i32
        %dma_start3A_404 = tpu.memref_slice %arg3[%arg1, %add3A_392, %dma_start3A_403] : memref<16x80x256xi32, #tpu.memory_space<hbm>> -> memref<1x1x256xi32, #tpu.memory_space<hbm>>
        %dma_start3A_405 = tpu.memref_squeeze %dma_start3A_404 : memref<1x1x256xi32, #tpu.memory_space<hbm>> -> memref<256xi32, #tpu.memory_space<hbm>>
        tpu.enqueue_dma source(%dma_start3A_405 : memref<256xi32, #tpu.memory_space<hbm>>) target(%dma_start3A_402 : memref<256xi32, #tpu.memory_space<vmem>>) target_semaphore(%arg13 : memref<!tpu.dma_semaphore, #tpu.memory_space<semaphore_mem>>)
      } else {
      }
      %dma_wait3A_222 = arith.constant 0 : i32
      %dma_wait3A_223 = arith.constant 1 : i32
      %dma_wait3A_224 = arith.constant 0 : i32
      %dma_wait3A_225 = tpu.memref_slice %arg7[%dma_wait3A_223, %dma_wait3A_224] : memref<4x256xi32, #tpu.memory_space<vmem>> -> memref<1x256xi32, #tpu.memory_space<vmem>>
      %dma_wait3A_226 = tpu.memref_squeeze %dma_wait3A_225 : memref<1x256xi32, #tpu.memory_space<vmem>> -> memref<256xi32, #tpu.memory_space<vmem>>
      %dma_wait3A_227 = arith.constant 0 : i32
      %dma_wait3A_228 = tpu.memref_slice %arg4[%arg1, %dma_wait3A_222, %dma_wait3A_227] : memref<16x80x256xi32, #tpu.memory_space<hbm>> -> memref<1x1x256xi32, #tpu.memory_space<hbm>>
      %dma_wait3A_229 = tpu.memref_squeeze %dma_wait3A_228 : memref<1x1x256xi32, #tpu.memory_space<hbm>> -> memref<256xi32, #tpu.memory_space<hbm>>
      %dma_wait3A_230 = arith.constant 0 : i32
      %dma_wait3A_231 = tpu.memref_slice %arg7[%dma_wait3A_223, %dma_wait3A_230] : memref<4x256xi32, #tpu.memory_space<vmem>> -> memref<1x256xi32, #tpu.memory_space<vmem>>
      %dma_wait3A_232 = tpu.memref_squeeze %dma_wait3A_231 : memref<1x256xi32, #tpu.memory_space<vmem>> -> memref<256xi32, #tpu.memory_space<vmem>>
      %dma_wait3A_233 = arith.constant 0 : i32
      %dma_wait3A_234 = tpu.memref_slice %arg4[%arg1, %dma_wait3A_222, %dma_wait3A_233] : memref<16x80x256xi32, #tpu.memory_space<hbm>> -> memref<1x1x256xi32, #tpu.memory_space<hbm>>
      %dma_wait3A_235 = tpu.memref_squeeze %dma_wait3A_234 : memref<1x1x256xi32, #tpu.memory_space<hbm>> -> memref<256xi32, #tpu.memory_space<hbm>>
      tpu.wait_dma2 semaphore(%arg17 : memref<!tpu.dma_semaphore, #tpu.memory_space<semaphore_mem>>) src(%dma_wait3A_235 : memref<256xi32, #tpu.memory_space<hbm>>) dst(%dma_wait3A_232 : memref<256xi32, #tpu.memory_space<vmem>>)
      %dma_start3A_236 = arith.constant 1 : i32
      %dma_start3A_237 = arith.constant 0 : i32
      %dma_start3A_238 = tpu.memref_slice %arg7[%dma_start3A_236, %dma_start3A_237] : memref<4x256xi32, #tpu.memory_space<vmem>> -> memref<1x256xi32, #tpu.memory_space<vmem>>
      %dma_start3A_239 = tpu.memref_squeeze %dma_start3A_238 : memref<1x256xi32, #tpu.memory_space<vmem>> -> memref<256xi32, #tpu.memory_space<vmem>>
      %dma_start3A_240 = arith.constant 0 : i32
      %dma_start3A_241 = arith.constant 0 : i32
      %dma_start3A_242 = tpu.memref_slice %arg11[%dma_start3A_240, %dma_start3A_241] : memref<10112x64xf32, #tpu.memory_space<vmem_shared>> -> memref<10112x64xf32, #tpu.memory_space<vmem_shared>>
      tpu.enqueue_indirect_dma source(%arg9 : memref<256x64xf32, #tpu.memory_space<vmem>>) target(%dma_start3A_242 : memref<10112x64xf32, #tpu.memory_space<vmem_shared>>) offsets(%dma_start3A_239 : memref<256xi32, #tpu.memory_space<vmem>>) semaphore(%arg23 : memref<!tpu.dma_semaphore, #tpu.memory_space<semaphore_mem>>) {add = true}
      %mul3A_243 = arith.constant 4 : i32
      %mul3A_244 = arith.muli %mul3A_243, %scan3A_103 : i32
      %add3A_245 = arith.constant 2 : i32
      %add3A_246 = arith.addi %mul3A_244, %add3A_245 : i32
      %dma_wait3A_247 = arith.constant 0 : i32
      %dma_wait3A_248 = arith.constant 0 : i32
      %dma_wait3A_249 = tpu.memref_slice %arg7[%dma_wait3A_247, %dma_wait3A_248] : memref<4x256xi32, #tpu.memory_space<vmem>> -> memref<1x256xi32, #tpu.memory_space<vmem>>
      %dma_wait3A_250 = tpu.memref_squeeze %dma_wait3A_249 : memref<1x256xi32, #tpu.memory_space<vmem>> -> memref<256xi32, #tpu.memory_space<vmem>>
      %dma_wait3A_251 = arith.constant 0 : i32
      %dma_wait3A_252 = arith.constant 0 : i32
      %dma_wait3A_253 = tpu.memref_slice %arg11[%dma_wait3A_251, %dma_wait3A_252] : memref<10112x64xf32, #tpu.memory_space<vmem_shared>> -> memref<10112x64xf32, #tpu.memory_space<vmem_shared>>
      tpu.wait_indirect_dma semaphore(%arg22 : memref<!tpu.dma_semaphore, #tpu.memory_space<semaphore_mem>>) src(%arg8 : memref<256x64xf32, #tpu.memory_space<vmem>>) dst(%dma_wait3A_253 : memref<10112x64xf32, #tpu.memory_space<vmem_shared>>)
      %add3A_254 = arith.constant 2 : i32
      %add3A_255 = arith.addi %add3A_246, %add3A_254 : i32
      %lt3A_256 = arith.constant 80 : i32
      %lt3A_257 = arith.cmpi slt, %add3A_255, %lt3A_256 : i32
      %convert_element_type3A_258 = arith.extui %lt3A_257 : i1 to i32
      %cond3A_259 = arith.constant 0 : i32
      %cond3A_260 = arith.cmpi ne, %convert_element_type3A_258, %cond3A_259 : i32
      scf.if %cond3A_260 {
        %add3A_391 = arith.constant 2 : i32
        %add3A_392 = arith.addi %add3A_246, %add3A_391 : i32
        %dma_start3A_393 = arith.constant 0 : i32
        %dma_start3A_394 = arith.constant 0 : i32
        %dma_start3A_395 = tpu.memref_slice %arg7[%dma_start3A_393, %dma_start3A_394] : memref<4x256xi32, #tpu.memory_space<vmem>> -> memref<1x256xi32, #tpu.memory_space<vmem>>
        %dma_start3A_396 = tpu.memref_squeeze %dma_start3A_395 : memref<1x256xi32, #tpu.memory_space<vmem>> -> memref<256xi32, #tpu.memory_space<vmem>>
        %dma_start3A_397 = arith.constant 0 : i32
        %dma_start3A_398 = tpu.memref_slice %arg4[%arg1, %add3A_392, %dma_start3A_397] : memref<16x80x256xi32, #tpu.memory_space<hbm>> -> memref<1x1x256xi32, #tpu.memory_space<hbm>>
        %dma_start3A_399 = tpu.memref_squeeze %dma_start3A_398 : memref<1x1x256xi32, #tpu.memory_space<hbm>> -> memref<256xi32, #tpu.memory_space<hbm>>
        %dma_start3A_400 = arith.constant 0 : i32
        %dma_start3A_401 = tpu.memref_slice %arg7[%dma_start3A_393, %dma_start3A_400] : memref<4x256xi32, #tpu.memory_space<vmem>> -> memref<1x256xi32, #tpu.memory_space<vmem>>
        %dma_start3A_402 = tpu.memref_squeeze %dma_start3A_401 : memref<1x256xi32, #tpu.memory_space<vmem>> -> memref<256xi32, #tpu.memory_space<vmem>>
        %dma_start3A_403 = arith.constant 0 : i32
        %dma_start3A_404 = tpu.memref_slice %arg4[%arg1, %add3A_392, %dma_start3A_403] : memref<16x80x256xi32, #tpu.memory_space<hbm>> -> memref<1x1x256xi32, #tpu.memory_space<hbm>>
        %dma_start3A_405 = tpu.memref_squeeze %dma_start3A_404 : memref<1x1x256xi32, #tpu.memory_space<hbm>> -> memref<256xi32, #tpu.memory_space<hbm>>
        tpu.enqueue_dma source(%dma_start3A_405 : memref<256xi32, #tpu.memory_space<hbm>>) target(%dma_start3A_402 : memref<256xi32, #tpu.memory_space<vmem>>) target_semaphore(%arg16 : memref<!tpu.dma_semaphore, #tpu.memory_space<semaphore_mem>>)
      } else {
      }
      %dma_wait3A_261 = arith.constant 0 : i32
      %dma_wait3A_262 = arith.constant 2 : i32
      %dma_wait3A_263 = arith.constant 0 : i32
      %dma_wait3A_264 = tpu.memref_slice %arg6[%dma_wait3A_262, %dma_wait3A_263] : memref<4x256xi32, #tpu.memory_space<vmem>> -> memref<1x256xi32, #tpu.memory_space<vmem>>
      %dma_wait3A_265 = tpu.memref_squeeze %dma_wait3A_264 : memref<1x256xi32, #tpu.memory_space<vmem>> -> memref<256xi32, #tpu.memory_space<vmem>>
      %dma_wait3A_266 = arith.constant 0 : i32
      %dma_wait3A_267 = tpu.memref_slice %arg3[%arg1, %dma_wait3A_261, %dma_wait3A_266] : memref<16x80x256xi32, #tpu.memory_space<hbm>> -> memref<1x1x256xi32, #tpu.memory_space<hbm>>
      %dma_wait3A_268 = tpu.memref_squeeze %dma_wait3A_267 : memref<1x1x256xi32, #tpu.memory_space<hbm>> -> memref<256xi32, #tpu.memory_space<hbm>>
      %dma_wait3A_269 = arith.constant 0 : i32
      %dma_wait3A_270 = tpu.memref_slice %arg6[%dma_wait3A_262, %dma_wait3A_269] : memref<4x256xi32, #tpu.memory_space<vmem>> -> memref<1x256xi32, #tpu.memory_space<vmem>>
      %dma_wait3A_271 = tpu.memref_squeeze %dma_wait3A_270 : memref<1x256xi32, #tpu.memory_space<vmem>> -> memref<256xi32, #tpu.memory_space<vmem>>
      %dma_wait3A_272 = arith.constant 0 : i32
      %dma_wait3A_273 = tpu.memref_slice %arg3[%arg1, %dma_wait3A_261, %dma_wait3A_272] : memref<16x80x256xi32, #tpu.memory_space<hbm>> -> memref<1x1x256xi32, #tpu.memory_space<hbm>>
      %dma_wait3A_274 = tpu.memref_squeeze %dma_wait3A_273 : memref<1x1x256xi32, #tpu.memory_space<hbm>> -> memref<256xi32, #tpu.memory_space<hbm>>
      tpu.wait_dma2 semaphore(%arg14 : memref<!tpu.dma_semaphore, #tpu.memory_space<semaphore_mem>>) src(%dma_wait3A_274 : memref<256xi32, #tpu.memory_space<hbm>>) dst(%dma_wait3A_271 : memref<256xi32, #tpu.memory_space<vmem>>)
      %dma_start3A_275 = arith.constant 2 : i32
      %dma_start3A_276 = arith.constant 0 : i32
      %dma_start3A_277 = tpu.memref_slice %arg6[%dma_start3A_275, %dma_start3A_276] : memref<4x256xi32, #tpu.memory_space<vmem>> -> memref<1x256xi32, #tpu.memory_space<vmem>>
      %dma_start3A_278 = tpu.memref_squeeze %dma_start3A_277 : memref<1x256xi32, #tpu.memory_space<vmem>> -> memref<256xi32, #tpu.memory_space<vmem>>
      %dma_start3A_279 = arith.constant 0 : i32
      %dma_start3A_280 = arith.constant 0 : i32
      %dma_start3A_281 = tpu.memref_slice %arg10[%dma_start3A_279, %dma_start3A_280] : memref<10112x64xf32, #tpu.memory_space<vmem_shared>> -> memref<10112x64xf32, #tpu.memory_space<vmem_shared>>
      tpu.enqueue_indirect_dma source(%dma_start3A_281 : memref<10112x64xf32, #tpu.memory_space<vmem_shared>>) target(%arg8 : memref<256x64xf32, #tpu.memory_space<vmem>>) offsets(%dma_start3A_278 : memref<256xi32, #tpu.memory_space<vmem>>) semaphore(%arg20 : memref<!tpu.dma_semaphore, #tpu.memory_space<semaphore_mem>>)
      %dma_wait3A_282 = arith.constant 2 : i32
      %dma_wait3A_283 = arith.constant 0 : i32
      %dma_wait3A_284 = tpu.memref_slice %arg6[%dma_wait3A_282, %dma_wait3A_283] : memref<4x256xi32, #tpu.memory_space<vmem>> -> memref<1x256xi32, #tpu.memory_space<vmem>>
      %dma_wait3A_285 = tpu.memref_squeeze %dma_wait3A_284 : memref<1x256xi32, #tpu.memory_space<vmem>> -> memref<256xi32, #tpu.memory_space<vmem>>
      %dma_wait3A_286 = arith.constant 0 : i32
      %dma_wait3A_287 = arith.constant 0 : i32
      %dma_wait3A_288 = tpu.memref_slice %arg10[%dma_wait3A_286, %dma_wait3A_287] : memref<10112x64xf32, #tpu.memory_space<vmem_shared>> -> memref<10112x64xf32, #tpu.memory_space<vmem_shared>>
      tpu.wait_indirect_dma semaphore(%arg20 : memref<!tpu.dma_semaphore, #tpu.memory_space<semaphore_mem>>) src(%dma_wait3A_288 : memref<10112x64xf32, #tpu.memory_space<vmem_shared>>) dst(%arg8 : memref<256x64xf32, #tpu.memory_space<vmem>>)
      %add3A_289 = arith.constant 4 : i32
      %add3A_290 = arith.addi %add3A_246, %add3A_289 : i32
      %lt3A_291 = arith.constant 80 : i32
      %lt3A_292 = arith.cmpi slt, %add3A_290, %lt3A_291 : i32
      %convert_element_type3A_293 = arith.extui %lt3A_292 : i1 to i32
      %cond3A_294 = arith.constant 0 : i32
      %cond3A_295 = arith.cmpi ne, %convert_element_type3A_293, %cond3A_294 : i32
      scf.if %cond3A_295 {
        %add3A_391 = arith.constant 4 : i32
        %add3A_392 = arith.addi %add3A_246, %add3A_391 : i32
        %dma_start3A_393 = arith.constant 2 : i32
        %dma_start3A_394 = arith.constant 0 : i32
        %dma_start3A_395 = tpu.memref_slice %arg6[%dma_start3A_393, %dma_start3A_394] : memref<4x256xi32, #tpu.memory_space<vmem>> -> memref<1x256xi32, #tpu.memory_space<vmem>>
        %dma_start3A_396 = tpu.memref_squeeze %dma_start3A_395 : memref<1x256xi32, #tpu.memory_space<vmem>> -> memref<256xi32, #tpu.memory_space<vmem>>
        %dma_start3A_397 = arith.constant 0 : i32
        %dma_start3A_398 = tpu.memref_slice %arg3[%arg1, %add3A_392, %dma_start3A_397] : memref<16x80x256xi32, #tpu.memory_space<hbm>> -> memref<1x1x256xi32, #tpu.memory_space<hbm>>
        %dma_start3A_399 = tpu.memref_squeeze %dma_start3A_398 : memref<1x1x256xi32, #tpu.memory_space<hbm>> -> memref<256xi32, #tpu.memory_space<hbm>>
        %dma_start3A_400 = arith.constant 0 : i32
        %dma_start3A_401 = tpu.memref_slice %arg6[%dma_start3A_393, %dma_start3A_400] : memref<4x256xi32, #tpu.memory_space<vmem>> -> memref<1x256xi32, #tpu.memory_space<vmem>>
        %dma_start3A_402 = tpu.memref_squeeze %dma_start3A_401 : memref<1x256xi32, #tpu.memory_space<vmem>> -> memref<256xi32, #tpu.memory_space<vmem>>
        %dma_start3A_403 = arith.constant 0 : i32
        %dma_start3A_404 = tpu.memref_slice %arg3[%arg1, %add3A_392, %dma_start3A_403] : memref<16x80x256xi32, #tpu.memory_space<hbm>> -> memref<1x1x256xi32, #tpu.memory_space<hbm>>
        %dma_start3A_405 = tpu.memref_squeeze %dma_start3A_404 : memref<1x1x256xi32, #tpu.memory_space<hbm>> -> memref<256xi32, #tpu.memory_space<hbm>>
        tpu.enqueue_dma source(%dma_start3A_405 : memref<256xi32, #tpu.memory_space<hbm>>) target(%dma_start3A_402 : memref<256xi32, #tpu.memory_space<vmem>>) target_semaphore(%arg14 : memref<!tpu.dma_semaphore, #tpu.memory_space<semaphore_mem>>)
      } else {
      }
      %dma_wait3A_296 = arith.constant 0 : i32
      %dma_wait3A_297 = arith.constant 2 : i32
      %dma_wait3A_298 = arith.constant 0 : i32
      %dma_wait3A_299 = tpu.memref_slice %arg7[%dma_wait3A_297, %dma_wait3A_298] : memref<4x256xi32, #tpu.memory_space<vmem>> -> memref<1x256xi32, #tpu.memory_space<vmem>>
      %dma_wait3A_300 = tpu.memref_squeeze %dma_wait3A_299 : memref<1x256xi32, #tpu.memory_space<vmem>> -> memref<256xi32, #tpu.memory_space<vmem>>
      %dma_wait3A_301 = arith.constant 0 : i32
      %dma_wait3A_302 = tpu.memref_slice %arg4[%arg1, %dma_wait3A_296, %dma_wait3A_301] : memref<16x80x256xi32, #tpu.memory_space<hbm>> -> memref<1x1x256xi32, #tpu.memory_space<hbm>>
      %dma_wait3A_303 = tpu.memref_squeeze %dma_wait3A_302 : memref<1x1x256xi32, #tpu.memory_space<hbm>> -> memref<256xi32, #tpu.memory_space<hbm>>
      %dma_wait3A_304 = arith.constant 0 : i32
      %dma_wait3A_305 = tpu.memref_slice %arg7[%dma_wait3A_297, %dma_wait3A_304] : memref<4x256xi32, #tpu.memory_space<vmem>> -> memref<1x256xi32, #tpu.memory_space<vmem>>
      %dma_wait3A_306 = tpu.memref_squeeze %dma_wait3A_305 : memref<1x256xi32, #tpu.memory_space<vmem>> -> memref<256xi32, #tpu.memory_space<vmem>>
      %dma_wait3A_307 = arith.constant 0 : i32
      %dma_wait3A_308 = tpu.memref_slice %arg4[%arg1, %dma_wait3A_296, %dma_wait3A_307] : memref<16x80x256xi32, #tpu.memory_space<hbm>> -> memref<1x1x256xi32, #tpu.memory_space<hbm>>
      %dma_wait3A_309 = tpu.memref_squeeze %dma_wait3A_308 : memref<1x1x256xi32, #tpu.memory_space<hbm>> -> memref<256xi32, #tpu.memory_space<hbm>>
      tpu.wait_dma2 semaphore(%arg18 : memref<!tpu.dma_semaphore, #tpu.memory_space<semaphore_mem>>) src(%dma_wait3A_309 : memref<256xi32, #tpu.memory_space<hbm>>) dst(%dma_wait3A_306 : memref<256xi32, #tpu.memory_space<vmem>>)
      %dma_start3A_310 = arith.constant 2 : i32
      %dma_start3A_311 = arith.constant 0 : i32
      %dma_start3A_312 = tpu.memref_slice %arg7[%dma_start3A_310, %dma_start3A_311] : memref<4x256xi32, #tpu.memory_space<vmem>> -> memref<1x256xi32, #tpu.memory_space<vmem>>
      %dma_start3A_313 = tpu.memref_squeeze %dma_start3A_312 : memref<1x256xi32, #tpu.memory_space<vmem>> -> memref<256xi32, #tpu.memory_space<vmem>>
      %dma_start3A_314 = arith.constant 0 : i32
      %dma_start3A_315 = arith.constant 0 : i32
      %dma_start3A_316 = tpu.memref_slice %arg11[%dma_start3A_314, %dma_start3A_315] : memref<10112x64xf32, #tpu.memory_space<vmem_shared>> -> memref<10112x64xf32, #tpu.memory_space<vmem_shared>>
      tpu.enqueue_indirect_dma source(%arg8 : memref<256x64xf32, #tpu.memory_space<vmem>>) target(%dma_start3A_316 : memref<10112x64xf32, #tpu.memory_space<vmem_shared>>) offsets(%dma_start3A_313 : memref<256xi32, #tpu.memory_space<vmem>>) semaphore(%arg22 : memref<!tpu.dma_semaphore, #tpu.memory_space<semaphore_mem>>) {add = true}
      %mul3A_317 = arith.constant 4 : i32
      %mul3A_318 = arith.muli %mul3A_317, %scan3A_103 : i32
      %add3A_319 = arith.constant 3 : i32
      %add3A_320 = arith.addi %mul3A_318, %add3A_319 : i32
      %dma_wait3A_321 = arith.constant 0 : i32
      %dma_wait3A_322 = arith.constant 0 : i32
      %dma_wait3A_323 = tpu.memref_slice %arg7[%dma_wait3A_321, %dma_wait3A_322] : memref<4x256xi32, #tpu.memory_space<vmem>> -> memref<1x256xi32, #tpu.memory_space<vmem>>
      %dma_wait3A_324 = tpu.memref_squeeze %dma_wait3A_323 : memref<1x256xi32, #tpu.memory_space<vmem>> -> memref<256xi32, #tpu.memory_space<vmem>>
      %dma_wait3A_325 = arith.constant 0 : i32
      %dma_wait3A_326 = arith.constant 0 : i32
      %dma_wait3A_327 = tpu.memref_slice %arg11[%dma_wait3A_325, %dma_wait3A_326] : memref<10112x64xf32, #tpu.memory_space<vmem_shared>> -> memref<10112x64xf32, #tpu.memory_space<vmem_shared>>
      tpu.wait_indirect_dma semaphore(%arg23 : memref<!tpu.dma_semaphore, #tpu.memory_space<semaphore_mem>>) src(%arg9 : memref<256x64xf32, #tpu.memory_space<vmem>>) dst(%dma_wait3A_327 : memref<10112x64xf32, #tpu.memory_space<vmem_shared>>)
      %add3A_328 = arith.constant 2 : i32
      %add3A_329 = arith.addi %add3A_320, %add3A_328 : i32
      %lt3A_330 = arith.constant 80 : i32
      %lt3A_331 = arith.cmpi slt, %add3A_329, %lt3A_330 : i32
      %convert_element_type3A_332 = arith.extui %lt3A_331 : i1 to i32
      %cond3A_333 = arith.constant 0 : i32
      %cond3A_334 = arith.cmpi ne, %convert_element_type3A_332, %cond3A_333 : i32
      scf.if %cond3A_334 {
        %add3A_391 = arith.constant 2 : i32
        %add3A_392 = arith.addi %add3A_320, %add3A_391 : i32
        %dma_start3A_393 = arith.constant 1 : i32
        %dma_start3A_394 = arith.constant 0 : i32
        %dma_start3A_395 = tpu.memref_slice %arg7[%dma_start3A_393, %dma_start3A_394] : memref<4x256xi32, #tpu.memory_space<vmem>> -> memref<1x256xi32, #tpu.memory_space<vmem>>
        %dma_start3A_396 = tpu.memref_squeeze %dma_start3A_395 : memref<1x256xi32, #tpu.memory_space<vmem>> -> memref<256xi32, #tpu.memory_space<vmem>>
        %dma_start3A_397 = arith.constant 0 : i32
        %dma_start3A_398 = tpu.memref_slice %arg4[%arg1, %add3A_392, %dma_start3A_397] : memref<16x80x256xi32, #tpu.memory_space<hbm>> -> memref<1x1x256xi32, #tpu.memory_space<hbm>>
        %dma_start3A_399 = tpu.memref_squeeze %dma_start3A_398 : memref<1x1x256xi32, #tpu.memory_space<hbm>> -> memref<256xi32, #tpu.memory_space<hbm>>
        %dma_start3A_400 = arith.constant 0 : i32
        %dma_start3A_401 = tpu.memref_slice %arg7[%dma_start3A_393, %dma_start3A_400] : memref<4x256xi32, #tpu.memory_space<vmem>> -> memref<1x256xi32, #tpu.memory_space<vmem>>
        %dma_start3A_402 = tpu.memref_squeeze %dma_start3A_401 : memref<1x256xi32, #tpu.memory_space<vmem>> -> memref<256xi32, #tpu.memory_space<vmem>>
        %dma_start3A_403 = arith.constant 0 : i32
        %dma_start3A_404 = tpu.memref_slice %arg4[%arg1, %add3A_392, %dma_start3A_403] : memref<16x80x256xi32, #tpu.memory_space<hbm>> -> memref<1x1x256xi32, #tpu.memory_space<hbm>>
        %dma_start3A_405 = tpu.memref_squeeze %dma_start3A_404 : memref<1x1x256xi32, #tpu.memory_space<hbm>> -> memref<256xi32, #tpu.memory_space<hbm>>
        tpu.enqueue_dma source(%dma_start3A_405 : memref<256xi32, #tpu.memory_space<hbm>>) target(%dma_start3A_402 : memref<256xi32, #tpu.memory_space<vmem>>) target_semaphore(%arg17 : memref<!tpu.dma_semaphore, #tpu.memory_space<semaphore_mem>>)
      } else {
      }
      %dma_wait3A_335 = arith.constant 0 : i32
      %dma_wait3A_336 = arith.constant 3 : i32
      %dma_wait3A_337 = arith.constant 0 : i32
      %dma_wait3A_338 = tpu.memref_slice %arg6[%dma_wait3A_336, %dma_wait3A_337] : memref<4x256xi32, #tpu.memory_space<vmem>> -> memref<1x256xi32, #tpu.memory_space<vmem>>
      %dma_wait3A_339 = tpu.memref_squeeze %dma_wait3A_338 : memref<1x256xi32, #tpu.memory_space<vmem>> -> memref<256xi32, #tpu.memory_space<vmem>>
      %dma_wait3A_340 = arith.constant 0 : i32
      %dma_wait3A_341 = tpu.memref_slice %arg3[%arg1, %dma_wait3A_335, %dma_wait3A_340] : memref<16x80x256xi32, #tpu.memory_space<hbm>> -> memref<1x1x256xi32, #tpu.memory_space<hbm>>
      %dma_wait3A_342 = tpu.memref_squeeze %dma_wait3A_341 : memref<1x1x256xi32, #tpu.memory_space<hbm>> -> memref<256xi32, #tpu.memory_space<hbm>>
      %dma_wait3A_343 = arith.constant 0 : i32
      %dma_wait3A_344 = tpu.memref_slice %arg6[%dma_wait3A_336, %dma_wait3A_343] : memref<4x256xi32, #tpu.memory_space<vmem>> -> memref<1x256xi32, #tpu.memory_space<vmem>>
      %dma_wait3A_345 = tpu.memref_squeeze %dma_wait3A_344 : memref<1x256xi32, #tpu.memory_space<vmem>> -> memref<256xi32, #tpu.memory_space<vmem>>
      %dma_wait3A_346 = arith.constant 0 : i32
      %dma_wait3A_347 = tpu.memref_slice %arg3[%arg1, %dma_wait3A_335, %dma_wait3A_346] : memref<16x80x256xi32, #tpu.memory_space<hbm>> -> memref<1x1x256xi32, #tpu.memory_space<hbm>>
      %dma_wait3A_348 = tpu.memref_squeeze %dma_wait3A_347 : memref<1x1x256xi32, #tpu.memory_space<hbm>> -> memref<256xi32, #tpu.memory_space<hbm>>
      tpu.wait_dma2 semaphore(%arg15 : memref<!tpu.dma_semaphore, #tpu.memory_space<semaphore_mem>>) src(%dma_wait3A_348 : memref<256xi32, #tpu.memory_space<hbm>>) dst(%dma_wait3A_345 : memref<256xi32, #tpu.memory_space<vmem>>)
      %dma_start3A_349 = arith.constant 3 : i32
      %dma_start3A_350 = arith.constant 0 : i32
      %dma_start3A_351 = tpu.memref_slice %arg6[%dma_start3A_349, %dma_start3A_350] : memref<4x256xi32, #tpu.memory_space<vmem>> -> memref<1x256xi32, #tpu.memory_space<vmem>>
      %dma_start3A_352 = tpu.memref_squeeze %dma_start3A_351 : memref<1x256xi32, #tpu.memory_space<vmem>> -> memref<256xi32, #tpu.memory_space<vmem>>
      %dma_start3A_353 = arith.constant 0 : i32
      %dma_start3A_354 = arith.constant 0 : i32
      %dma_start3A_355 = tpu.memref_slice %arg10[%dma_start3A_353, %dma_start3A_354] : memref<10112x64xf32, #tpu.memory_space<vmem_shared>> -> memref<10112x64xf32, #tpu.memory_space<vmem_shared>>
      tpu.enqueue_indirect_dma source(%dma_start3A_355 : memref<10112x64xf32, #tpu.memory_space<vmem_shared>>) target(%arg9 : memref<256x64xf32, #tpu.memory_space<vmem>>) offsets(%dma_start3A_352 : memref<256xi32, #tpu.memory_space<vmem>>) semaphore(%arg21 : memref<!tpu.dma_semaphore, #tpu.memory_space<semaphore_mem>>)
      %dma_wait3A_356 = arith.constant 3 : i32
      %dma_wait3A_357 = arith.constant 0 : i32
      %dma_wait3A_358 = tpu.memref_slice %arg6[%dma_wait3A_356, %dma_wait3A_357] : memref<4x256xi32, #tpu.memory_space<vmem>> -> memref<1x256xi32, #tpu.memory_space<vmem>>
      %dma_wait3A_359 = tpu.memref_squeeze %dma_wait3A_358 : memref<1x256xi32, #tpu.memory_space<vmem>> -> memref<256xi32, #tpu.memory_space<vmem>>
      %dma_wait3A_360 = arith.constant 0 : i32
      %dma_wait3A_361 = arith.constant 0 : i32
      %dma_wait3A_362 = tpu.memref_slice %arg10[%dma_wait3A_360, %dma_wait3A_361] : memref<10112x64xf32, #tpu.memory_space<vmem_shared>> -> memref<10112x64xf32, #tpu.memory_space<vmem_shared>>
      tpu.wait_indirect_dma semaphore(%arg21 : memref<!tpu.dma_semaphore, #tpu.memory_space<semaphore_mem>>) src(%dma_wait3A_362 : memref<10112x64xf32, #tpu.memory_space<vmem_shared>>) dst(%arg9 : memref<256x64xf32, #tpu.memory_space<vmem>>)
      %add3A_363 = arith.constant 4 : i32
      %add3A_364 = arith.addi %add3A_320, %add3A_363 : i32
      %lt3A_365 = arith.constant 80 : i32
      %lt3A_366 = arith.cmpi slt, %add3A_364, %lt3A_365 : i32
      %convert_element_type3A_367 = arith.extui %lt3A_366 : i1 to i32
      %cond3A_368 = arith.constant 0 : i32
      %cond3A_369 = arith.cmpi ne, %convert_element_type3A_367, %cond3A_368 : i32
      scf.if %cond3A_369 {
        %add3A_391 = arith.constant 4 : i32
        %add3A_392 = arith.addi %add3A_320, %add3A_391 : i32
        %dma_start3A_393 = arith.constant 3 : i32
        %dma_start3A_394 = arith.constant 0 : i32
        %dma_start3A_395 = tpu.memref_slice %arg6[%dma_start3A_393, %dma_start3A_394] : memref<4x256xi32, #tpu.memory_space<vmem>> -> memref<1x256xi32, #tpu.memory_space<vmem>>
        %dma_start3A_396 = tpu.memref_squeeze %dma_start3A_395 : memref<1x256xi32, #tpu.memory_space<vmem>> -> memref<256xi32, #tpu.memory_space<vmem>>
        %dma_start3A_397 = arith.constant 0 : i32
        %dma_start3A_398 = tpu.memref_slice %arg3[%arg1, %add3A_392, %dma_start3A_397] : memref<16x80x256xi32, #tpu.memory_space<hbm>> -> memref<1x1x256xi32, #tpu.memory_space<hbm>>
        %dma_start3A_399 = tpu.memref_squeeze %dma_start3A_398 : memref<1x1x256xi32, #tpu.memory_space<hbm>> -> memref<256xi32, #tpu.memory_space<hbm>>
        %dma_start3A_400 = arith.constant 0 : i32
        %dma_start3A_401 = tpu.memref_slice %arg6[%dma_start3A_393, %dma_start3A_400] : memref<4x256xi32, #tpu.memory_space<vmem>> -> memref<1x256xi32, #tpu.memory_space<vmem>>
        %dma_start3A_402 = tpu.memref_squeeze %dma_start3A_401 : memref<1x256xi32, #tpu.memory_space<vmem>> -> memref<256xi32, #tpu.memory_space<vmem>>
        %dma_start3A_403 = arith.constant 0 : i32
        %dma_start3A_404 = tpu.memref_slice %arg3[%arg1, %add3A_392, %dma_start3A_403] : memref<16x80x256xi32, #tpu.memory_space<hbm>> -> memref<1x1x256xi32, #tpu.memory_space<hbm>>
        %dma_start3A_405 = tpu.memref_squeeze %dma_start3A_404 : memref<1x1x256xi32, #tpu.memory_space<hbm>> -> memref<256xi32, #tpu.memory_space<hbm>>
        tpu.enqueue_dma source(%dma_start3A_405 : memref<256xi32, #tpu.memory_space<hbm>>) target(%dma_start3A_402 : memref<256xi32, #tpu.memory_space<vmem>>) target_semaphore(%arg15 : memref<!tpu.dma_semaphore, #tpu.memory_space<semaphore_mem>>)
      } else {
      }
      %dma_wait3A_370 = arith.constant 0 : i32
      %dma_wait3A_371 = arith.constant 3 : i32
      %dma_wait3A_372 = arith.constant 0 : i32
      %dma_wait3A_373 = tpu.memref_slice %arg7[%dma_wait3A_371, %dma_wait3A_372] : memref<4x256xi32, #tpu.memory_space<vmem>> -> memref<1x256xi32, #tpu.memory_space<vmem>>
      %dma_wait3A_374 = tpu.memref_squeeze %dma_wait3A_373 : memref<1x256xi32, #tpu.memory_space<vmem>> -> memref<256xi32, #tpu.memory_space<vmem>>
      %dma_wait3A_375 = arith.constant 0 : i32
      %dma_wait3A_376 = tpu.memref_slice %arg4[%arg1, %dma_wait3A_370, %dma_wait3A_375] : memref<16x80x256xi32, #tpu.memory_space<hbm>> -> memref<1x1x256xi32, #tpu.memory_space<hbm>>
      %dma_wait3A_377 = tpu.memref_squeeze %dma_wait3A_376 : memref<1x1x256xi32, #tpu.memory_space<hbm>> -> memref<256xi32, #tpu.memory_space<hbm>>
      %dma_wait3A_378 = arith.constant 0 : i32
      %dma_wait3A_379 = tpu.memref_slice %arg7[%dma_wait3A_371, %dma_wait3A_378] : memref<4x256xi32, #tpu.memory_space<vmem>> -> memref<1x256xi32, #tpu.memory_space<vmem>>
      %dma_wait3A_380 = tpu.memref_squeeze %dma_wait3A_379 : memref<1x256xi32, #tpu.memory_space<vmem>> -> memref<256xi32, #tpu.memory_space<vmem>>
      %dma_wait3A_381 = arith.constant 0 : i32
      %dma_wait3A_382 = tpu.memref_slice %arg4[%arg1, %dma_wait3A_370, %dma_wait3A_381] : memref<16x80x256xi32, #tpu.memory_space<hbm>> -> memref<1x1x256xi32, #tpu.memory_space<hbm>>
      %dma_wait3A_383 = tpu.memref_squeeze %dma_wait3A_382 : memref<1x1x256xi32, #tpu.memory_space<hbm>> -> memref<256xi32, #tpu.memory_space<hbm>>
      tpu.wait_dma2 semaphore(%arg19 : memref<!tpu.dma_semaphore, #tpu.memory_space<semaphore_mem>>) src(%dma_wait3A_383 : memref<256xi32, #tpu.memory_space<hbm>>) dst(%dma_wait3A_380 : memref<256xi32, #tpu.memory_space<vmem>>)
      %dma_start3A_384 = arith.constant 3 : i32
      %dma_start3A_385 = arith.constant 0 : i32
      %dma_start3A_386 = tpu.memref_slice %arg7[%dma_start3A_384, %dma_start3A_385] : memref<4x256xi32, #tpu.memory_space<vmem>> -> memref<1x256xi32, #tpu.memory_space<vmem>>
      %dma_start3A_387 = tpu.memref_squeeze %dma_start3A_386 : memref<1x256xi32, #tpu.memory_space<vmem>> -> memref<256xi32, #tpu.memory_space<vmem>>
      %dma_start3A_388 = arith.constant 0 : i32
      %dma_start3A_389 = arith.constant 0 : i32
      %dma_start3A_390 = tpu.memref_slice %arg11[%dma_start3A_388, %dma_start3A_389] : memref<10112x64xf32, #tpu.memory_space<vmem_shared>> -> memref<10112x64xf32, #tpu.memory_space<vmem_shared>>
      tpu.enqueue_indirect_dma source(%arg9 : memref<256x64xf32, #tpu.memory_space<vmem>>) target(%dma_start3A_390 : memref<10112x64xf32, #tpu.memory_space<vmem_shared>>) offsets(%dma_start3A_387 : memref<256xi32, #tpu.memory_space<vmem>>) semaphore(%arg23 : memref<!tpu.dma_semaphore, #tpu.memory_space<semaphore_mem>>) {add = true}
    }
    %scan3A_88 = arith.constant 20 : i32
    %dma_wait3A = arith.constant 0 : i32
    %dma_wait3A_89 = arith.constant 0 : i32
    %dma_wait3A_90 = tpu.memref_slice %arg7[%dma_wait3A, %dma_wait3A_89] : memref<4x256xi32, #tpu.memory_space<vmem>> -> memref<1x256xi32, #tpu.memory_space<vmem>>
    %dma_wait3A_91 = tpu.memref_squeeze %dma_wait3A_90 : memref<1x256xi32, #tpu.memory_space<vmem>> -> memref<256xi32, #tpu.memory_space<vmem>>
    %dma_wait3A_92 = arith.constant 0 : i32
    %dma_wait3A_93 = arith.constant 0 : i32
    %dma_wait3A_94 = tpu.memref_slice %arg11[%dma_wait3A_92, %dma_wait3A_93] : memref<10112x64xf32, #tpu.memory_space<vmem_shared>> -> memref<10112x64xf32, #tpu.memory_space<vmem_shared>>
    tpu.wait_indirect_dma semaphore(%arg22 : memref<!tpu.dma_semaphore, #tpu.memory_space<semaphore_mem>>) src(%arg8 : memref<256x64xf32, #tpu.memory_space<vmem>>) dst(%dma_wait3A_94 : memref<10112x64xf32, #tpu.memory_space<vmem_shared>>)
    %dma_wait3A_95 = arith.constant 0 : i32
    %dma_wait3A_96 = arith.constant 0 : i32
    %dma_wait3A_97 = tpu.memref_slice %arg7[%dma_wait3A_95, %dma_wait3A_96] : memref<4x256xi32, #tpu.memory_space<vmem>> -> memref<1x256xi32, #tpu.memory_space<vmem>>
    %dma_wait3A_98 = tpu.memref_squeeze %dma_wait3A_97 : memref<1x256xi32, #tpu.memory_space<vmem>> -> memref<256xi32, #tpu.memory_space<vmem>>
    %dma_wait3A_99 = arith.constant 0 : i32
    %dma_wait3A_100 = arith.constant 0 : i32
    %dma_wait3A_101 = tpu.memref_slice %arg11[%dma_wait3A_99, %dma_wait3A_100] : memref<10112x64xf32, #tpu.memory_space<vmem_shared>> -> memref<10112x64xf32, #tpu.memory_space<vmem_shared>>
    tpu.wait_indirect_dma semaphore(%arg23 : memref<!tpu.dma_semaphore, #tpu.memory_space<semaphore_mem>>) src(%arg9 : memref<256x64xf32, #tpu.memory_space<vmem>>) dst(%dma_wait3A_101 : memref<10112x64xf32, #tpu.memory_space<vmem_shared>>)
    %barrier3A_102 = arith.constant 0 : index
    tpu.barrier barrier_id(%barrier3A_102)
    "tpu.region"() ({
      %run_scoped3A = tpu.sem_alloc : memref<!tpu.dma_semaphore, #tpu.memory_space<semaphore_mem>>
      %dma_start3A_103 = arith.constant 0 : i32
      %dma_start3A_104 = tpu.memref_slice %arg5[%arg0, %mul3A_0, %dma_start3A_103] : memref<2x10112x64xf32, #tpu.memory_space<hbm>> -> memref<1x632x64xf32, #tpu.memory_space<hbm>>
      %dma_start3A_105 = tpu.memref_squeeze %dma_start3A_104 : memref<1x632x64xf32, #tpu.memory_space<hbm>> -> memref<632x64xf32, #tpu.memory_space<hbm>>
      %dma_start3A_106 = arith.constant 0 : i32
      %dma_start3A_107 = tpu.memref_slice %arg11[%mul3A_0, %dma_start3A_106] : memref<10112x64xf32, #tpu.memory_space<vmem_shared>> -> memref<632x64xf32, #tpu.memory_space<vmem_shared>>
      tpu.enqueue_dma source(%dma_start3A_107 : memref<632x64xf32, #tpu.memory_space<vmem_shared>>) target(%dma_start3A_105 : memref<632x64xf32, #tpu.memory_space<hbm>>) target_semaphore(%run_scoped3A : memref<!tpu.dma_semaphore, #tpu.memory_space<semaphore_mem>>)
      %dma_wait3A_108 = arith.constant 0 : i32
      %dma_wait3A_109 = tpu.memref_slice %arg5[%arg0, %mul3A_0, %dma_wait3A_108] : memref<2x10112x64xf32, #tpu.memory_space<hbm>> -> memref<1x632x64xf32, #tpu.memory_space<hbm>>
      %dma_wait3A_110 = tpu.memref_squeeze %dma_wait3A_109 : memref<1x632x64xf32, #tpu.memory_space<hbm>> -> memref<632x64xf32, #tpu.memory_space<hbm>>
      %dma_wait3A_111 = arith.constant 0 : i32
      %dma_wait3A_112 = tpu.memref_slice %arg11[%mul3A_0, %dma_wait3A_111] : memref<10112x64xf32, #tpu.memory_space<vmem_shared>> -> memref<632x64xf32, #tpu.memory_space<vmem_shared>>
      tpu.wait_dma2 semaphore(%run_scoped3A : memref<!tpu.dma_semaphore, #tpu.memory_space<semaphore_mem>>) src(%dma_wait3A_112 : memref<632x64xf32, #tpu.memory_space<vmem_shared>>) dst(%dma_wait3A_110 : memref<632x64xf32, #tpu.memory_space<hbm>>)
      tpu.yield
    }) : () -> ()
    return
  }
}

#map = affine_map<(d0, d1) -> (0, 0, 0)>
module attributes {stable_mosaic.version = 14 : i64} {
  func.func @deg_kernel(%arg0: i32, %arg1: i32, %arg2: memref<32x40x256xi32, #tpu.memory_space<hbm>>, %arg3: memref<32x79x128xf32, #tpu.memory_space<hbm>>, %arg4: memref<40x256xi32, #tpu.memory_space<vmem>>, %arg5: memref<79x128xf32, #tpu.memory_space<vmem>>) attributes {dimension_semantics = [#tpu.dimension_semantics<core_parallel>, #tpu.dimension_semantics<subcore_parallel>], iteration_bounds = array<i64: 2, 16>, scalar_prefetch = 0 : i64, scratch_operands = 2 : i64, tpu.core_type = #tpu.core_type<sc_vector_subcore>, window_params = [{transform_indices = #map}, {transform_indices = #map}]} {
    %mul3A = arith.constant 16 : i32
    %mul3A_0 = arith.muli %arg0, %mul3A : i32
    %add3A = arith.addi %mul3A_0, %arg1 : i32
    "tpu.region"() ({
      %run_scoped3A = tpu.sem_alloc : memref<!tpu.dma_semaphore, #tpu.memory_space<semaphore_mem>>
      %dma_start3A = arith.constant 0 : i32
      %dma_start3A_13 = arith.constant 0 : i32
      %dma_start3A_14 = tpu.memref_slice %arg2[%add3A, %dma_start3A, %dma_start3A_13] : memref<32x40x256xi32, #tpu.memory_space<hbm>> -> memref<1x40x256xi32, #tpu.memory_space<hbm>>
      %dma_start3A_15 = tpu.memref_squeeze %dma_start3A_14 : memref<1x40x256xi32, #tpu.memory_space<hbm>> -> memref<40x256xi32, #tpu.memory_space<hbm>>
      %dma_start3A_16 = arith.constant 0 : i32
      %dma_start3A_17 = arith.constant 0 : i32
      %dma_start3A_18 = tpu.memref_slice %arg2[%add3A, %dma_start3A_16, %dma_start3A_17] : memref<32x40x256xi32, #tpu.memory_space<hbm>> -> memref<1x40x256xi32, #tpu.memory_space<hbm>>
      %dma_start3A_19 = tpu.memref_squeeze %dma_start3A_18 : memref<1x40x256xi32, #tpu.memory_space<hbm>> -> memref<40x256xi32, #tpu.memory_space<hbm>>
      tpu.enqueue_dma source(%dma_start3A_19 : memref<40x256xi32, #tpu.memory_space<hbm>>) target(%arg4 : memref<40x256xi32, #tpu.memory_space<vmem>>) target_semaphore(%run_scoped3A : memref<!tpu.dma_semaphore, #tpu.memory_space<semaphore_mem>>)
      %dma_wait3A = arith.constant 0 : i32
      %dma_wait3A_20 = arith.constant 0 : i32
      %dma_wait3A_21 = tpu.memref_slice %arg2[%add3A, %dma_wait3A, %dma_wait3A_20] : memref<32x40x256xi32, #tpu.memory_space<hbm>> -> memref<1x40x256xi32, #tpu.memory_space<hbm>>
      %dma_wait3A_22 = tpu.memref_squeeze %dma_wait3A_21 : memref<1x40x256xi32, #tpu.memory_space<hbm>> -> memref<40x256xi32, #tpu.memory_space<hbm>>
      %dma_wait3A_23 = arith.constant 0 : i32
      %dma_wait3A_24 = arith.constant 0 : i32
      %dma_wait3A_25 = tpu.memref_slice %arg2[%add3A, %dma_wait3A_23, %dma_wait3A_24] : memref<32x40x256xi32, #tpu.memory_space<hbm>> -> memref<1x40x256xi32, #tpu.memory_space<hbm>>
      %dma_wait3A_26 = tpu.memref_squeeze %dma_wait3A_25 : memref<1x40x256xi32, #tpu.memory_space<hbm>> -> memref<40x256xi32, #tpu.memory_space<hbm>>
      tpu.wait_dma2 semaphore(%run_scoped3A : memref<!tpu.dma_semaphore, #tpu.memory_space<semaphore_mem>>) src(%dma_wait3A_26 : memref<40x256xi32, #tpu.memory_space<hbm>>) dst(%arg4 : memref<40x256xi32, #tpu.memory_space<vmem>>)
      tpu.yield
    }) : () -> ()
    %scan3A = arith.constant 0 : i32
    %scan3A_1 = arith.constant 0 : i32
    %scan3A_2 = arith.constant 632 : i32
    %scan3A_3 = arith.addi %scan3A_1, %scan3A_2 : i32
    %scan3A_4 = arith.constant 1 : i32
    scf.for %scan3A_13 = %scan3A_1 to %scan3A_3 step %scan3A_4  : i32 {
      %mul3A_14 = arith.constant 16 : i32
      %mul3A_15 = arith.muli %scan3A_13, %mul3A_14 : i32
      %iota3A = tpu.iota {dimensions = array<i32: 0>} : vector<16xi32>
      %add3A_16 = vector.broadcast %mul3A_15 : i32 to vector<16xi32>
      %add3A_17 = arith.addi %add3A_16, %iota3A : vector<16xi32>
      %shift_right_arithmetic3A = arith.constant 7 : i32
      %shift_right_arithmetic3A_18 = vector.broadcast %shift_right_arithmetic3A : i32 to vector<16xi32>
      %shift_right_arithmetic3A_19 = arith.shrsi %add3A_17, %shift_right_arithmetic3A_18 : vector<16xi32>
      %and3A = arith.constant 127 : i32
      %and3A_20 = vector.broadcast %and3A : i32 to vector<16xi32>
      %and3A_21 = arith.andi %add3A_17, %and3A_20 : vector<16xi32>
      %broadcast_in_dim3A_22 = arith.constant 0.000000e+00 : f32
      %broadcast_in_dim3A_23 = vector.broadcast %broadcast_in_dim3A_22 : f32 to vector<16xf32>
      tpu.vector_store_idx %arg5[%shift_right_arithmetic3A_19, %and3A_21], %broadcast_in_dim3A_23 : memref<79x128xf32, #tpu.memory_space<vmem>>[vector<16xi32>, vector<16xi32>], vector<16xf32>,
    }
    %scan3A_5 = arith.constant 632 : i32
    %broadcast_in_dim3A = arith.constant 1.000000e+00 : f32
    %broadcast_in_dim3A_6 = vector.broadcast %broadcast_in_dim3A : f32 to vector<16xf32>
    %scan3A_7 = arith.constant 0 : i32
    %scan3A_8 = arith.constant 0 : i32
    %scan3A_9 = arith.constant 40 : i32
    %scan3A_10 = arith.addi %scan3A_8, %scan3A_9 : i32
    %scan3A_11 = arith.constant 1 : i32
    scf.for %scan3A_13 = %scan3A_8 to %scan3A_10 step %scan3A_11  : i32 {
      %get3A = arith.index_cast %scan3A_13 : i32 to index
      %get3A_14 = arith.constant 0 : index
      %get3A_15 = tpu.vector_load %arg4[%get3A, %get3A_14] {strides = array<i32>} : memref<40x256xi32, #tpu.memory_space<vmem>>, vector<16xi32>,
      %shift_right_arithmetic3A = arith.constant 7 : i32
      %shift_right_arithmetic3A_16 = vector.broadcast %shift_right_arithmetic3A : i32 to vector<16xi32>
      %shift_right_arithmetic3A_17 = arith.shrsi %get3A_15, %shift_right_arithmetic3A_16 : vector<16xi32>
      %and3A = arith.constant 127 : i32
      %and3A_18 = vector.broadcast %and3A : i32 to vector<16xi32>
      %and3A_19 = arith.andi %get3A_15, %and3A_18 : vector<16xi32>
      tpu.vector_store_idx %arg5[%shift_right_arithmetic3A_17, %and3A_19], %broadcast_in_dim3A_6 {add = true} : memref<79x128xf32, #tpu.memory_space<vmem>>[vector<16xi32>, vector<16xi32>], vector<16xf32>,
      %get3A_20 = arith.index_cast %scan3A_13 : i32 to index
      %get3A_21 = arith.constant 16 : index
      %get3A_22 = tpu.vector_load %arg4[%get3A_20, %get3A_21] {strides = array<i32>} : memref<40x256xi32, #tpu.memory_space<vmem>>, vector<16xi32>,
      %shift_right_arithmetic3A_23 = arith.constant 7 : i32
      %shift_right_arithmetic3A_24 = vector.broadcast %shift_right_arithmetic3A_23 : i32 to vector<16xi32>
      %shift_right_arithmetic3A_25 = arith.shrsi %get3A_22, %shift_right_arithmetic3A_24 : vector<16xi32>
      %and3A_26 = arith.constant 127 : i32
      %and3A_27 = vector.broadcast %and3A_26 : i32 to vector<16xi32>
      %and3A_28 = arith.andi %get3A_22, %and3A_27 : vector<16xi32>
      tpu.vector_store_idx %arg5[%shift_right_arithmetic3A_25, %and3A_28], %broadcast_in_dim3A_6 {add = true} : memref<79x128xf32, #tpu.memory_space<vmem>>[vector<16xi32>, vector<16xi32>], vector<16xf32>,
      %get3A_29 = arith.index_cast %scan3A_13 : i32 to index
      %get3A_30 = arith.constant 32 : index
      %get3A_31 = tpu.vector_load %arg4[%get3A_29, %get3A_30] {strides = array<i32>} : memref<40x256xi32, #tpu.memory_space<vmem>>, vector<16xi32>,
      %shift_right_arithmetic3A_32 = arith.constant 7 : i32
      %shift_right_arithmetic3A_33 = vector.broadcast %shift_right_arithmetic3A_32 : i32 to vector<16xi32>
      %shift_right_arithmetic3A_34 = arith.shrsi %get3A_31, %shift_right_arithmetic3A_33 : vector<16xi32>
      %and3A_35 = arith.constant 127 : i32
      %and3A_36 = vector.broadcast %and3A_35 : i32 to vector<16xi32>
      %and3A_37 = arith.andi %get3A_31, %and3A_36 : vector<16xi32>
      tpu.vector_store_idx %arg5[%shift_right_arithmetic3A_34, %and3A_37], %broadcast_in_dim3A_6 {add = true} : memref<79x128xf32, #tpu.memory_space<vmem>>[vector<16xi32>, vector<16xi32>], vector<16xf32>,
      %get3A_38 = arith.index_cast %scan3A_13 : i32 to index
      %get3A_39 = arith.constant 48 : index
      %get3A_40 = tpu.vector_load %arg4[%get3A_38, %get3A_39] {strides = array<i32>} : memref<40x256xi32, #tpu.memory_space<vmem>>, vector<16xi32>,
      %shift_right_arithmetic3A_41 = arith.constant 7 : i32
      %shift_right_arithmetic3A_42 = vector.broadcast %shift_right_arithmetic3A_41 : i32 to vector<16xi32>
      %shift_right_arithmetic3A_43 = arith.shrsi %get3A_40, %shift_right_arithmetic3A_42 : vector<16xi32>
      %and3A_44 = arith.constant 127 : i32
      %and3A_45 = vector.broadcast %and3A_44 : i32 to vector<16xi32>
      %and3A_46 = arith.andi %get3A_40, %and3A_45 : vector<16xi32>
      tpu.vector_store_idx %arg5[%shift_right_arithmetic3A_43, %and3A_46], %broadcast_in_dim3A_6 {add = true} : memref<79x128xf32, #tpu.memory_space<vmem>>[vector<16xi32>, vector<16xi32>], vector<16xf32>,
      %get3A_47 = arith.index_cast %scan3A_13 : i32 to index
      %get3A_48 = arith.constant 64 : index
      %get3A_49 = tpu.vector_load %arg4[%get3A_47, %get3A_48] {strides = array<i32>} : memref<40x256xi32, #tpu.memory_space<vmem>>, vector<16xi32>,
      %shift_right_arithmetic3A_50 = arith.constant 7 : i32
      %shift_right_arithmetic3A_51 = vector.broadcast %shift_right_arithmetic3A_50 : i32 to vector<16xi32>
      %shift_right_arithmetic3A_52 = arith.shrsi %get3A_49, %shift_right_arithmetic3A_51 : vector<16xi32>
      %and3A_53 = arith.constant 127 : i32
      %and3A_54 = vector.broadcast %and3A_53 : i32 to vector<16xi32>
      %and3A_55 = arith.andi %get3A_49, %and3A_54 : vector<16xi32>
      tpu.vector_store_idx %arg5[%shift_right_arithmetic3A_52, %and3A_55], %broadcast_in_dim3A_6 {add = true} : memref<79x128xf32, #tpu.memory_space<vmem>>[vector<16xi32>, vector<16xi32>], vector<16xf32>,
      %get3A_56 = arith.index_cast %scan3A_13 : i32 to index
      %get3A_57 = arith.constant 80 : index
      %get3A_58 = tpu.vector_load %arg4[%get3A_56, %get3A_57] {strides = array<i32>} : memref<40x256xi32, #tpu.memory_space<vmem>>, vector<16xi32>,
      %shift_right_arithmetic3A_59 = arith.constant 7 : i32
      %shift_right_arithmetic3A_60 = vector.broadcast %shift_right_arithmetic3A_59 : i32 to vector<16xi32>
      %shift_right_arithmetic3A_61 = arith.shrsi %get3A_58, %shift_right_arithmetic3A_60 : vector<16xi32>
      %and3A_62 = arith.constant 127 : i32
      %and3A_63 = vector.broadcast %and3A_62 : i32 to vector<16xi32>
      %and3A_64 = arith.andi %get3A_58, %and3A_63 : vector<16xi32>
      tpu.vector_store_idx %arg5[%shift_right_arithmetic3A_61, %and3A_64], %broadcast_in_dim3A_6 {add = true} : memref<79x128xf32, #tpu.memory_space<vmem>>[vector<16xi32>, vector<16xi32>], vector<16xf32>,
      %get3A_65 = arith.index_cast %scan3A_13 : i32 to index
      %get3A_66 = arith.constant 96 : index
      %get3A_67 = tpu.vector_load %arg4[%get3A_65, %get3A_66] {strides = array<i32>} : memref<40x256xi32, #tpu.memory_space<vmem>>, vector<16xi32>,
      %shift_right_arithmetic3A_68 = arith.constant 7 : i32
      %shift_right_arithmetic3A_69 = vector.broadcast %shift_right_arithmetic3A_68 : i32 to vector<16xi32>
      %shift_right_arithmetic3A_70 = arith.shrsi %get3A_67, %shift_right_arithmetic3A_69 : vector<16xi32>
      %and3A_71 = arith.constant 127 : i32
      %and3A_72 = vector.broadcast %and3A_71 : i32 to vector<16xi32>
      %and3A_73 = arith.andi %get3A_67, %and3A_72 : vector<16xi32>
      tpu.vector_store_idx %arg5[%shift_right_arithmetic3A_70, %and3A_73], %broadcast_in_dim3A_6 {add = true} : memref<79x128xf32, #tpu.memory_space<vmem>>[vector<16xi32>, vector<16xi32>], vector<16xf32>,
      %get3A_74 = arith.index_cast %scan3A_13 : i32 to index
      %get3A_75 = arith.constant 112 : index
      %get3A_76 = tpu.vector_load %arg4[%get3A_74, %get3A_75] {strides = array<i32>} : memref<40x256xi32, #tpu.memory_space<vmem>>, vector<16xi32>,
      %shift_right_arithmetic3A_77 = arith.constant 7 : i32
      %shift_right_arithmetic3A_78 = vector.broadcast %shift_right_arithmetic3A_77 : i32 to vector<16xi32>
      %shift_right_arithmetic3A_79 = arith.shrsi %get3A_76, %shift_right_arithmetic3A_78 : vector<16xi32>
      %and3A_80 = arith.constant 127 : i32
      %and3A_81 = vector.broadcast %and3A_80 : i32 to vector<16xi32>
      %and3A_82 = arith.andi %get3A_76, %and3A_81 : vector<16xi32>
      tpu.vector_store_idx %arg5[%shift_right_arithmetic3A_79, %and3A_82], %broadcast_in_dim3A_6 {add = true} : memref<79x128xf32, #tpu.memory_space<vmem>>[vector<16xi32>, vector<16xi32>], vector<16xf32>,
      %get3A_83 = arith.index_cast %scan3A_13 : i32 to index
      %get3A_84 = arith.constant 128 : index
      %get3A_85 = tpu.vector_load %arg4[%get3A_83, %get3A_84] {strides = array<i32>} : memref<40x256xi32, #tpu.memory_space<vmem>>, vector<16xi32>,
      %shift_right_arithmetic3A_86 = arith.constant 7 : i32
      %shift_right_arithmetic3A_87 = vector.broadcast %shift_right_arithmetic3A_86 : i32 to vector<16xi32>
      %shift_right_arithmetic3A_88 = arith.shrsi %get3A_85, %shift_right_arithmetic3A_87 : vector<16xi32>
      %and3A_89 = arith.constant 127 : i32
      %and3A_90 = vector.broadcast %and3A_89 : i32 to vector<16xi32>
      %and3A_91 = arith.andi %get3A_85, %and3A_90 : vector<16xi32>
      tpu.vector_store_idx %arg5[%shift_right_arithmetic3A_88, %and3A_91], %broadcast_in_dim3A_6 {add = true} : memref<79x128xf32, #tpu.memory_space<vmem>>[vector<16xi32>, vector<16xi32>], vector<16xf32>,
      %get3A_92 = arith.index_cast %scan3A_13 : i32 to index
      %get3A_93 = arith.constant 144 : index
      %get3A_94 = tpu.vector_load %arg4[%get3A_92, %get3A_93] {strides = array<i32>} : memref<40x256xi32, #tpu.memory_space<vmem>>, vector<16xi32>,
      %shift_right_arithmetic3A_95 = arith.constant 7 : i32
      %shift_right_arithmetic3A_96 = vector.broadcast %shift_right_arithmetic3A_95 : i32 to vector<16xi32>
      %shift_right_arithmetic3A_97 = arith.shrsi %get3A_94, %shift_right_arithmetic3A_96 : vector<16xi32>
      %and3A_98 = arith.constant 127 : i32
      %and3A_99 = vector.broadcast %and3A_98 : i32 to vector<16xi32>
      %and3A_100 = arith.andi %get3A_94, %and3A_99 : vector<16xi32>
      tpu.vector_store_idx %arg5[%shift_right_arithmetic3A_97, %and3A_100], %broadcast_in_dim3A_6 {add = true} : memref<79x128xf32, #tpu.memory_space<vmem>>[vector<16xi32>, vector<16xi32>], vector<16xf32>,
      %get3A_101 = arith.index_cast %scan3A_13 : i32 to index
      %get3A_102 = arith.constant 160 : index
      %get3A_103 = tpu.vector_load %arg4[%get3A_101, %get3A_102] {strides = array<i32>} : memref<40x256xi32, #tpu.memory_space<vmem>>, vector<16xi32>,
      %shift_right_arithmetic3A_104 = arith.constant 7 : i32
      %shift_right_arithmetic3A_105 = vector.broadcast %shift_right_arithmetic3A_104 : i32 to vector<16xi32>
      %shift_right_arithmetic3A_106 = arith.shrsi %get3A_103, %shift_right_arithmetic3A_105 : vector<16xi32>
      %and3A_107 = arith.constant 127 : i32
      %and3A_108 = vector.broadcast %and3A_107 : i32 to vector<16xi32>
      %and3A_109 = arith.andi %get3A_103, %and3A_108 : vector<16xi32>
      tpu.vector_store_idx %arg5[%shift_right_arithmetic3A_106, %and3A_109], %broadcast_in_dim3A_6 {add = true} : memref<79x128xf32, #tpu.memory_space<vmem>>[vector<16xi32>, vector<16xi32>], vector<16xf32>,
      %get3A_110 = arith.index_cast %scan3A_13 : i32 to index
      %get3A_111 = arith.constant 176 : index
      %get3A_112 = tpu.vector_load %arg4[%get3A_110, %get3A_111] {strides = array<i32>} : memref<40x256xi32, #tpu.memory_space<vmem>>, vector<16xi32>,
      %shift_right_arithmetic3A_113 = arith.constant 7 : i32
      %shift_right_arithmetic3A_114 = vector.broadcast %shift_right_arithmetic3A_113 : i32 to vector<16xi32>
      %shift_right_arithmetic3A_115 = arith.shrsi %get3A_112, %shift_right_arithmetic3A_114 : vector<16xi32>
      %and3A_116 = arith.constant 127 : i32
      %and3A_117 = vector.broadcast %and3A_116 : i32 to vector<16xi32>
      %and3A_118 = arith.andi %get3A_112, %and3A_117 : vector<16xi32>
      tpu.vector_store_idx %arg5[%shift_right_arithmetic3A_115, %and3A_118], %broadcast_in_dim3A_6 {add = true} : memref<79x128xf32, #tpu.memory_space<vmem>>[vector<16xi32>, vector<16xi32>], vector<16xf32>,
      %get3A_119 = arith.index_cast %scan3A_13 : i32 to index
      %get3A_120 = arith.constant 192 : index
      %get3A_121 = tpu.vector_load %arg4[%get3A_119, %get3A_120] {strides = array<i32>} : memref<40x256xi32, #tpu.memory_space<vmem>>, vector<16xi32>,
      %shift_right_arithmetic3A_122 = arith.constant 7 : i32
      %shift_right_arithmetic3A_123 = vector.broadcast %shift_right_arithmetic3A_122 : i32 to vector<16xi32>
      %shift_right_arithmetic3A_124 = arith.shrsi %get3A_121, %shift_right_arithmetic3A_123 : vector<16xi32>
      %and3A_125 = arith.constant 127 : i32
      %and3A_126 = vector.broadcast %and3A_125 : i32 to vector<16xi32>
      %and3A_127 = arith.andi %get3A_121, %and3A_126 : vector<16xi32>
      tpu.vector_store_idx %arg5[%shift_right_arithmetic3A_124, %and3A_127], %broadcast_in_dim3A_6 {add = true} : memref<79x128xf32, #tpu.memory_space<vmem>>[vector<16xi32>, vector<16xi32>], vector<16xf32>,
      %get3A_128 = arith.index_cast %scan3A_13 : i32 to index
      %get3A_129 = arith.constant 208 : index
      %get3A_130 = tpu.vector_load %arg4[%get3A_128, %get3A_129] {strides = array<i32>} : memref<40x256xi32, #tpu.memory_space<vmem>>, vector<16xi32>,
      %shift_right_arithmetic3A_131 = arith.constant 7 : i32
      %shift_right_arithmetic3A_132 = vector.broadcast %shift_right_arithmetic3A_131 : i32 to vector<16xi32>
      %shift_right_arithmetic3A_133 = arith.shrsi %get3A_130, %shift_right_arithmetic3A_132 : vector<16xi32>
      %and3A_134 = arith.constant 127 : i32
      %and3A_135 = vector.broadcast %and3A_134 : i32 to vector<16xi32>
      %and3A_136 = arith.andi %get3A_130, %and3A_135 : vector<16xi32>
      tpu.vector_store_idx %arg5[%shift_right_arithmetic3A_133, %and3A_136], %broadcast_in_dim3A_6 {add = true} : memref<79x128xf32, #tpu.memory_space<vmem>>[vector<16xi32>, vector<16xi32>], vector<16xf32>,
      %get3A_137 = arith.index_cast %scan3A_13 : i32 to index
      %get3A_138 = arith.constant 224 : index
      %get3A_139 = tpu.vector_load %arg4[%get3A_137, %get3A_138] {strides = array<i32>} : memref<40x256xi32, #tpu.memory_space<vmem>>, vector<16xi32>,
      %shift_right_arithmetic3A_140 = arith.constant 7 : i32
      %shift_right_arithmetic3A_141 = vector.broadcast %shift_right_arithmetic3A_140 : i32 to vector<16xi32>
      %shift_right_arithmetic3A_142 = arith.shrsi %get3A_139, %shift_right_arithmetic3A_141 : vector<16xi32>
      %and3A_143 = arith.constant 127 : i32
      %and3A_144 = vector.broadcast %and3A_143 : i32 to vector<16xi32>
      %and3A_145 = arith.andi %get3A_139, %and3A_144 : vector<16xi32>
      tpu.vector_store_idx %arg5[%shift_right_arithmetic3A_142, %and3A_145], %broadcast_in_dim3A_6 {add = true} : memref<79x128xf32, #tpu.memory_space<vmem>>[vector<16xi32>, vector<16xi32>], vector<16xf32>,
      %get3A_146 = arith.index_cast %scan3A_13 : i32 to index
      %get3A_147 = arith.constant 240 : index
      %get3A_148 = tpu.vector_load %arg4[%get3A_146, %get3A_147] {strides = array<i32>} : memref<40x256xi32, #tpu.memory_space<vmem>>, vector<16xi32>,
      %shift_right_arithmetic3A_149 = arith.constant 7 : i32
      %shift_right_arithmetic3A_150 = vector.broadcast %shift_right_arithmetic3A_149 : i32 to vector<16xi32>
      %shift_right_arithmetic3A_151 = arith.shrsi %get3A_148, %shift_right_arithmetic3A_150 : vector<16xi32>
      %and3A_152 = arith.constant 127 : i32
      %and3A_153 = vector.broadcast %and3A_152 : i32 to vector<16xi32>
      %and3A_154 = arith.andi %get3A_148, %and3A_153 : vector<16xi32>
      tpu.vector_store_idx %arg5[%shift_right_arithmetic3A_151, %and3A_154], %broadcast_in_dim3A_6 {add = true} : memref<79x128xf32, #tpu.memory_space<vmem>>[vector<16xi32>, vector<16xi32>], vector<16xf32>,
    }
    %scan3A_12 = arith.constant 40 : i32
    "tpu.region"() ({
      %run_scoped3A = tpu.sem_alloc : memref<!tpu.dma_semaphore, #tpu.memory_space<semaphore_mem>>
      %dma_start3A = arith.constant 0 : i32
      %dma_start3A_13 = arith.constant 0 : i32
      %dma_start3A_14 = tpu.memref_slice %arg3[%add3A, %dma_start3A, %dma_start3A_13] : memref<32x79x128xf32, #tpu.memory_space<hbm>> -> memref<1x79x128xf32, #tpu.memory_space<hbm>>
      %dma_start3A_15 = tpu.memref_squeeze %dma_start3A_14 : memref<1x79x128xf32, #tpu.memory_space<hbm>> -> memref<79x128xf32, #tpu.memory_space<hbm>>
      %dma_start3A_16 = arith.constant 0 : i32
      %dma_start3A_17 = arith.constant 0 : i32
      %dma_start3A_18 = tpu.memref_slice %arg3[%add3A, %dma_start3A_16, %dma_start3A_17] : memref<32x79x128xf32, #tpu.memory_space<hbm>> -> memref<1x79x128xf32, #tpu.memory_space<hbm>>
      %dma_start3A_19 = tpu.memref_squeeze %dma_start3A_18 : memref<1x79x128xf32, #tpu.memory_space<hbm>> -> memref<79x128xf32, #tpu.memory_space<hbm>>
      tpu.enqueue_dma source(%arg5 : memref<79x128xf32, #tpu.memory_space<vmem>>) target(%dma_start3A_19 : memref<79x128xf32, #tpu.memory_space<hbm>>) target_semaphore(%run_scoped3A : memref<!tpu.dma_semaphore, #tpu.memory_space<semaphore_mem>>)
      %dma_wait3A = arith.constant 0 : i32
      %dma_wait3A_20 = arith.constant 0 : i32
      %dma_wait3A_21 = tpu.memref_slice %arg3[%add3A, %dma_wait3A, %dma_wait3A_20] : memref<32x79x128xf32, #tpu.memory_space<hbm>> -> memref<1x79x128xf32, #tpu.memory_space<hbm>>
      %dma_wait3A_22 = tpu.memref_squeeze %dma_wait3A_21 : memref<1x79x128xf32, #tpu.memory_space<hbm>> -> memref<79x128xf32, #tpu.memory_space<hbm>>
      %dma_wait3A_23 = arith.constant 0 : i32
      %dma_wait3A_24 = arith.constant 0 : i32
      %dma_wait3A_25 = tpu.memref_slice %arg3[%add3A, %dma_wait3A_23, %dma_wait3A_24] : memref<32x79x128xf32, #tpu.memory_space<hbm>> -> memref<1x79x128xf32, #tpu.memory_space<hbm>>
      %dma_wait3A_26 = tpu.memref_squeeze %dma_wait3A_25 : memref<1x79x128xf32, #tpu.memory_space<hbm>> -> memref<79x128xf32, #tpu.memory_space<hbm>>
      tpu.wait_dma2 semaphore(%run_scoped3A : memref<!tpu.dma_semaphore, #tpu.memory_space<semaphore_mem>>) src(%arg5 : memref<79x128xf32, #tpu.memory_space<vmem>>) dst(%dma_wait3A_26 : memref<79x128xf32, #tpu.memory_space<hbm>>)
      tpu.yield
    }) : () -> ()
    return
  }
}

#map = affine_map<(d0, d1) -> (0, 0, 0)>
module attributes {stable_mosaic.version = 14 : i64} {
  func.func @agg_kernel(%arg0: i32, %arg1: i32, %arg2: memref<2x10112x64xf32, #tpu.memory_space<hbm>>, %arg3: memref<16x80x256xi32, #tpu.memory_space<hbm>>, %arg4: memref<16x80x256xi32, #tpu.memory_space<hbm>>, %arg5: memref<2x10112x64xf32, #tpu.memory_space<hbm>>, %arg6: memref<4x256xi32, #tpu.memory_space<vmem>>, %arg7: memref<4x256xi32, #tpu.memory_space<vmem>>, %arg8: memref<256x64xf32, #tpu.memory_space<vmem>>, %arg9: memref<256x64xf32, #tpu.memory_space<vmem>>, %arg10: memref<10112x64xf32, #tpu.memory_space<vmem_shared>>, %arg11: memref<10112x64xf32, #tpu.memory_space<vmem_shared>>, %arg12: memref<!tpu.dma_semaphore, #tpu.memory_space<semaphore_mem>>, %arg13: memref<!tpu.dma_semaphore, #tpu.memory_space<semaphore_mem>>, %arg14: memref<!tpu.dma_semaphore, #tpu.memory_space<semaphore_mem>>, %arg15: memref<!tpu.dma_semaphore, #tpu.memory_space<semaphore_mem>>, %arg16: memref<!tpu.dma_semaphore, #tpu.memory_space<semaphore_mem>>, %arg17: memref<!tpu.dma_semaphore, #tpu.memory_space<semaphore_mem>>, %arg18: memref<!tpu.dma_semaphore, #tpu.memory_space<semaphore_mem>>, %arg19: memref<!tpu.dma_semaphore, #tpu.memory_space<semaphore_mem>>, %arg20: memref<!tpu.dma_semaphore, #tpu.memory_space<semaphore_mem>>, %arg21: memref<!tpu.dma_semaphore, #tpu.memory_space<semaphore_mem>>, %arg22: memref<!tpu.dma_semaphore, #tpu.memory_space<semaphore_mem>>, %arg23: memref<!tpu.dma_semaphore, #tpu.memory_space<semaphore_mem>>) attributes {dimension_semantics = [#tpu.dimension_semantics<core_parallel>, #tpu.dimension_semantics<subcore_parallel>], iteration_bounds = array<i64: 2, 16>, scalar_prefetch = 0 : i64, scratch_operands = 18 : i64, tpu.core_type = #tpu.core_type<sc_vector_subcore>, window_params = [{transform_indices = #map}, {transform_indices = #map}, {transform_indices = #map}, {transform_indices = #map}]} {
    %mul3A = arith.constant 632 : i32
    %mul3A_0 = arith.muli %arg1, %mul3A : i32
    "tpu.region"() ({
      %run_scoped3A = tpu.sem_alloc : memref<!tpu.dma_semaphore, #tpu.memory_space<semaphore_mem>>
      %dma_start3A_103 = arith.constant 0 : i32
      %dma_start3A_104 = tpu.memref_slice %arg10[%mul3A_0, %dma_start3A_103] : memref<10112x64xf32, #tpu.memory_space<vmem_shared>> -> memref<632x64xf32, #tpu.memory_space<vmem_shared>>
      %dma_start3A_105 = arith.constant 0 : i32
      %dma_start3A_106 = tpu.memref_slice %arg2[%arg0, %mul3A_0, %dma_start3A_105] : memref<2x10112x64xf32, #tpu.memory_space<hbm>> -> memref<1x632x64xf32, #tpu.memory_space<hbm>>
      %dma_start3A_107 = tpu.memref_squeeze %dma_start3A_106 : memref<1x632x64xf32, #tpu.memory_space<hbm>> -> memref<632x64xf32, #tpu.memory_space<hbm>>
      tpu.enqueue_dma source(%dma_start3A_107 : memref<632x64xf32, #tpu.memory_space<hbm>>) target(%dma_start3A_104 : memref<632x64xf32, #tpu.memory_space<vmem_shared>>) target_semaphore(%run_scoped3A : memref<!tpu.dma_semaphore, #tpu.memory_space<semaphore_mem>>)
      %dma_wait3A_108 = arith.constant 0 : i32
      %dma_wait3A_109 = tpu.memref_slice %arg10[%mul3A_0, %dma_wait3A_108] : memref<10112x64xf32, #tpu.memory_space<vmem_shared>> -> memref<632x64xf32, #tpu.memory_space<vmem_shared>>
      %dma_wait3A_110 = arith.constant 0 : i32
      %dma_wait3A_111 = tpu.memref_slice %arg2[%arg0, %mul3A_0, %dma_wait3A_110] : memref<2x10112x64xf32, #tpu.memory_space<hbm>> -> memref<1x632x64xf32, #tpu.memory_space<hbm>>
      %dma_wait3A_112 = tpu.memref_squeeze %dma_wait3A_111 : memref<1x632x64xf32, #tpu.memory_space<hbm>> -> memref<632x64xf32, #tpu.memory_space<hbm>>
      tpu.wait_dma2 semaphore(%run_scoped3A : memref<!tpu.dma_semaphore, #tpu.memory_space<semaphore_mem>>) src(%dma_wait3A_112 : memref<632x64xf32, #tpu.memory_space<hbm>>) dst(%dma_wait3A_109 : memref<632x64xf32, #tpu.memory_space<vmem_shared>>)
      tpu.yield
    }) : () -> ()
    "tpu.region"() ({
      %run_scoped3A = tpu.sem_alloc : memref<!tpu.dma_semaphore, #tpu.memory_space<semaphore_mem>>
      %dma_start3A_103 = arith.constant 0 : i32
      %dma_start3A_104 = tpu.memref_slice %arg11[%mul3A_0, %dma_start3A_103] : memref<10112x64xf32, #tpu.memory_space<vmem_shared>> -> memref<632x64xf32, #tpu.memory_space<vmem_shared>>
      %dma_start3A_105 = arith.constant 0 : i32
      %dma_start3A_106 = tpu.memref_slice %arg2[%arg0, %mul3A_0, %dma_start3A_105] : memref<2x10112x64xf32, #tpu.memory_space<hbm>> -> memref<1x632x64xf32, #tpu.memory_space<hbm>>
      %dma_start3A_107 = tpu.memref_squeeze %dma_start3A_106 : memref<1x632x64xf32, #tpu.memory_space<hbm>> -> memref<632x64xf32, #tpu.memory_space<hbm>>
      tpu.enqueue_dma source(%dma_start3A_107 : memref<632x64xf32, #tpu.memory_space<hbm>>) target(%dma_start3A_104 : memref<632x64xf32, #tpu.memory_space<vmem_shared>>) target_semaphore(%run_scoped3A : memref<!tpu.dma_semaphore, #tpu.memory_space<semaphore_mem>>)
      %dma_wait3A_108 = arith.constant 0 : i32
      %dma_wait3A_109 = tpu.memref_slice %arg11[%mul3A_0, %dma_wait3A_108] : memref<10112x64xf32, #tpu.memory_space<vmem_shared>> -> memref<632x64xf32, #tpu.memory_space<vmem_shared>>
      %dma_wait3A_110 = arith.constant 0 : i32
      %dma_wait3A_111 = tpu.memref_slice %arg2[%arg0, %mul3A_0, %dma_wait3A_110] : memref<2x10112x64xf32, #tpu.memory_space<hbm>> -> memref<1x632x64xf32, #tpu.memory_space<hbm>>
      %dma_wait3A_112 = tpu.memref_squeeze %dma_wait3A_111 : memref<1x632x64xf32, #tpu.memory_space<hbm>> -> memref<632x64xf32, #tpu.memory_space<hbm>>
      tpu.wait_dma2 semaphore(%run_scoped3A : memref<!tpu.dma_semaphore, #tpu.memory_space<semaphore_mem>>) src(%dma_wait3A_112 : memref<632x64xf32, #tpu.memory_space<hbm>>) dst(%dma_wait3A_109 : memref<632x64xf32, #tpu.memory_space<vmem_shared>>)
      tpu.yield
    }) : () -> ()
    %dma_start3A = arith.constant 0 : i32
    %dma_start3A_1 = arith.constant 0 : i32
    %dma_start3A_2 = arith.constant 0 : i32
    %dma_start3A_3 = tpu.memref_slice %arg6[%dma_start3A_1, %dma_start3A_2] : memref<4x256xi32, #tpu.memory_space<vmem>> -> memref<1x256xi32, #tpu.memory_space<vmem>>
    %dma_start3A_4 = tpu.memref_squeeze %dma_start3A_3 : memref<1x256xi32, #tpu.memory_space<vmem>> -> memref<256xi32, #tpu.memory_space<vmem>>
    %dma_start3A_5 = arith.constant 0 : i32
    %dma_start3A_6 = tpu.memref_slice %arg3[%arg1, %dma_start3A, %dma_start3A_5] : memref<16x80x256xi32, #tpu.memory_space<hbm>> -> memref<1x1x256xi32, #tpu.memory_space<hbm>>
    %dma_start3A_7 = tpu.memref_squeeze %dma_start3A_6 : memref<1x1x256xi32, #tpu.memory_space<hbm>> -> memref<256xi32, #tpu.memory_space<hbm>>
    %dma_start3A_8 = arith.constant 0 : i32
    %dma_start3A_9 = tpu.memref_slice %arg6[%dma_start3A_1, %dma_start3A_8] : memref<4x256xi32, #tpu.memory_space<vmem>> -> memref<1x256xi32, #tpu.memory_space<vmem>>
    %dma_start3A_10 = tpu.memref_squeeze %dma_start3A_9 : memref<1x256xi32, #tpu.memory_space<vmem>> -> memref<256xi32, #tpu.memory_space<vmem>>
    %dma_start3A_11 = arith.constant 0 : i32
    %dma_start3A_12 = tpu.memref_slice %arg3[%arg1, %dma_start3A, %dma_start3A_11] : memref<16x80x256xi32, #tpu.memory_space<hbm>> -> memref<1x1x256xi32, #tpu.memory_space<hbm>>
    %dma_start3A_13 = tpu.memref_squeeze %dma_start3A_12 : memref<1x1x256xi32, #tpu.memory_space<hbm>> -> memref<256xi32, #tpu.memory_space<hbm>>
    tpu.enqueue_dma source(%dma_start3A_13 : memref<256xi32, #tpu.memory_space<hbm>>) target(%dma_start3A_10 : memref<256xi32, #tpu.memory_space<vmem>>) target_semaphore(%arg12 : memref<!tpu.dma_semaphore, #tpu.memory_space<semaphore_mem>>)
    %dma_start3A_14 = arith.constant 1 : i32
    %dma_start3A_15 = arith.constant 1 : i32
    %dma_start3A_16 = arith.constant 0 : i32
    %dma_start3A_17 = tpu.memref_slice %arg6[%dma_start3A_15, %dma_start3A_16] : memref<4x256xi32, #tpu.memory_space<vmem>> -> memref<1x256xi32, #tpu.memory_space<vmem>>
    %dma_start3A_18 = tpu.memref_squeeze %dma_start3A_17 : memref<1x256xi32, #tpu.memory_space<vmem>> -> memref<256xi32, #tpu.memory_space<vmem>>
    %dma_start3A_19 = arith.constant 0 : i32
    %dma_start3A_20 = tpu.memref_slice %arg3[%arg1, %dma_start3A_14, %dma_start3A_19] : memref<16x80x256xi32, #tpu.memory_space<hbm>> -> memref<1x1x256xi32, #tpu.memory_space<hbm>>
    %dma_start3A_21 = tpu.memref_squeeze %dma_start3A_20 : memref<1x1x256xi32, #tpu.memory_space<hbm>> -> memref<256xi32, #tpu.memory_space<hbm>>
    %dma_start3A_22 = arith.constant 0 : i32
    %dma_start3A_23 = tpu.memref_slice %arg6[%dma_start3A_15, %dma_start3A_22] : memref<4x256xi32, #tpu.memory_space<vmem>> -> memref<1x256xi32, #tpu.memory_space<vmem>>
    %dma_start3A_24 = tpu.memref_squeeze %dma_start3A_23 : memref<1x256xi32, #tpu.memory_space<vmem>> -> memref<256xi32, #tpu.memory_space<vmem>>
    %dma_start3A_25 = arith.constant 0 : i32
    %dma_start3A_26 = tpu.memref_slice %arg3[%arg1, %dma_start3A_14, %dma_start3A_25] : memref<16x80x256xi32, #tpu.memory_space<hbm>> -> memref<1x1x256xi32, #tpu.memory_space<hbm>>
    %dma_start3A_27 = tpu.memref_squeeze %dma_start3A_26 : memref<1x1x256xi32, #tpu.memory_space<hbm>> -> memref<256xi32, #tpu.memory_space<hbm>>
    tpu.enqueue_dma source(%dma_start3A_27 : memref<256xi32, #tpu.memory_space<hbm>>) target(%dma_start3A_24 : memref<256xi32, #tpu.memory_space<vmem>>) target_semaphore(%arg13 : memref<!tpu.dma_semaphore, #tpu.memory_space<semaphore_mem>>)
    %dma_start3A_28 = arith.constant 2 : i32
    %dma_start3A_29 = arith.constant 2 : i32
    %dma_start3A_30 = arith.constant 0 : i32
    %dma_start3A_31 = tpu.memref_slice %arg6[%dma_start3A_29, %dma_start3A_30] : memref<4x256xi32, #tpu.memory_space<vmem>> -> memref<1x256xi32, #tpu.memory_space<vmem>>
    %dma_start3A_32 = tpu.memref_squeeze %dma_start3A_31 : memref<1x256xi32, #tpu.memory_space<vmem>> -> memref<256xi32, #tpu.memory_space<vmem>>
    %dma_start3A_33 = arith.constant 0 : i32
    %dma_start3A_34 = tpu.memref_slice %arg3[%arg1, %dma_start3A_28, %dma_start3A_33] : memref<16x80x256xi32, #tpu.memory_space<hbm>> -> memref<1x1x256xi32, #tpu.memory_space<hbm>>
    %dma_start3A_35 = tpu.memref_squeeze %dma_start3A_34 : memref<1x1x256xi32, #tpu.memory_space<hbm>> -> memref<256xi32, #tpu.memory_space<hbm>>
    %dma_start3A_36 = arith.constant 0 : i32
    %dma_start3A_37 = tpu.memref_slice %arg6[%dma_start3A_29, %dma_start3A_36] : memref<4x256xi32, #tpu.memory_space<vmem>> -> memref<1x256xi32, #tpu.memory_space<vmem>>
    %dma_start3A_38 = tpu.memref_squeeze %dma_start3A_37 : memref<1x256xi32, #tpu.memory_space<vmem>> -> memref<256xi32, #tpu.memory_space<vmem>>
    %dma_start3A_39 = arith.constant 0 : i32
    %dma_start3A_40 = tpu.memref_slice %arg3[%arg1, %dma_start3A_28, %dma_start3A_39] : memref<16x80x256xi32, #tpu.memory_space<hbm>> -> memref<1x1x256xi32, #tpu.memory_space<hbm>>
    %dma_start3A_41 = tpu.memref_squeeze %dma_start3A_40 : memref<1x1x256xi32, #tpu.memory_space<hbm>> -> memref<256xi32, #tpu.memory_space<hbm>>
    tpu.enqueue_dma source(%dma_start3A_41 : memref<256xi32, #tpu.memory_space<hbm>>) target(%dma_start3A_38 : memref<256xi32, #tpu.memory_space<vmem>>) target_semaphore(%arg14 : memref<!tpu.dma_semaphore, #tpu.memory_space<semaphore_mem>>)
    %dma_start3A_42 = arith.constant 3 : i32
    %dma_start3A_43 = arith.constant 3 : i32
    %dma_start3A_44 = arith.constant 0 : i32
    %dma_start3A_45 = tpu.memref_slice %arg6[%dma_start3A_43, %dma_start3A_44] : memref<4x256xi32, #tpu.memory_space<vmem>> -> memref<1x256xi32, #tpu.memory_space<vmem>>
    %dma_start3A_46 = tpu.memref_squeeze %dma_start3A_45 : memref<1x256xi32, #tpu.memory_space<vmem>> -> memref<256xi32, #tpu.memory_space<vmem>>
    %dma_start3A_47 = arith.constant 0 : i32
    %dma_start3A_48 = tpu.memref_slice %arg3[%arg1, %dma_start3A_42, %dma_start3A_47] : memref<16x80x256xi32, #tpu.memory_space<hbm>> -> memref<1x1x256xi32, #tpu.memory_space<hbm>>
    %dma_start3A_49 = tpu.memref_squeeze %dma_start3A_48 : memref<1x1x256xi32, #tpu.memory_space<hbm>> -> memref<256xi32, #tpu.memory_space<hbm>>
    %dma_start3A_50 = arith.constant 0 : i32
    %dma_start3A_51 = tpu.memref_slice %arg6[%dma_start3A_43, %dma_start3A_50] : memref<4x256xi32, #tpu.memory_space<vmem>> -> memref<1x256xi32, #tpu.memory_space<vmem>>
    %dma_start3A_52 = tpu.memref_squeeze %dma_start3A_51 : memref<1x256xi32, #tpu.memory_space<vmem>> -> memref<256xi32, #tpu.memory_space<vmem>>
    %dma_start3A_53 = arith.constant 0 : i32
    %dma_start3A_54 = tpu.memref_slice %arg3[%arg1, %dma_start3A_42, %dma_start3A_53] : memref<16x80x256xi32, #tpu.memory_space<hbm>> -> memref<1x1x256xi32, #tpu.memory_space<hbm>>
    %dma_start3A_55 = tpu.memref_squeeze %dma_start3A_54 : memref<1x1x256xi32, #tpu.memory_space<hbm>> -> memref<256xi32, #tpu.memory_space<hbm>>
    tpu.enqueue_dma source(%dma_start3A_55 : memref<256xi32, #tpu.memory_space<hbm>>) target(%dma_start3A_52 : memref<256xi32, #tpu.memory_space<vmem>>) target_semaphore(%arg15 : memref<!tpu.dma_semaphore, #tpu.memory_space<semaphore_mem>>)
    %dma_start3A_56 = arith.constant 0 : i32
    %dma_start3A_57 = arith.constant 0 : i32
    %dma_start3A_58 = arith.constant 0 : i32
    %dma_start3A_59 = tpu.memref_slice %arg7[%dma_start3A_57, %dma_start3A_58] : memref<4x256xi32, #tpu.memory_space<vmem>> -> memref<1x256xi32, #tpu.memory_space<vmem>>
    %dma_start3A_60 = tpu.memref_squeeze %dma_start3A_59 : memref<1x256xi32, #tpu.memory_space<vmem>> -> memref<256xi32, #tpu.memory_space<vmem>>
    %dma_start3A_61 = arith.constant 0 : i32
    %dma_start3A_62 = tpu.memref_slice %arg4[%arg1, %dma_start3A_56, %dma_start3A_61] : memref<16x80x256xi32, #tpu.memory_space<hbm>> -> memref<1x1x256xi32, #tpu.memory_space<hbm>>
    %dma_start3A_63 = tpu.memref_squeeze %dma_start3A_62 : memref<1x1x256xi32, #tpu.memory_space<hbm>> -> memref<256xi32, #tpu.memory_space<hbm>>
    %dma_start3A_64 = arith.constant 0 : i32
    %dma_start3A_65 = tpu.memref_slice %arg7[%dma_start3A_57, %dma_start3A_64] : memref<4x256xi32, #tpu.memory_space<vmem>> -> memref<1x256xi32, #tpu.memory_space<vmem>>
    %dma_start3A_66 = tpu.memref_squeeze %dma_start3A_65 : memref<1x256xi32, #tpu.memory_space<vmem>> -> memref<256xi32, #tpu.memory_space<vmem>>
    %dma_start3A_67 = arith.constant 0 : i32
    %dma_start3A_68 = tpu.memref_slice %arg4[%arg1, %dma_start3A_56, %dma_start3A_67] : memref<16x80x256xi32, #tpu.memory_space<hbm>> -> memref<1x1x256xi32, #tpu.memory_space<hbm>>
    %dma_start3A_69 = tpu.memref_squeeze %dma_start3A_68 : memref<1x1x256xi32, #tpu.memory_space<hbm>> -> memref<256xi32, #tpu.memory_space<hbm>>
    tpu.enqueue_dma source(%dma_start3A_69 : memref<256xi32, #tpu.memory_space<hbm>>) target(%dma_start3A_66 : memref<256xi32, #tpu.memory_space<vmem>>) target_semaphore(%arg16 : memref<!tpu.dma_semaphore, #tpu.memory_space<semaphore_mem>>)
    %dma_start3A_70 = arith.constant 1 : i32
    %dma_start3A_71 = arith.constant 1 : i32
    %dma_start3A_72 = arith.constant 0 : i32
    %dma_start3A_73 = tpu.memref_slice %arg7[%dma_start3A_71, %dma_start3A_72] : memref<4x256xi32, #tpu.memory_space<vmem>> -> memref<1x256xi32, #tpu.memory_space<vmem>>
    %dma_start3A_74 = tpu.memref_squeeze %dma_start3A_73 : memref<1x256xi32, #tpu.memory_space<vmem>> -> memref<256xi32, #tpu.memory_space<vmem>>
    %dma_start3A_75 = arith.constant 0 : i32
    %dma_start3A_76 = tpu.memref_slice %arg4[%arg1, %dma_start3A_70, %dma_start3A_75] : memref<16x80x256xi32, #tpu.memory_space<hbm>> -> memref<1x1x256xi32, #tpu.memory_space<hbm>>
    %dma_start3A_77 = tpu.memref_squeeze %dma_start3A_76 : memref<1x1x256xi32, #tpu.memory_space<hbm>> -> memref<256xi32, #tpu.memory_space<hbm>>
    %dma_start3A_78 = arith.constant 0 : i32
    %dma_start3A_79 = tpu.memref_slice %arg7[%dma_start3A_71, %dma_start3A_78] : memref<4x256xi32, #tpu.memory_space<vmem>> -> memref<1x256xi32, #tpu.memory_space<vmem>>
    %dma_start3A_80 = tpu.memref_squeeze %dma_start3A_79 : memref<1x256xi32, #tpu.memory_space<vmem>> -> memref<256xi32, #tpu.memory_space<vmem>>
    %dma_start3A_81 = arith.constant 0 : i32
    %dma_start3A_82 = tpu.memref_slice %arg4[%arg1, %dma_start3A_70, %dma_start3A_81] : memref<16x80x256xi32, #tpu.memory_space<hbm>> -> memref<1x1x256xi32, #tpu.memory_space<hbm>>
    %dma_start3A_83 = tpu.memref_squeeze %dma_start3A_82 : memref<1x1x256xi32, #tpu.memory_space<hbm>> -> memref<256xi32, #tpu.memory_space<hbm>>
    tpu.enqueue_dma source(%dma_start3A_83 : memref<256xi32, #tpu.memory_space<hbm>>) target(%dma_start3A_80 : memref<256xi32, #tpu.memory_space<vmem>>) target_semaphore(%arg17 : memref<!tpu.dma_semaphore, #tpu.memory_space<semaphore_mem>>)
    %barrier3A = arith.constant 0 : index
    tpu.barrier barrier_id(%barrier3A)
    %scan3A = arith.constant 0 : i32
    %scan3A_84 = arith.constant 0 : i32
    %scan3A_85 = arith.constant 20 : i32
    %scan3A_86 = arith.addi %scan3A_84, %scan3A_85 : i32
    %scan3A_87 = arith.constant 1 : i32
    scf.for %scan3A_103 = %scan3A_84 to %scan3A_86 step %scan3A_87  : i32 {
      %mul3A_104 = arith.constant 4 : i32
      %mul3A_105 = arith.muli %mul3A_104, %scan3A_103 : i32
      %add3A = arith.constant 0 : i32
      %add3A_106 = arith.addi %mul3A_105, %add3A : i32
      %gt3A = arith.constant 0 : i32
      %gt3A_107 = arith.cmpi sgt, %scan3A_103, %gt3A : i32
      %convert_element_type3A = arith.extui %gt3A_107 : i1 to i32
      %cond3A = arith.constant 0 : i32
      %cond3A_108 = arith.cmpi ne, %convert_element_type3A, %cond3A : i32
      scf.if %cond3A_108 {
        %dma_wait3A_391 = arith.constant 0 : i32
        %dma_wait3A_392 = arith.constant 0 : i32
        %dma_wait3A_393 = tpu.memref_slice %arg7[%dma_wait3A_391, %dma_wait3A_392] : memref<4x256xi32, #tpu.memory_space<vmem>> -> memref<1x256xi32, #tpu.memory_space<vmem>>
        %dma_wait3A_394 = tpu.memref_squeeze %dma_wait3A_393 : memref<1x256xi32, #tpu.memory_space<vmem>> -> memref<256xi32, #tpu.memory_space<vmem>>
        %dma_wait3A_395 = arith.constant 0 : i32
        %dma_wait3A_396 = arith.constant 0 : i32
        %dma_wait3A_397 = tpu.memref_slice %arg11[%dma_wait3A_395, %dma_wait3A_396] : memref<10112x64xf32, #tpu.memory_space<vmem_shared>> -> memref<10112x64xf32, #tpu.memory_space<vmem_shared>>
        tpu.wait_indirect_dma semaphore(%arg22 : memref<!tpu.dma_semaphore, #tpu.memory_space<semaphore_mem>>) src(%arg8 : memref<256x64xf32, #tpu.memory_space<vmem>>) dst(%dma_wait3A_397 : memref<10112x64xf32, #tpu.memory_space<vmem_shared>>)
      } else {
      }
      %add3A_109 = arith.constant 2 : i32
      %add3A_110 = arith.addi %add3A_106, %add3A_109 : i32
      %lt3A = arith.constant 80 : i32
      %lt3A_111 = arith.cmpi slt, %add3A_110, %lt3A : i32
      %convert_element_type3A_112 = arith.extui %lt3A_111 : i1 to i32
      %cond3A_113 = arith.constant 0 : i32
      %cond3A_114 = arith.cmpi ne, %convert_element_type3A_112, %cond3A_113 : i32
      scf.if %cond3A_114 {
        %add3A_391 = arith.constant 2 : i32
        %add3A_392 = arith.addi %add3A_106, %add3A_391 : i32
        %dma_start3A_393 = arith.constant 2 : i32
        %dma_start3A_394 = arith.constant 0 : i32
        %dma_start3A_395 = tpu.memref_slice %arg7[%dma_start3A_393, %dma_start3A_394] : memref<4x256xi32, #tpu.memory_space<vmem>> -> memref<1x256xi32, #tpu.memory_space<vmem>>
        %dma_start3A_396 = tpu.memref_squeeze %dma_start3A_395 : memref<1x256xi32, #tpu.memory_space<vmem>> -> memref<256xi32, #tpu.memory_space<vmem>>
        %dma_start3A_397 = arith.constant 0 : i32
        %dma_start3A_398 = tpu.memref_slice %arg4[%arg1, %add3A_392, %dma_start3A_397] : memref<16x80x256xi32, #tpu.memory_space<hbm>> -> memref<1x1x256xi32, #tpu.memory_space<hbm>>
        %dma_start3A_399 = tpu.memref_squeeze %dma_start3A_398 : memref<1x1x256xi32, #tpu.memory_space<hbm>> -> memref<256xi32, #tpu.memory_space<hbm>>
        %dma_start3A_400 = arith.constant 0 : i32
        %dma_start3A_401 = tpu.memref_slice %arg7[%dma_start3A_393, %dma_start3A_400] : memref<4x256xi32, #tpu.memory_space<vmem>> -> memref<1x256xi32, #tpu.memory_space<vmem>>
        %dma_start3A_402 = tpu.memref_squeeze %dma_start3A_401 : memref<1x256xi32, #tpu.memory_space<vmem>> -> memref<256xi32, #tpu.memory_space<vmem>>
        %dma_start3A_403 = arith.constant 0 : i32
        %dma_start3A_404 = tpu.memref_slice %arg4[%arg1, %add3A_392, %dma_start3A_403] : memref<16x80x256xi32, #tpu.memory_space<hbm>> -> memref<1x1x256xi32, #tpu.memory_space<hbm>>
        %dma_start3A_405 = tpu.memref_squeeze %dma_start3A_404 : memref<1x1x256xi32, #tpu.memory_space<hbm>> -> memref<256xi32, #tpu.memory_space<hbm>>
        tpu.enqueue_dma source(%dma_start3A_405 : memref<256xi32, #tpu.memory_space<hbm>>) target(%dma_start3A_402 : memref<256xi32, #tpu.memory_space<vmem>>) target_semaphore(%arg18 : memref<!tpu.dma_semaphore, #tpu.memory_space<semaphore_mem>>)
      } else {
      }
      %dma_wait3A_115 = arith.constant 0 : i32
      %dma_wait3A_116 = arith.constant 0 : i32
      %dma_wait3A_117 = arith.constant 0 : i32
      %dma_wait3A_118 = tpu.memref_slice %arg6[%dma_wait3A_116, %dma_wait3A_117] : memref<4x256xi32, #tpu.memory_space<vmem>> -> memref<1x256xi32, #tpu.memory_space<vmem>>
      %dma_wait3A_119 = tpu.memref_squeeze %dma_wait3A_118 : memref<1x256xi32, #tpu.memory_space<vmem>> -> memref<256xi32, #tpu.memory_space<vmem>>
      %dma_wait3A_120 = arith.constant 0 : i32
      %dma_wait3A_121 = tpu.memref_slice %arg3[%arg1, %dma_wait3A_115, %dma_wait3A_120] : memref<16x80x256xi32, #tpu.memory_space<hbm>> -> memref<1x1x256xi32, #tpu.memory_space<hbm>>
      %dma_wait3A_122 = tpu.memref_squeeze %dma_wait3A_121 : memref<1x1x256xi32, #tpu.memory_space<hbm>> -> memref<256xi32, #tpu.memory_space<hbm>>
      %dma_wait3A_123 = arith.constant 0 : i32
      %dma_wait3A_124 = tpu.memref_slice %arg6[%dma_wait3A_116, %dma_wait3A_123] : memref<4x256xi32, #tpu.memory_space<vmem>> -> memref<1x256xi32, #tpu.memory_space<vmem>>
      %dma_wait3A_125 = tpu.memref_squeeze %dma_wait3A_124 : memref<1x256xi32, #tpu.memory_space<vmem>> -> memref<256xi32, #tpu.memory_space<vmem>>
      %dma_wait3A_126 = arith.constant 0 : i32
      %dma_wait3A_127 = tpu.memref_slice %arg3[%arg1, %dma_wait3A_115, %dma_wait3A_126] : memref<16x80x256xi32, #tpu.memory_space<hbm>> -> memref<1x1x256xi32, #tpu.memory_space<hbm>>
      %dma_wait3A_128 = tpu.memref_squeeze %dma_wait3A_127 : memref<1x1x256xi32, #tpu.memory_space<hbm>> -> memref<256xi32, #tpu.memory_space<hbm>>
      tpu.wait_dma2 semaphore(%arg12 : memref<!tpu.dma_semaphore, #tpu.memory_space<semaphore_mem>>) src(%dma_wait3A_128 : memref<256xi32, #tpu.memory_space<hbm>>) dst(%dma_wait3A_125 : memref<256xi32, #tpu.memory_space<vmem>>)
      %dma_start3A_129 = arith.constant 0 : i32
      %dma_start3A_130 = arith.constant 0 : i32
      %dma_start3A_131 = tpu.memref_slice %arg6[%dma_start3A_129, %dma_start3A_130] : memref<4x256xi32, #tpu.memory_space<vmem>> -> memref<1x256xi32, #tpu.memory_space<vmem>>
      %dma_start3A_132 = tpu.memref_squeeze %dma_start3A_131 : memref<1x256xi32, #tpu.memory_space<vmem>> -> memref<256xi32, #tpu.memory_space<vmem>>
      %dma_start3A_133 = arith.constant 0 : i32
      %dma_start3A_134 = arith.constant 0 : i32
      %dma_start3A_135 = tpu.memref_slice %arg10[%dma_start3A_133, %dma_start3A_134] : memref<10112x64xf32, #tpu.memory_space<vmem_shared>> -> memref<10112x64xf32, #tpu.memory_space<vmem_shared>>
      tpu.enqueue_indirect_dma source(%dma_start3A_135 : memref<10112x64xf32, #tpu.memory_space<vmem_shared>>) target(%arg8 : memref<256x64xf32, #tpu.memory_space<vmem>>) offsets(%dma_start3A_132 : memref<256xi32, #tpu.memory_space<vmem>>) semaphore(%arg20 : memref<!tpu.dma_semaphore, #tpu.memory_space<semaphore_mem>>)
      %dma_wait3A_136 = arith.constant 0 : i32
      %dma_wait3A_137 = arith.constant 0 : i32
      %dma_wait3A_138 = tpu.memref_slice %arg6[%dma_wait3A_136, %dma_wait3A_137] : memref<4x256xi32, #tpu.memory_space<vmem>> -> memref<1x256xi32, #tpu.memory_space<vmem>>
      %dma_wait3A_139 = tpu.memref_squeeze %dma_wait3A_138 : memref<1x256xi32, #tpu.memory_space<vmem>> -> memref<256xi32, #tpu.memory_space<vmem>>
      %dma_wait3A_140 = arith.constant 0 : i32
      %dma_wait3A_141 = arith.constant 0 : i32
      %dma_wait3A_142 = tpu.memref_slice %arg10[%dma_wait3A_140, %dma_wait3A_141] : memref<10112x64xf32, #tpu.memory_space<vmem_shared>> -> memref<10112x64xf32, #tpu.memory_space<vmem_shared>>
      tpu.wait_indirect_dma semaphore(%arg20 : memref<!tpu.dma_semaphore, #tpu.memory_space<semaphore_mem>>) src(%dma_wait3A_142 : memref<10112x64xf32, #tpu.memory_space<vmem_shared>>) dst(%arg8 : memref<256x64xf32, #tpu.memory_space<vmem>>)
      %add3A_143 = arith.constant 4 : i32
      %add3A_144 = arith.addi %add3A_106, %add3A_143 : i32
      %lt3A_145 = arith.constant 80 : i32
      %lt3A_146 = arith.cmpi slt, %add3A_144, %lt3A_145 : i32
      %convert_element_type3A_147 = arith.extui %lt3A_146 : i1 to i32
      %cond3A_148 = arith.constant 0 : i32
      %cond3A_149 = arith.cmpi ne, %convert_element_type3A_147, %cond3A_148 : i32
      scf.if %cond3A_149 {
        %add3A_391 = arith.constant 4 : i32
        %add3A_392 = arith.addi %add3A_106, %add3A_391 : i32
        %dma_start3A_393 = arith.constant 0 : i32
        %dma_start3A_394 = arith.constant 0 : i32
        %dma_start3A_395 = tpu.memref_slice %arg6[%dma_start3A_393, %dma_start3A_394] : memref<4x256xi32, #tpu.memory_space<vmem>> -> memref<1x256xi32, #tpu.memory_space<vmem>>
        %dma_start3A_396 = tpu.memref_squeeze %dma_start3A_395 : memref<1x256xi32, #tpu.memory_space<vmem>> -> memref<256xi32, #tpu.memory_space<vmem>>
        %dma_start3A_397 = arith.constant 0 : i32
        %dma_start3A_398 = tpu.memref_slice %arg3[%arg1, %add3A_392, %dma_start3A_397] : memref<16x80x256xi32, #tpu.memory_space<hbm>> -> memref<1x1x256xi32, #tpu.memory_space<hbm>>
        %dma_start3A_399 = tpu.memref_squeeze %dma_start3A_398 : memref<1x1x256xi32, #tpu.memory_space<hbm>> -> memref<256xi32, #tpu.memory_space<hbm>>
        %dma_start3A_400 = arith.constant 0 : i32
        %dma_start3A_401 = tpu.memref_slice %arg6[%dma_start3A_393, %dma_start3A_400] : memref<4x256xi32, #tpu.memory_space<vmem>> -> memref<1x256xi32, #tpu.memory_space<vmem>>
        %dma_start3A_402 = tpu.memref_squeeze %dma_start3A_401 : memref<1x256xi32, #tpu.memory_space<vmem>> -> memref<256xi32, #tpu.memory_space<vmem>>
        %dma_start3A_403 = arith.constant 0 : i32
        %dma_start3A_404 = tpu.memref_slice %arg3[%arg1, %add3A_392, %dma_start3A_403] : memref<16x80x256xi32, #tpu.memory_space<hbm>> -> memref<1x1x256xi32, #tpu.memory_space<hbm>>
        %dma_start3A_405 = tpu.memref_squeeze %dma_start3A_404 : memref<1x1x256xi32, #tpu.memory_space<hbm>> -> memref<256xi32, #tpu.memory_space<hbm>>
        tpu.enqueue_dma source(%dma_start3A_405 : memref<256xi32, #tpu.memory_space<hbm>>) target(%dma_start3A_402 : memref<256xi32, #tpu.memory_space<vmem>>) target_semaphore(%arg12 : memref<!tpu.dma_semaphore, #tpu.memory_space<semaphore_mem>>)
      } else {
      }
      %dma_wait3A_150 = arith.constant 0 : i32
      %dma_wait3A_151 = arith.constant 0 : i32
      %dma_wait3A_152 = arith.constant 0 : i32
      %dma_wait3A_153 = tpu.memref_slice %arg7[%dma_wait3A_151, %dma_wait3A_152] : memref<4x256xi32, #tpu.memory_space<vmem>> -> memref<1x256xi32, #tpu.memory_space<vmem>>
      %dma_wait3A_154 = tpu.memref_squeeze %dma_wait3A_153 : memref<1x256xi32, #tpu.memory_space<vmem>> -> memref<256xi32, #tpu.memory_space<vmem>>
      %dma_wait3A_155 = arith.constant 0 : i32
      %dma_wait3A_156 = tpu.memref_slice %arg4[%arg1, %dma_wait3A_150, %dma_wait3A_155] : memref<16x80x256xi32, #tpu.memory_space<hbm>> -> memref<1x1x256xi32, #tpu.memory_space<hbm>>
      %dma_wait3A_157 = tpu.memref_squeeze %dma_wait3A_156 : memref<1x1x256xi32, #tpu.memory_space<hbm>> -> memref<256xi32, #tpu.memory_space<hbm>>
      %dma_wait3A_158 = arith.constant 0 : i32
      %dma_wait3A_159 = tpu.memref_slice %arg7[%dma_wait3A_151, %dma_wait3A_158] : memref<4x256xi32, #tpu.memory_space<vmem>> -> memref<1x256xi32, #tpu.memory_space<vmem>>
      %dma_wait3A_160 = tpu.memref_squeeze %dma_wait3A_159 : memref<1x256xi32, #tpu.memory_space<vmem>> -> memref<256xi32, #tpu.memory_space<vmem>>
      %dma_wait3A_161 = arith.constant 0 : i32
      %dma_wait3A_162 = tpu.memref_slice %arg4[%arg1, %dma_wait3A_150, %dma_wait3A_161] : memref<16x80x256xi32, #tpu.memory_space<hbm>> -> memref<1x1x256xi32, #tpu.memory_space<hbm>>
      %dma_wait3A_163 = tpu.memref_squeeze %dma_wait3A_162 : memref<1x1x256xi32, #tpu.memory_space<hbm>> -> memref<256xi32, #tpu.memory_space<hbm>>
      tpu.wait_dma2 semaphore(%arg16 : memref<!tpu.dma_semaphore, #tpu.memory_space<semaphore_mem>>) src(%dma_wait3A_163 : memref<256xi32, #tpu.memory_space<hbm>>) dst(%dma_wait3A_160 : memref<256xi32, #tpu.memory_space<vmem>>)
      %dma_start3A_164 = arith.constant 0 : i32
      %dma_start3A_165 = arith.constant 0 : i32
      %dma_start3A_166 = tpu.memref_slice %arg7[%dma_start3A_164, %dma_start3A_165] : memref<4x256xi32, #tpu.memory_space<vmem>> -> memref<1x256xi32, #tpu.memory_space<vmem>>
      %dma_start3A_167 = tpu.memref_squeeze %dma_start3A_166 : memref<1x256xi32, #tpu.memory_space<vmem>> -> memref<256xi32, #tpu.memory_space<vmem>>
      %dma_start3A_168 = arith.constant 0 : i32
      %dma_start3A_169 = arith.constant 0 : i32
      %dma_start3A_170 = tpu.memref_slice %arg11[%dma_start3A_168, %dma_start3A_169] : memref<10112x64xf32, #tpu.memory_space<vmem_shared>> -> memref<10112x64xf32, #tpu.memory_space<vmem_shared>>
      tpu.enqueue_indirect_dma source(%arg8 : memref<256x64xf32, #tpu.memory_space<vmem>>) target(%dma_start3A_170 : memref<10112x64xf32, #tpu.memory_space<vmem_shared>>) offsets(%dma_start3A_167 : memref<256xi32, #tpu.memory_space<vmem>>) semaphore(%arg22 : memref<!tpu.dma_semaphore, #tpu.memory_space<semaphore_mem>>) {add = true}
      %mul3A_171 = arith.constant 4 : i32
      %mul3A_172 = arith.muli %mul3A_171, %scan3A_103 : i32
      %add3A_173 = arith.constant 1 : i32
      %add3A_174 = arith.addi %mul3A_172, %add3A_173 : i32
      %gt3A_175 = arith.constant 0 : i32
      %gt3A_176 = arith.cmpi sgt, %scan3A_103, %gt3A_175 : i32
      %convert_element_type3A_177 = arith.extui %gt3A_176 : i1 to i32
      %cond3A_178 = arith.constant 0 : i32
      %cond3A_179 = arith.cmpi ne, %convert_element_type3A_177, %cond3A_178 : i32
      scf.if %cond3A_179 {
        %dma_wait3A_391 = arith.constant 0 : i32
        %dma_wait3A_392 = arith.constant 0 : i32
        %dma_wait3A_393 = tpu.memref_slice %arg7[%dma_wait3A_391, %dma_wait3A_392] : memref<4x256xi32, #tpu.memory_space<vmem>> -> memref<1x256xi32, #tpu.memory_space<vmem>>
        %dma_wait3A_394 = tpu.memref_squeeze %dma_wait3A_393 : memref<1x256xi32, #tpu.memory_space<vmem>> -> memref<256xi32, #tpu.memory_space<vmem>>
        %dma_wait3A_395 = arith.constant 0 : i32
        %dma_wait3A_396 = arith.constant 0 : i32
        %dma_wait3A_397 = tpu.memref_slice %arg11[%dma_wait3A_395, %dma_wait3A_396] : memref<10112x64xf32, #tpu.memory_space<vmem_shared>> -> memref<10112x64xf32, #tpu.memory_space<vmem_shared>>
        tpu.wait_indirect_dma semaphore(%arg23 : memref<!tpu.dma_semaphore, #tpu.memory_space<semaphore_mem>>) src(%arg9 : memref<256x64xf32, #tpu.memory_space<vmem>>) dst(%dma_wait3A_397 : memref<10112x64xf32, #tpu.memory_space<vmem_shared>>)
      } else {
      }
      %add3A_180 = arith.constant 2 : i32
      %add3A_181 = arith.addi %add3A_174, %add3A_180 : i32
      %lt3A_182 = arith.constant 80 : i32
      %lt3A_183 = arith.cmpi slt, %add3A_181, %lt3A_182 : i32
      %convert_element_type3A_184 = arith.extui %lt3A_183 : i1 to i32
      %cond3A_185 = arith.constant 0 : i32
      %cond3A_186 = arith.cmpi ne, %convert_element_type3A_184, %cond3A_185 : i32
      scf.if %cond3A_186 {
        %add3A_391 = arith.constant 2 : i32
        %add3A_392 = arith.addi %add3A_174, %add3A_391 : i32
        %dma_start3A_393 = arith.constant 3 : i32
        %dma_start3A_394 = arith.constant 0 : i32
        %dma_start3A_395 = tpu.memref_slice %arg7[%dma_start3A_393, %dma_start3A_394] : memref<4x256xi32, #tpu.memory_space<vmem>> -> memref<1x256xi32, #tpu.memory_space<vmem>>
        %dma_start3A_396 = tpu.memref_squeeze %dma_start3A_395 : memref<1x256xi32, #tpu.memory_space<vmem>> -> memref<256xi32, #tpu.memory_space<vmem>>
        %dma_start3A_397 = arith.constant 0 : i32
        %dma_start3A_398 = tpu.memref_slice %arg4[%arg1, %add3A_392, %dma_start3A_397] : memref<16x80x256xi32, #tpu.memory_space<hbm>> -> memref<1x1x256xi32, #tpu.memory_space<hbm>>
        %dma_start3A_399 = tpu.memref_squeeze %dma_start3A_398 : memref<1x1x256xi32, #tpu.memory_space<hbm>> -> memref<256xi32, #tpu.memory_space<hbm>>
        %dma_start3A_400 = arith.constant 0 : i32
        %dma_start3A_401 = tpu.memref_slice %arg7[%dma_start3A_393, %dma_start3A_400] : memref<4x256xi32, #tpu.memory_space<vmem>> -> memref<1x256xi32, #tpu.memory_space<vmem>>
        %dma_start3A_402 = tpu.memref_squeeze %dma_start3A_401 : memref<1x256xi32, #tpu.memory_space<vmem>> -> memref<256xi32, #tpu.memory_space<vmem>>
        %dma_start3A_403 = arith.constant 0 : i32
        %dma_start3A_404 = tpu.memref_slice %arg4[%arg1, %add3A_392, %dma_start3A_403] : memref<16x80x256xi32, #tpu.memory_space<hbm>> -> memref<1x1x256xi32, #tpu.memory_space<hbm>>
        %dma_start3A_405 = tpu.memref_squeeze %dma_start3A_404 : memref<1x1x256xi32, #tpu.memory_space<hbm>> -> memref<256xi32, #tpu.memory_space<hbm>>
        tpu.enqueue_dma source(%dma_start3A_405 : memref<256xi32, #tpu.memory_space<hbm>>) target(%dma_start3A_402 : memref<256xi32, #tpu.memory_space<vmem>>) target_semaphore(%arg19 : memref<!tpu.dma_semaphore, #tpu.memory_space<semaphore_mem>>)
      } else {
      }
      %dma_wait3A_187 = arith.constant 0 : i32
      %dma_wait3A_188 = arith.constant 1 : i32
      %dma_wait3A_189 = arith.constant 0 : i32
      %dma_wait3A_190 = tpu.memref_slice %arg6[%dma_wait3A_188, %dma_wait3A_189] : memref<4x256xi32, #tpu.memory_space<vmem>> -> memref<1x256xi32, #tpu.memory_space<vmem>>
      %dma_wait3A_191 = tpu.memref_squeeze %dma_wait3A_190 : memref<1x256xi32, #tpu.memory_space<vmem>> -> memref<256xi32, #tpu.memory_space<vmem>>
      %dma_wait3A_192 = arith.constant 0 : i32
      %dma_wait3A_193 = tpu.memref_slice %arg3[%arg1, %dma_wait3A_187, %dma_wait3A_192] : memref<16x80x256xi32, #tpu.memory_space<hbm>> -> memref<1x1x256xi32, #tpu.memory_space<hbm>>
      %dma_wait3A_194 = tpu.memref_squeeze %dma_wait3A_193 : memref<1x1x256xi32, #tpu.memory_space<hbm>> -> memref<256xi32, #tpu.memory_space<hbm>>
      %dma_wait3A_195 = arith.constant 0 : i32
      %dma_wait3A_196 = tpu.memref_slice %arg6[%dma_wait3A_188, %dma_wait3A_195] : memref<4x256xi32, #tpu.memory_space<vmem>> -> memref<1x256xi32, #tpu.memory_space<vmem>>
      %dma_wait3A_197 = tpu.memref_squeeze %dma_wait3A_196 : memref<1x256xi32, #tpu.memory_space<vmem>> -> memref<256xi32, #tpu.memory_space<vmem>>
      %dma_wait3A_198 = arith.constant 0 : i32
      %dma_wait3A_199 = tpu.memref_slice %arg3[%arg1, %dma_wait3A_187, %dma_wait3A_198] : memref<16x80x256xi32, #tpu.memory_space<hbm>> -> memref<1x1x256xi32, #tpu.memory_space<hbm>>
      %dma_wait3A_200 = tpu.memref_squeeze %dma_wait3A_199 : memref<1x1x256xi32, #tpu.memory_space<hbm>> -> memref<256xi32, #tpu.memory_space<hbm>>
      tpu.wait_dma2 semaphore(%arg13 : memref<!tpu.dma_semaphore, #tpu.memory_space<semaphore_mem>>) src(%dma_wait3A_200 : memref<256xi32, #tpu.memory_space<hbm>>) dst(%dma_wait3A_197 : memref<256xi32, #tpu.memory_space<vmem>>)
      %dma_start3A_201 = arith.constant 1 : i32
      %dma_start3A_202 = arith.constant 0 : i32
      %dma_start3A_203 = tpu.memref_slice %arg6[%dma_start3A_201, %dma_start3A_202] : memref<4x256xi32, #tpu.memory_space<vmem>> -> memref<1x256xi32, #tpu.memory_space<vmem>>
      %dma_start3A_204 = tpu.memref_squeeze %dma_start3A_203 : memref<1x256xi32, #tpu.memory_space<vmem>> -> memref<256xi32, #tpu.memory_space<vmem>>
      %dma_start3A_205 = arith.constant 0 : i32
      %dma_start3A_206 = arith.constant 0 : i32
      %dma_start3A_207 = tpu.memref_slice %arg10[%dma_start3A_205, %dma_start3A_206] : memref<10112x64xf32, #tpu.memory_space<vmem_shared>> -> memref<10112x64xf32, #tpu.memory_space<vmem_shared>>
      tpu.enqueue_indirect_dma source(%dma_start3A_207 : memref<10112x64xf32, #tpu.memory_space<vmem_shared>>) target(%arg9 : memref<256x64xf32, #tpu.memory_space<vmem>>) offsets(%dma_start3A_204 : memref<256xi32, #tpu.memory_space<vmem>>) semaphore(%arg21 : memref<!tpu.dma_semaphore, #tpu.memory_space<semaphore_mem>>)
      %dma_wait3A_208 = arith.constant 1 : i32
      %dma_wait3A_209 = arith.constant 0 : i32
      %dma_wait3A_210 = tpu.memref_slice %arg6[%dma_wait3A_208, %dma_wait3A_209] : memref<4x256xi32, #tpu.memory_space<vmem>> -> memref<1x256xi32, #tpu.memory_space<vmem>>
      %dma_wait3A_211 = tpu.memref_squeeze %dma_wait3A_210 : memref<1x256xi32, #tpu.memory_space<vmem>> -> memref<256xi32, #tpu.memory_space<vmem>>
      %dma_wait3A_212 = arith.constant 0 : i32
      %dma_wait3A_213 = arith.constant 0 : i32
      %dma_wait3A_214 = tpu.memref_slice %arg10[%dma_wait3A_212, %dma_wait3A_213] : memref<10112x64xf32, #tpu.memory_space<vmem_shared>> -> memref<10112x64xf32, #tpu.memory_space<vmem_shared>>
      tpu.wait_indirect_dma semaphore(%arg21 : memref<!tpu.dma_semaphore, #tpu.memory_space<semaphore_mem>>) src(%dma_wait3A_214 : memref<10112x64xf32, #tpu.memory_space<vmem_shared>>) dst(%arg9 : memref<256x64xf32, #tpu.memory_space<vmem>>)
      %add3A_215 = arith.constant 4 : i32
      %add3A_216 = arith.addi %add3A_174, %add3A_215 : i32
      %lt3A_217 = arith.constant 80 : i32
      %lt3A_218 = arith.cmpi slt, %add3A_216, %lt3A_217 : i32
      %convert_element_type3A_219 = arith.extui %lt3A_218 : i1 to i32
      %cond3A_220 = arith.constant 0 : i32
      %cond3A_221 = arith.cmpi ne, %convert_element_type3A_219, %cond3A_220 : i32
      scf.if %cond3A_221 {
        %add3A_391 = arith.constant 4 : i32
        %add3A_392 = arith.addi %add3A_174, %add3A_391 : i32
        %dma_start3A_393 = arith.constant 1 : i32
        %dma_start3A_394 = arith.constant 0 : i32
        %dma_start3A_395 = tpu.memref_slice %arg6[%dma_start3A_393, %dma_start3A_394] : memref<4x256xi32, #tpu.memory_space<vmem>> -> memref<1x256xi32, #tpu.memory_space<vmem>>
        %dma_start3A_396 = tpu.memref_squeeze %dma_start3A_395 : memref<1x256xi32, #tpu.memory_space<vmem>> -> memref<256xi32, #tpu.memory_space<vmem>>
        %dma_start3A_397 = arith.constant 0 : i32
        %dma_start3A_398 = tpu.memref_slice %arg3[%arg1, %add3A_392, %dma_start3A_397] : memref<16x80x256xi32, #tpu.memory_space<hbm>> -> memref<1x1x256xi32, #tpu.memory_space<hbm>>
        %dma_start3A_399 = tpu.memref_squeeze %dma_start3A_398 : memref<1x1x256xi32, #tpu.memory_space<hbm>> -> memref<256xi32, #tpu.memory_space<hbm>>
        %dma_start3A_400 = arith.constant 0 : i32
        %dma_start3A_401 = tpu.memref_slice %arg6[%dma_start3A_393, %dma_start3A_400] : memref<4x256xi32, #tpu.memory_space<vmem>> -> memref<1x256xi32, #tpu.memory_space<vmem>>
        %dma_start3A_402 = tpu.memref_squeeze %dma_start3A_401 : memref<1x256xi32, #tpu.memory_space<vmem>> -> memref<256xi32, #tpu.memory_space<vmem>>
        %dma_start3A_403 = arith.constant 0 : i32
        %dma_start3A_404 = tpu.memref_slice %arg3[%arg1, %add3A_392, %dma_start3A_403] : memref<16x80x256xi32, #tpu.memory_space<hbm>> -> memref<1x1x256xi32, #tpu.memory_space<hbm>>
        %dma_start3A_405 = tpu.memref_squeeze %dma_start3A_404 : memref<1x1x256xi32, #tpu.memory_space<hbm>> -> memref<256xi32, #tpu.memory_space<hbm>>
        tpu.enqueue_dma source(%dma_start3A_405 : memref<256xi32, #tpu.memory_space<hbm>>) target(%dma_start3A_402 : memref<256xi32, #tpu.memory_space<vmem>>) target_semaphore(%arg13 : memref<!tpu.dma_semaphore, #tpu.memory_space<semaphore_mem>>)
      } else {
      }
      %dma_wait3A_222 = arith.constant 0 : i32
      %dma_wait3A_223 = arith.constant 1 : i32
      %dma_wait3A_224 = arith.constant 0 : i32
      %dma_wait3A_225 = tpu.memref_slice %arg7[%dma_wait3A_223, %dma_wait3A_224] : memref<4x256xi32, #tpu.memory_space<vmem>> -> memref<1x256xi32, #tpu.memory_space<vmem>>
      %dma_wait3A_226 = tpu.memref_squeeze %dma_wait3A_225 : memref<1x256xi32, #tpu.memory_space<vmem>> -> memref<256xi32, #tpu.memory_space<vmem>>
      %dma_wait3A_227 = arith.constant 0 : i32
      %dma_wait3A_228 = tpu.memref_slice %arg4[%arg1, %dma_wait3A_222, %dma_wait3A_227] : memref<16x80x256xi32, #tpu.memory_space<hbm>> -> memref<1x1x256xi32, #tpu.memory_space<hbm>>
      %dma_wait3A_229 = tpu.memref_squeeze %dma_wait3A_228 : memref<1x1x256xi32, #tpu.memory_space<hbm>> -> memref<256xi32, #tpu.memory_space<hbm>>
      %dma_wait3A_230 = arith.constant 0 : i32
      %dma_wait3A_231 = tpu.memref_slice %arg7[%dma_wait3A_223, %dma_wait3A_230] : memref<4x256xi32, #tpu.memory_space<vmem>> -> memref<1x256xi32, #tpu.memory_space<vmem>>
      %dma_wait3A_232 = tpu.memref_squeeze %dma_wait3A_231 : memref<1x256xi32, #tpu.memory_space<vmem>> -> memref<256xi32, #tpu.memory_space<vmem>>
      %dma_wait3A_233 = arith.constant 0 : i32
      %dma_wait3A_234 = tpu.memref_slice %arg4[%arg1, %dma_wait3A_222, %dma_wait3A_233] : memref<16x80x256xi32, #tpu.memory_space<hbm>> -> memref<1x1x256xi32, #tpu.memory_space<hbm>>
      %dma_wait3A_235 = tpu.memref_squeeze %dma_wait3A_234 : memref<1x1x256xi32, #tpu.memory_space<hbm>> -> memref<256xi32, #tpu.memory_space<hbm>>
      tpu.wait_dma2 semaphore(%arg17 : memref<!tpu.dma_semaphore, #tpu.memory_space<semaphore_mem>>) src(%dma_wait3A_235 : memref<256xi32, #tpu.memory_space<hbm>>) dst(%dma_wait3A_232 : memref<256xi32, #tpu.memory_space<vmem>>)
      %dma_start3A_236 = arith.constant 1 : i32
      %dma_start3A_237 = arith.constant 0 : i32
      %dma_start3A_238 = tpu.memref_slice %arg7[%dma_start3A_236, %dma_start3A_237] : memref<4x256xi32, #tpu.memory_space<vmem>> -> memref<1x256xi32, #tpu.memory_space<vmem>>
      %dma_start3A_239 = tpu.memref_squeeze %dma_start3A_238 : memref<1x256xi32, #tpu.memory_space<vmem>> -> memref<256xi32, #tpu.memory_space<vmem>>
      %dma_start3A_240 = arith.constant 0 : i32
      %dma_start3A_241 = arith.constant 0 : i32
      %dma_start3A_242 = tpu.memref_slice %arg11[%dma_start3A_240, %dma_start3A_241] : memref<10112x64xf32, #tpu.memory_space<vmem_shared>> -> memref<10112x64xf32, #tpu.memory_space<vmem_shared>>
      tpu.enqueue_indirect_dma source(%arg9 : memref<256x64xf32, #tpu.memory_space<vmem>>) target(%dma_start3A_242 : memref<10112x64xf32, #tpu.memory_space<vmem_shared>>) offsets(%dma_start3A_239 : memref<256xi32, #tpu.memory_space<vmem>>) semaphore(%arg23 : memref<!tpu.dma_semaphore, #tpu.memory_space<semaphore_mem>>) {add = true}
      %mul3A_243 = arith.constant 4 : i32
      %mul3A_244 = arith.muli %mul3A_243, %scan3A_103 : i32
      %add3A_245 = arith.constant 2 : i32
      %add3A_246 = arith.addi %mul3A_244, %add3A_245 : i32
      %dma_wait3A_247 = arith.constant 0 : i32
      %dma_wait3A_248 = arith.constant 0 : i32
      %dma_wait3A_249 = tpu.memref_slice %arg7[%dma_wait3A_247, %dma_wait3A_248] : memref<4x256xi32, #tpu.memory_space<vmem>> -> memref<1x256xi32, #tpu.memory_space<vmem>>
      %dma_wait3A_250 = tpu.memref_squeeze %dma_wait3A_249 : memref<1x256xi32, #tpu.memory_space<vmem>> -> memref<256xi32, #tpu.memory_space<vmem>>
      %dma_wait3A_251 = arith.constant 0 : i32
      %dma_wait3A_252 = arith.constant 0 : i32
      %dma_wait3A_253 = tpu.memref_slice %arg11[%dma_wait3A_251, %dma_wait3A_252] : memref<10112x64xf32, #tpu.memory_space<vmem_shared>> -> memref<10112x64xf32, #tpu.memory_space<vmem_shared>>
      tpu.wait_indirect_dma semaphore(%arg22 : memref<!tpu.dma_semaphore, #tpu.memory_space<semaphore_mem>>) src(%arg8 : memref<256x64xf32, #tpu.memory_space<vmem>>) dst(%dma_wait3A_253 : memref<10112x64xf32, #tpu.memory_space<vmem_shared>>)
      %add3A_254 = arith.constant 2 : i32
      %add3A_255 = arith.addi %add3A_246, %add3A_254 : i32
      %lt3A_256 = arith.constant 80 : i32
      %lt3A_257 = arith.cmpi slt, %add3A_255, %lt3A_256 : i32
      %convert_element_type3A_258 = arith.extui %lt3A_257 : i1 to i32
      %cond3A_259 = arith.constant 0 : i32
      %cond3A_260 = arith.cmpi ne, %convert_element_type3A_258, %cond3A_259 : i32
      scf.if %cond3A_260 {
        %add3A_391 = arith.constant 2 : i32
        %add3A_392 = arith.addi %add3A_246, %add3A_391 : i32
        %dma_start3A_393 = arith.constant 0 : i32
        %dma_start3A_394 = arith.constant 0 : i32
        %dma_start3A_395 = tpu.memref_slice %arg7[%dma_start3A_393, %dma_start3A_394] : memref<4x256xi32, #tpu.memory_space<vmem>> -> memref<1x256xi32, #tpu.memory_space<vmem>>
        %dma_start3A_396 = tpu.memref_squeeze %dma_start3A_395 : memref<1x256xi32, #tpu.memory_space<vmem>> -> memref<256xi32, #tpu.memory_space<vmem>>
        %dma_start3A_397 = arith.constant 0 : i32
        %dma_start3A_398 = tpu.memref_slice %arg4[%arg1, %add3A_392, %dma_start3A_397] : memref<16x80x256xi32, #tpu.memory_space<hbm>> -> memref<1x1x256xi32, #tpu.memory_space<hbm>>
        %dma_start3A_399 = tpu.memref_squeeze %dma_start3A_398 : memref<1x1x256xi32, #tpu.memory_space<hbm>> -> memref<256xi32, #tpu.memory_space<hbm>>
        %dma_start3A_400 = arith.constant 0 : i32
        %dma_start3A_401 = tpu.memref_slice %arg7[%dma_start3A_393, %dma_start3A_400] : memref<4x256xi32, #tpu.memory_space<vmem>> -> memref<1x256xi32, #tpu.memory_space<vmem>>
        %dma_start3A_402 = tpu.memref_squeeze %dma_start3A_401 : memref<1x256xi32, #tpu.memory_space<vmem>> -> memref<256xi32, #tpu.memory_space<vmem>>
        %dma_start3A_403 = arith.constant 0 : i32
        %dma_start3A_404 = tpu.memref_slice %arg4[%arg1, %add3A_392, %dma_start3A_403] : memref<16x80x256xi32, #tpu.memory_space<hbm>> -> memref<1x1x256xi32, #tpu.memory_space<hbm>>
        %dma_start3A_405 = tpu.memref_squeeze %dma_start3A_404 : memref<1x1x256xi32, #tpu.memory_space<hbm>> -> memref<256xi32, #tpu.memory_space<hbm>>
        tpu.enqueue_dma source(%dma_start3A_405 : memref<256xi32, #tpu.memory_space<hbm>>) target(%dma_start3A_402 : memref<256xi32, #tpu.memory_space<vmem>>) target_semaphore(%arg16 : memref<!tpu.dma_semaphore, #tpu.memory_space<semaphore_mem>>)
      } else {
      }
      %dma_wait3A_261 = arith.constant 0 : i32
      %dma_wait3A_262 = arith.constant 2 : i32
      %dma_wait3A_263 = arith.constant 0 : i32
      %dma_wait3A_264 = tpu.memref_slice %arg6[%dma_wait3A_262, %dma_wait3A_263] : memref<4x256xi32, #tpu.memory_space<vmem>> -> memref<1x256xi32, #tpu.memory_space<vmem>>
      %dma_wait3A_265 = tpu.memref_squeeze %dma_wait3A_264 : memref<1x256xi32, #tpu.memory_space<vmem>> -> memref<256xi32, #tpu.memory_space<vmem>>
      %dma_wait3A_266 = arith.constant 0 : i32
      %dma_wait3A_267 = tpu.memref_slice %arg3[%arg1, %dma_wait3A_261, %dma_wait3A_266] : memref<16x80x256xi32, #tpu.memory_space<hbm>> -> memref<1x1x256xi32, #tpu.memory_space<hbm>>
      %dma_wait3A_268 = tpu.memref_squeeze %dma_wait3A_267 : memref<1x1x256xi32, #tpu.memory_space<hbm>> -> memref<256xi32, #tpu.memory_space<hbm>>
      %dma_wait3A_269 = arith.constant 0 : i32
      %dma_wait3A_270 = tpu.memref_slice %arg6[%dma_wait3A_262, %dma_wait3A_269] : memref<4x256xi32, #tpu.memory_space<vmem>> -> memref<1x256xi32, #tpu.memory_space<vmem>>
      %dma_wait3A_271 = tpu.memref_squeeze %dma_wait3A_270 : memref<1x256xi32, #tpu.memory_space<vmem>> -> memref<256xi32, #tpu.memory_space<vmem>>
      %dma_wait3A_272 = arith.constant 0 : i32
      %dma_wait3A_273 = tpu.memref_slice %arg3[%arg1, %dma_wait3A_261, %dma_wait3A_272] : memref<16x80x256xi32, #tpu.memory_space<hbm>> -> memref<1x1x256xi32, #tpu.memory_space<hbm>>
      %dma_wait3A_274 = tpu.memref_squeeze %dma_wait3A_273 : memref<1x1x256xi32, #tpu.memory_space<hbm>> -> memref<256xi32, #tpu.memory_space<hbm>>
      tpu.wait_dma2 semaphore(%arg14 : memref<!tpu.dma_semaphore, #tpu.memory_space<semaphore_mem>>) src(%dma_wait3A_274 : memref<256xi32, #tpu.memory_space<hbm>>) dst(%dma_wait3A_271 : memref<256xi32, #tpu.memory_space<vmem>>)
      %dma_start3A_275 = arith.constant 2 : i32
      %dma_start3A_276 = arith.constant 0 : i32
      %dma_start3A_277 = tpu.memref_slice %arg6[%dma_start3A_275, %dma_start3A_276] : memref<4x256xi32, #tpu.memory_space<vmem>> -> memref<1x256xi32, #tpu.memory_space<vmem>>
      %dma_start3A_278 = tpu.memref_squeeze %dma_start3A_277 : memref<1x256xi32, #tpu.memory_space<vmem>> -> memref<256xi32, #tpu.memory_space<vmem>>
      %dma_start3A_279 = arith.constant 0 : i32
      %dma_start3A_280 = arith.constant 0 : i32
      %dma_start3A_281 = tpu.memref_slice %arg10[%dma_start3A_279, %dma_start3A_280] : memref<10112x64xf32, #tpu.memory_space<vmem_shared>> -> memref<10112x64xf32, #tpu.memory_space<vmem_shared>>
      tpu.enqueue_indirect_dma source(%dma_start3A_281 : memref<10112x64xf32, #tpu.memory_space<vmem_shared>>) target(%arg8 : memref<256x64xf32, #tpu.memory_space<vmem>>) offsets(%dma_start3A_278 : memref<256xi32, #tpu.memory_space<vmem>>) semaphore(%arg20 : memref<!tpu.dma_semaphore, #tpu.memory_space<semaphore_mem>>)
      %dma_wait3A_282 = arith.constant 2 : i32
      %dma_wait3A_283 = arith.constant 0 : i32
      %dma_wait3A_284 = tpu.memref_slice %arg6[%dma_wait3A_282, %dma_wait3A_283] : memref<4x256xi32, #tpu.memory_space<vmem>> -> memref<1x256xi32, #tpu.memory_space<vmem>>
      %dma_wait3A_285 = tpu.memref_squeeze %dma_wait3A_284 : memref<1x256xi32, #tpu.memory_space<vmem>> -> memref<256xi32, #tpu.memory_space<vmem>>
      %dma_wait3A_286 = arith.constant 0 : i32
      %dma_wait3A_287 = arith.constant 0 : i32
      %dma_wait3A_288 = tpu.memref_slice %arg10[%dma_wait3A_286, %dma_wait3A_287] : memref<10112x64xf32, #tpu.memory_space<vmem_shared>> -> memref<10112x64xf32, #tpu.memory_space<vmem_shared>>
      tpu.wait_indirect_dma semaphore(%arg20 : memref<!tpu.dma_semaphore, #tpu.memory_space<semaphore_mem>>) src(%dma_wait3A_288 : memref<10112x64xf32, #tpu.memory_space<vmem_shared>>) dst(%arg8 : memref<256x64xf32, #tpu.memory_space<vmem>>)
      %add3A_289 = arith.constant 4 : i32
      %add3A_290 = arith.addi %add3A_246, %add3A_289 : i32
      %lt3A_291 = arith.constant 80 : i32
      %lt3A_292 = arith.cmpi slt, %add3A_290, %lt3A_291 : i32
      %convert_element_type3A_293 = arith.extui %lt3A_292 : i1 to i32
      %cond3A_294 = arith.constant 0 : i32
      %cond3A_295 = arith.cmpi ne, %convert_element_type3A_293, %cond3A_294 : i32
      scf.if %cond3A_295 {
        %add3A_391 = arith.constant 4 : i32
        %add3A_392 = arith.addi %add3A_246, %add3A_391 : i32
        %dma_start3A_393 = arith.constant 2 : i32
        %dma_start3A_394 = arith.constant 0 : i32
        %dma_start3A_395 = tpu.memref_slice %arg6[%dma_start3A_393, %dma_start3A_394] : memref<4x256xi32, #tpu.memory_space<vmem>> -> memref<1x256xi32, #tpu.memory_space<vmem>>
        %dma_start3A_396 = tpu.memref_squeeze %dma_start3A_395 : memref<1x256xi32, #tpu.memory_space<vmem>> -> memref<256xi32, #tpu.memory_space<vmem>>
        %dma_start3A_397 = arith.constant 0 : i32
        %dma_start3A_398 = tpu.memref_slice %arg3[%arg1, %add3A_392, %dma_start3A_397] : memref<16x80x256xi32, #tpu.memory_space<hbm>> -> memref<1x1x256xi32, #tpu.memory_space<hbm>>
        %dma_start3A_399 = tpu.memref_squeeze %dma_start3A_398 : memref<1x1x256xi32, #tpu.memory_space<hbm>> -> memref<256xi32, #tpu.memory_space<hbm>>
        %dma_start3A_400 = arith.constant 0 : i32
        %dma_start3A_401 = tpu.memref_slice %arg6[%dma_start3A_393, %dma_start3A_400] : memref<4x256xi32, #tpu.memory_space<vmem>> -> memref<1x256xi32, #tpu.memory_space<vmem>>
        %dma_start3A_402 = tpu.memref_squeeze %dma_start3A_401 : memref<1x256xi32, #tpu.memory_space<vmem>> -> memref<256xi32, #tpu.memory_space<vmem>>
        %dma_start3A_403 = arith.constant 0 : i32
        %dma_start3A_404 = tpu.memref_slice %arg3[%arg1, %add3A_392, %dma_start3A_403] : memref<16x80x256xi32, #tpu.memory_space<hbm>> -> memref<1x1x256xi32, #tpu.memory_space<hbm>>
        %dma_start3A_405 = tpu.memref_squeeze %dma_start3A_404 : memref<1x1x256xi32, #tpu.memory_space<hbm>> -> memref<256xi32, #tpu.memory_space<hbm>>
        tpu.enqueue_dma source(%dma_start3A_405 : memref<256xi32, #tpu.memory_space<hbm>>) target(%dma_start3A_402 : memref<256xi32, #tpu.memory_space<vmem>>) target_semaphore(%arg14 : memref<!tpu.dma_semaphore, #tpu.memory_space<semaphore_mem>>)
      } else {
      }
      %dma_wait3A_296 = arith.constant 0 : i32
      %dma_wait3A_297 = arith.constant 2 : i32
      %dma_wait3A_298 = arith.constant 0 : i32
      %dma_wait3A_299 = tpu.memref_slice %arg7[%dma_wait3A_297, %dma_wait3A_298] : memref<4x256xi32, #tpu.memory_space<vmem>> -> memref<1x256xi32, #tpu.memory_space<vmem>>
      %dma_wait3A_300 = tpu.memref_squeeze %dma_wait3A_299 : memref<1x256xi32, #tpu.memory_space<vmem>> -> memref<256xi32, #tpu.memory_space<vmem>>
      %dma_wait3A_301 = arith.constant 0 : i32
      %dma_wait3A_302 = tpu.memref_slice %arg4[%arg1, %dma_wait3A_296, %dma_wait3A_301] : memref<16x80x256xi32, #tpu.memory_space<hbm>> -> memref<1x1x256xi32, #tpu.memory_space<hbm>>
      %dma_wait3A_303 = tpu.memref_squeeze %dma_wait3A_302 : memref<1x1x256xi32, #tpu.memory_space<hbm>> -> memref<256xi32, #tpu.memory_space<hbm>>
      %dma_wait3A_304 = arith.constant 0 : i32
      %dma_wait3A_305 = tpu.memref_slice %arg7[%dma_wait3A_297, %dma_wait3A_304] : memref<4x256xi32, #tpu.memory_space<vmem>> -> memref<1x256xi32, #tpu.memory_space<vmem>>
      %dma_wait3A_306 = tpu.memref_squeeze %dma_wait3A_305 : memref<1x256xi32, #tpu.memory_space<vmem>> -> memref<256xi32, #tpu.memory_space<vmem>>
      %dma_wait3A_307 = arith.constant 0 : i32
      %dma_wait3A_308 = tpu.memref_slice %arg4[%arg1, %dma_wait3A_296, %dma_wait3A_307] : memref<16x80x256xi32, #tpu.memory_space<hbm>> -> memref<1x1x256xi32, #tpu.memory_space<hbm>>
      %dma_wait3A_309 = tpu.memref_squeeze %dma_wait3A_308 : memref<1x1x256xi32, #tpu.memory_space<hbm>> -> memref<256xi32, #tpu.memory_space<hbm>>
      tpu.wait_dma2 semaphore(%arg18 : memref<!tpu.dma_semaphore, #tpu.memory_space<semaphore_mem>>) src(%dma_wait3A_309 : memref<256xi32, #tpu.memory_space<hbm>>) dst(%dma_wait3A_306 : memref<256xi32, #tpu.memory_space<vmem>>)
      %dma_start3A_310 = arith.constant 2 : i32
      %dma_start3A_311 = arith.constant 0 : i32
      %dma_start3A_312 = tpu.memref_slice %arg7[%dma_start3A_310, %dma_start3A_311] : memref<4x256xi32, #tpu.memory_space<vmem>> -> memref<1x256xi32, #tpu.memory_space<vmem>>
      %dma_start3A_313 = tpu.memref_squeeze %dma_start3A_312 : memref<1x256xi32, #tpu.memory_space<vmem>> -> memref<256xi32, #tpu.memory_space<vmem>>
      %dma_start3A_314 = arith.constant 0 : i32
      %dma_start3A_315 = arith.constant 0 : i32
      %dma_start3A_316 = tpu.memref_slice %arg11[%dma_start3A_314, %dma_start3A_315] : memref<10112x64xf32, #tpu.memory_space<vmem_shared>> -> memref<10112x64xf32, #tpu.memory_space<vmem_shared>>
      tpu.enqueue_indirect_dma source(%arg8 : memref<256x64xf32, #tpu.memory_space<vmem>>) target(%dma_start3A_316 : memref<10112x64xf32, #tpu.memory_space<vmem_shared>>) offsets(%dma_start3A_313 : memref<256xi32, #tpu.memory_space<vmem>>) semaphore(%arg22 : memref<!tpu.dma_semaphore, #tpu.memory_space<semaphore_mem>>) {add = true}
      %mul3A_317 = arith.constant 4 : i32
      %mul3A_318 = arith.muli %mul3A_317, %scan3A_103 : i32
      %add3A_319 = arith.constant 3 : i32
      %add3A_320 = arith.addi %mul3A_318, %add3A_319 : i32
      %dma_wait3A_321 = arith.constant 0 : i32
      %dma_wait3A_322 = arith.constant 0 : i32
      %dma_wait3A_323 = tpu.memref_slice %arg7[%dma_wait3A_321, %dma_wait3A_322] : memref<4x256xi32, #tpu.memory_space<vmem>> -> memref<1x256xi32, #tpu.memory_space<vmem>>
      %dma_wait3A_324 = tpu.memref_squeeze %dma_wait3A_323 : memref<1x256xi32, #tpu.memory_space<vmem>> -> memref<256xi32, #tpu.memory_space<vmem>>
      %dma_wait3A_325 = arith.constant 0 : i32
      %dma_wait3A_326 = arith.constant 0 : i32
      %dma_wait3A_327 = tpu.memref_slice %arg11[%dma_wait3A_325, %dma_wait3A_326] : memref<10112x64xf32, #tpu.memory_space<vmem_shared>> -> memref<10112x64xf32, #tpu.memory_space<vmem_shared>>
      tpu.wait_indirect_dma semaphore(%arg23 : memref<!tpu.dma_semaphore, #tpu.memory_space<semaphore_mem>>) src(%arg9 : memref<256x64xf32, #tpu.memory_space<vmem>>) dst(%dma_wait3A_327 : memref<10112x64xf32, #tpu.memory_space<vmem_shared>>)
      %add3A_328 = arith.constant 2 : i32
      %add3A_329 = arith.addi %add3A_320, %add3A_328 : i32
      %lt3A_330 = arith.constant 80 : i32
      %lt3A_331 = arith.cmpi slt, %add3A_329, %lt3A_330 : i32
      %convert_element_type3A_332 = arith.extui %lt3A_331 : i1 to i32
      %cond3A_333 = arith.constant 0 : i32
      %cond3A_334 = arith.cmpi ne, %convert_element_type3A_332, %cond3A_333 : i32
      scf.if %cond3A_334 {
        %add3A_391 = arith.constant 2 : i32
        %add3A_392 = arith.addi %add3A_320, %add3A_391 : i32
        %dma_start3A_393 = arith.constant 1 : i32
        %dma_start3A_394 = arith.constant 0 : i32
        %dma_start3A_395 = tpu.memref_slice %arg7[%dma_start3A_393, %dma_start3A_394] : memref<4x256xi32, #tpu.memory_space<vmem>> -> memref<1x256xi32, #tpu.memory_space<vmem>>
        %dma_start3A_396 = tpu.memref_squeeze %dma_start3A_395 : memref<1x256xi32, #tpu.memory_space<vmem>> -> memref<256xi32, #tpu.memory_space<vmem>>
        %dma_start3A_397 = arith.constant 0 : i32
        %dma_start3A_398 = tpu.memref_slice %arg4[%arg1, %add3A_392, %dma_start3A_397] : memref<16x80x256xi32, #tpu.memory_space<hbm>> -> memref<1x1x256xi32, #tpu.memory_space<hbm>>
        %dma_start3A_399 = tpu.memref_squeeze %dma_start3A_398 : memref<1x1x256xi32, #tpu.memory_space<hbm>> -> memref<256xi32, #tpu.memory_space<hbm>>
        %dma_start3A_400 = arith.constant 0 : i32
        %dma_start3A_401 = tpu.memref_slice %arg7[%dma_start3A_393, %dma_start3A_400] : memref<4x256xi32, #tpu.memory_space<vmem>> -> memref<1x256xi32, #tpu.memory_space<vmem>>
        %dma_start3A_402 = tpu.memref_squeeze %dma_start3A_401 : memref<1x256xi32, #tpu.memory_space<vmem>> -> memref<256xi32, #tpu.memory_space<vmem>>
        %dma_start3A_403 = arith.constant 0 : i32
        %dma_start3A_404 = tpu.memref_slice %arg4[%arg1, %add3A_392, %dma_start3A_403] : memref<16x80x256xi32, #tpu.memory_space<hbm>> -> memref<1x1x256xi32, #tpu.memory_space<hbm>>
        %dma_start3A_405 = tpu.memref_squeeze %dma_start3A_404 : memref<1x1x256xi32, #tpu.memory_space<hbm>> -> memref<256xi32, #tpu.memory_space<hbm>>
        tpu.enqueue_dma source(%dma_start3A_405 : memref<256xi32, #tpu.memory_space<hbm>>) target(%dma_start3A_402 : memref<256xi32, #tpu.memory_space<vmem>>) target_semaphore(%arg17 : memref<!tpu.dma_semaphore, #tpu.memory_space<semaphore_mem>>)
      } else {
      }
      %dma_wait3A_335 = arith.constant 0 : i32
      %dma_wait3A_336 = arith.constant 3 : i32
      %dma_wait3A_337 = arith.constant 0 : i32
      %dma_wait3A_338 = tpu.memref_slice %arg6[%dma_wait3A_336, %dma_wait3A_337] : memref<4x256xi32, #tpu.memory_space<vmem>> -> memref<1x256xi32, #tpu.memory_space<vmem>>
      %dma_wait3A_339 = tpu.memref_squeeze %dma_wait3A_338 : memref<1x256xi32, #tpu.memory_space<vmem>> -> memref<256xi32, #tpu.memory_space<vmem>>
      %dma_wait3A_340 = arith.constant 0 : i32
      %dma_wait3A_341 = tpu.memref_slice %arg3[%arg1, %dma_wait3A_335, %dma_wait3A_340] : memref<16x80x256xi32, #tpu.memory_space<hbm>> -> memref<1x1x256xi32, #tpu.memory_space<hbm>>
      %dma_wait3A_342 = tpu.memref_squeeze %dma_wait3A_341 : memref<1x1x256xi32, #tpu.memory_space<hbm>> -> memref<256xi32, #tpu.memory_space<hbm>>
      %dma_wait3A_343 = arith.constant 0 : i32
      %dma_wait3A_344 = tpu.memref_slice %arg6[%dma_wait3A_336, %dma_wait3A_343] : memref<4x256xi32, #tpu.memory_space<vmem>> -> memref<1x256xi32, #tpu.memory_space<vmem>>
      %dma_wait3A_345 = tpu.memref_squeeze %dma_wait3A_344 : memref<1x256xi32, #tpu.memory_space<vmem>> -> memref<256xi32, #tpu.memory_space<vmem>>
      %dma_wait3A_346 = arith.constant 0 : i32
      %dma_wait3A_347 = tpu.memref_slice %arg3[%arg1, %dma_wait3A_335, %dma_wait3A_346] : memref<16x80x256xi32, #tpu.memory_space<hbm>> -> memref<1x1x256xi32, #tpu.memory_space<hbm>>
      %dma_wait3A_348 = tpu.memref_squeeze %dma_wait3A_347 : memref<1x1x256xi32, #tpu.memory_space<hbm>> -> memref<256xi32, #tpu.memory_space<hbm>>
      tpu.wait_dma2 semaphore(%arg15 : memref<!tpu.dma_semaphore, #tpu.memory_space<semaphore_mem>>) src(%dma_wait3A_348 : memref<256xi32, #tpu.memory_space<hbm>>) dst(%dma_wait3A_345 : memref<256xi32, #tpu.memory_space<vmem>>)
      %dma_start3A_349 = arith.constant 3 : i32
      %dma_start3A_350 = arith.constant 0 : i32
      %dma_start3A_351 = tpu.memref_slice %arg6[%dma_start3A_349, %dma_start3A_350] : memref<4x256xi32, #tpu.memory_space<vmem>> -> memref<1x256xi32, #tpu.memory_space<vmem>>
      %dma_start3A_352 = tpu.memref_squeeze %dma_start3A_351 : memref<1x256xi32, #tpu.memory_space<vmem>> -> memref<256xi32, #tpu.memory_space<vmem>>
      %dma_start3A_353 = arith.constant 0 : i32
      %dma_start3A_354 = arith.constant 0 : i32
      %dma_start3A_355 = tpu.memref_slice %arg10[%dma_start3A_353, %dma_start3A_354] : memref<10112x64xf32, #tpu.memory_space<vmem_shared>> -> memref<10112x64xf32, #tpu.memory_space<vmem_shared>>
      tpu.enqueue_indirect_dma source(%dma_start3A_355 : memref<10112x64xf32, #tpu.memory_space<vmem_shared>>) target(%arg9 : memref<256x64xf32, #tpu.memory_space<vmem>>) offsets(%dma_start3A_352 : memref<256xi32, #tpu.memory_space<vmem>>) semaphore(%arg21 : memref<!tpu.dma_semaphore, #tpu.memory_space<semaphore_mem>>)
      %dma_wait3A_356 = arith.constant 3 : i32
      %dma_wait3A_357 = arith.constant 0 : i32
      %dma_wait3A_358 = tpu.memref_slice %arg6[%dma_wait3A_356, %dma_wait3A_357] : memref<4x256xi32, #tpu.memory_space<vmem>> -> memref<1x256xi32, #tpu.memory_space<vmem>>
      %dma_wait3A_359 = tpu.memref_squeeze %dma_wait3A_358 : memref<1x256xi32, #tpu.memory_space<vmem>> -> memref<256xi32, #tpu.memory_space<vmem>>
      %dma_wait3A_360 = arith.constant 0 : i32
      %dma_wait3A_361 = arith.constant 0 : i32
      %dma_wait3A_362 = tpu.memref_slice %arg10[%dma_wait3A_360, %dma_wait3A_361] : memref<10112x64xf32, #tpu.memory_space<vmem_shared>> -> memref<10112x64xf32, #tpu.memory_space<vmem_shared>>
      tpu.wait_indirect_dma semaphore(%arg21 : memref<!tpu.dma_semaphore, #tpu.memory_space<semaphore_mem>>) src(%dma_wait3A_362 : memref<10112x64xf32, #tpu.memory_space<vmem_shared>>) dst(%arg9 : memref<256x64xf32, #tpu.memory_space<vmem>>)
      %add3A_363 = arith.constant 4 : i32
      %add3A_364 = arith.addi %add3A_320, %add3A_363 : i32
      %lt3A_365 = arith.constant 80 : i32
      %lt3A_366 = arith.cmpi slt, %add3A_364, %lt3A_365 : i32
      %convert_element_type3A_367 = arith.extui %lt3A_366 : i1 to i32
      %cond3A_368 = arith.constant 0 : i32
      %cond3A_369 = arith.cmpi ne, %convert_element_type3A_367, %cond3A_368 : i32
      scf.if %cond3A_369 {
        %add3A_391 = arith.constant 4 : i32
        %add3A_392 = arith.addi %add3A_320, %add3A_391 : i32
        %dma_start3A_393 = arith.constant 3 : i32
        %dma_start3A_394 = arith.constant 0 : i32
        %dma_start3A_395 = tpu.memref_slice %arg6[%dma_start3A_393, %dma_start3A_394] : memref<4x256xi32, #tpu.memory_space<vmem>> -> memref<1x256xi32, #tpu.memory_space<vmem>>
        %dma_start3A_396 = tpu.memref_squeeze %dma_start3A_395 : memref<1x256xi32, #tpu.memory_space<vmem>> -> memref<256xi32, #tpu.memory_space<vmem>>
        %dma_start3A_397 = arith.constant 0 : i32
        %dma_start3A_398 = tpu.memref_slice %arg3[%arg1, %add3A_392, %dma_start3A_397] : memref<16x80x256xi32, #tpu.memory_space<hbm>> -> memref<1x1x256xi32, #tpu.memory_space<hbm>>
        %dma_start3A_399 = tpu.memref_squeeze %dma_start3A_398 : memref<1x1x256xi32, #tpu.memory_space<hbm>> -> memref<256xi32, #tpu.memory_space<hbm>>
        %dma_start3A_400 = arith.constant 0 : i32
        %dma_start3A_401 = tpu.memref_slice %arg6[%dma_start3A_393, %dma_start3A_400] : memref<4x256xi32, #tpu.memory_space<vmem>> -> memref<1x256xi32, #tpu.memory_space<vmem>>
        %dma_start3A_402 = tpu.memref_squeeze %dma_start3A_401 : memref<1x256xi32, #tpu.memory_space<vmem>> -> memref<256xi32, #tpu.memory_space<vmem>>
        %dma_start3A_403 = arith.constant 0 : i32
        %dma_start3A_404 = tpu.memref_slice %arg3[%arg1, %add3A_392, %dma_start3A_403] : memref<16x80x256xi32, #tpu.memory_space<hbm>> -> memref<1x1x256xi32, #tpu.memory_space<hbm>>
        %dma_start3A_405 = tpu.memref_squeeze %dma_start3A_404 : memref<1x1x256xi32, #tpu.memory_space<hbm>> -> memref<256xi32, #tpu.memory_space<hbm>>
        tpu.enqueue_dma source(%dma_start3A_405 : memref<256xi32, #tpu.memory_space<hbm>>) target(%dma_start3A_402 : memref<256xi32, #tpu.memory_space<vmem>>) target_semaphore(%arg15 : memref<!tpu.dma_semaphore, #tpu.memory_space<semaphore_mem>>)
      } else {
      }
      %dma_wait3A_370 = arith.constant 0 : i32
      %dma_wait3A_371 = arith.constant 3 : i32
      %dma_wait3A_372 = arith.constant 0 : i32
      %dma_wait3A_373 = tpu.memref_slice %arg7[%dma_wait3A_371, %dma_wait3A_372] : memref<4x256xi32, #tpu.memory_space<vmem>> -> memref<1x256xi32, #tpu.memory_space<vmem>>
      %dma_wait3A_374 = tpu.memref_squeeze %dma_wait3A_373 : memref<1x256xi32, #tpu.memory_space<vmem>> -> memref<256xi32, #tpu.memory_space<vmem>>
      %dma_wait3A_375 = arith.constant 0 : i32
      %dma_wait3A_376 = tpu.memref_slice %arg4[%arg1, %dma_wait3A_370, %dma_wait3A_375] : memref<16x80x256xi32, #tpu.memory_space<hbm>> -> memref<1x1x256xi32, #tpu.memory_space<hbm>>
      %dma_wait3A_377 = tpu.memref_squeeze %dma_wait3A_376 : memref<1x1x256xi32, #tpu.memory_space<hbm>> -> memref<256xi32, #tpu.memory_space<hbm>>
      %dma_wait3A_378 = arith.constant 0 : i32
      %dma_wait3A_379 = tpu.memref_slice %arg7[%dma_wait3A_371, %dma_wait3A_378] : memref<4x256xi32, #tpu.memory_space<vmem>> -> memref<1x256xi32, #tpu.memory_space<vmem>>
      %dma_wait3A_380 = tpu.memref_squeeze %dma_wait3A_379 : memref<1x256xi32, #tpu.memory_space<vmem>> -> memref<256xi32, #tpu.memory_space<vmem>>
      %dma_wait3A_381 = arith.constant 0 : i32
      %dma_wait3A_382 = tpu.memref_slice %arg4[%arg1, %dma_wait3A_370, %dma_wait3A_381] : memref<16x80x256xi32, #tpu.memory_space<hbm>> -> memref<1x1x256xi32, #tpu.memory_space<hbm>>
      %dma_wait3A_383 = tpu.memref_squeeze %dma_wait3A_382 : memref<1x1x256xi32, #tpu.memory_space<hbm>> -> memref<256xi32, #tpu.memory_space<hbm>>
      tpu.wait_dma2 semaphore(%arg19 : memref<!tpu.dma_semaphore, #tpu.memory_space<semaphore_mem>>) src(%dma_wait3A_383 : memref<256xi32, #tpu.memory_space<hbm>>) dst(%dma_wait3A_380 : memref<256xi32, #tpu.memory_space<vmem>>)
      %dma_start3A_384 = arith.constant 3 : i32
      %dma_start3A_385 = arith.constant 0 : i32
      %dma_start3A_386 = tpu.memref_slice %arg7[%dma_start3A_384, %dma_start3A_385] : memref<4x256xi32, #tpu.memory_space<vmem>> -> memref<1x256xi32, #tpu.memory_space<vmem>>
      %dma_start3A_387 = tpu.memref_squeeze %dma_start3A_386 : memref<1x256xi32, #tpu.memory_space<vmem>> -> memref<256xi32, #tpu.memory_space<vmem>>
      %dma_start3A_388 = arith.constant 0 : i32
      %dma_start3A_389 = arith.constant 0 : i32
      %dma_start3A_390 = tpu.memref_slice %arg11[%dma_start3A_388, %dma_start3A_389] : memref<10112x64xf32, #tpu.memory_space<vmem_shared>> -> memref<10112x64xf32, #tpu.memory_space<vmem_shared>>
      tpu.enqueue_indirect_dma source(%arg9 : memref<256x64xf32, #tpu.memory_space<vmem>>) target(%dma_start3A_390 : memref<10112x64xf32, #tpu.memory_space<vmem_shared>>) offsets(%dma_start3A_387 : memref<256xi32, #tpu.memory_space<vmem>>) semaphore(%arg23 : memref<!tpu.dma_semaphore, #tpu.memory_space<semaphore_mem>>) {add = true}
    }
    %scan3A_88 = arith.constant 20 : i32
    %dma_wait3A = arith.constant 0 : i32
    %dma_wait3A_89 = arith.constant 0 : i32
    %dma_wait3A_90 = tpu.memref_slice %arg7[%dma_wait3A, %dma_wait3A_89] : memref<4x256xi32, #tpu.memory_space<vmem>> -> memref<1x256xi32, #tpu.memory_space<vmem>>
    %dma_wait3A_91 = tpu.memref_squeeze %dma_wait3A_90 : memref<1x256xi32, #tpu.memory_space<vmem>> -> memref<256xi32, #tpu.memory_space<vmem>>
    %dma_wait3A_92 = arith.constant 0 : i32
    %dma_wait3A_93 = arith.constant 0 : i32
    %dma_wait3A_94 = tpu.memref_slice %arg11[%dma_wait3A_92, %dma_wait3A_93] : memref<10112x64xf32, #tpu.memory_space<vmem_shared>> -> memref<10112x64xf32, #tpu.memory_space<vmem_shared>>
    tpu.wait_indirect_dma semaphore(%arg22 : memref<!tpu.dma_semaphore, #tpu.memory_space<semaphore_mem>>) src(%arg8 : memref<256x64xf32, #tpu.memory_space<vmem>>) dst(%dma_wait3A_94 : memref<10112x64xf32, #tpu.memory_space<vmem_shared>>)
    %dma_wait3A_95 = arith.constant 0 : i32
    %dma_wait3A_96 = arith.constant 0 : i32
    %dma_wait3A_97 = tpu.memref_slice %arg7[%dma_wait3A_95, %dma_wait3A_96] : memref<4x256xi32, #tpu.memory_space<vmem>> -> memref<1x256xi32, #tpu.memory_space<vmem>>
    %dma_wait3A_98 = tpu.memref_squeeze %dma_wait3A_97 : memref<1x256xi32, #tpu.memory_space<vmem>> -> memref<256xi32, #tpu.memory_space<vmem>>
    %dma_wait3A_99 = arith.constant 0 : i32
    %dma_wait3A_100 = arith.constant 0 : i32
    %dma_wait3A_101 = tpu.memref_slice %arg11[%dma_wait3A_99, %dma_wait3A_100] : memref<10112x64xf32, #tpu.memory_space<vmem_shared>> -> memref<10112x64xf32, #tpu.memory_space<vmem_shared>>
    tpu.wait_indirect_dma semaphore(%arg23 : memref<!tpu.dma_semaphore, #tpu.memory_space<semaphore_mem>>) src(%arg9 : memref<256x64xf32, #tpu.memory_space<vmem>>) dst(%dma_wait3A_101 : memref<10112x64xf32, #tpu.memory_space<vmem_shared>>)
    %barrier3A_102 = arith.constant 0 : index
    tpu.barrier barrier_id(%barrier3A_102)
    "tpu.region"() ({
      %run_scoped3A = tpu.sem_alloc : memref<!tpu.dma_semaphore, #tpu.memory_space<semaphore_mem>>
      %dma_start3A_103 = arith.constant 0 : i32
      %dma_start3A_104 = tpu.memref_slice %arg5[%arg0, %mul3A_0, %dma_start3A_103] : memref<2x10112x64xf32, #tpu.memory_space<hbm>> -> memref<1x632x64xf32, #tpu.memory_space<hbm>>
      %dma_start3A_105 = tpu.memref_squeeze %dma_start3A_104 : memref<1x632x64xf32, #tpu.memory_space<hbm>> -> memref<632x64xf32, #tpu.memory_space<hbm>>
      %dma_start3A_106 = arith.constant 0 : i32
      %dma_start3A_107 = tpu.memref_slice %arg11[%mul3A_0, %dma_start3A_106] : memref<10112x64xf32, #tpu.memory_space<vmem_shared>> -> memref<632x64xf32, #tpu.memory_space<vmem_shared>>
      tpu.enqueue_dma source(%dma_start3A_107 : memref<632x64xf32, #tpu.memory_space<vmem_shared>>) target(%dma_start3A_105 : memref<632x64xf32, #tpu.memory_space<hbm>>) target_semaphore(%run_scoped3A : memref<!tpu.dma_semaphore, #tpu.memory_space<semaphore_mem>>)
      %dma_wait3A_108 = arith.constant 0 : i32
      %dma_wait3A_109 = tpu.memref_slice %arg5[%arg0, %mul3A_0, %dma_wait3A_108] : memref<2x10112x64xf32, #tpu.memory_space<hbm>> -> memref<1x632x64xf32, #tpu.memory_space<hbm>>
      %dma_wait3A_110 = tpu.memref_squeeze %dma_wait3A_109 : memref<1x632x64xf32, #tpu.memory_space<hbm>> -> memref<632x64xf32, #tpu.memory_space<hbm>>
      %dma_wait3A_111 = arith.constant 0 : i32
      %dma_wait3A_112 = tpu.memref_slice %arg11[%mul3A_0, %dma_wait3A_111] : memref<10112x64xf32, #tpu.memory_space<vmem_shared>> -> memref<632x64xf32, #tpu.memory_space<vmem_shared>>
      tpu.wait_dma2 semaphore(%run_scoped3A : memref<!tpu.dma_semaphore, #tpu.memory_space<semaphore_mem>>) src(%dma_wait3A_112 : memref<632x64xf32, #tpu.memory_space<vmem_shared>>) dst(%dma_wait3A_110 : memref<632x64xf32, #tpu.memory_space<hbm>>)
      tpu.yield
    }) : () -> ()
    return
  }
}

module attributes {stable_mosaic.version = 14 : i64} {
  func.func @_tca_body(%arg0: memref<32x10112xf32, #tpu.memory_space<vmem>>, %arg1: memref<10000x128xf32, #tpu.memory_space<vmem>>, %arg2: memref<10112x128xf32, #tpu.memory_space<vmem>>, %arg3: memref<2x10112x64xf32, #tpu.memory_space<vmem>>) attributes {dimension_semantics = [], scalar_prefetch = 0 : i64, scratch_operands = 0 : i64, tpu.core_type = #tpu.core_type<tc>} {
    %get3A = arith.constant 0 : index
    %get3A_0 = arith.constant 0 : index
    %get3A_1 = vector.load %arg0[%get3A, %get3A_0] : memref<32x10112xf32, #tpu.memory_space<vmem>>, vector<32x10112xf32>
    %reduce_sum3A = arith.constant dense<0.000000e+00> : vector<10112xf32>
    %reduce_sum3A_2 = vector.multi_reduction <add>, %get3A_1, %reduce_sum3A [0] : vector<32x10112xf32> to vector<10112xf32>
    %add3A = arith.constant 1.000000e+00 : f32
    %add3A_3 = vector.broadcast %add3A : f32 to vector<10112xf32>
    %add3A_4 = arith.addf %reduce_sum3A_2, %add3A_3 : vector<10112xf32>
    %rsqrt3A = math.rsqrt %add3A_4 : vector<10112xf32>
    %broadcast_in_dim3A = vector.shape_cast %rsqrt3A : vector<10112xf32> to vector<10112x1xf32>
    %broadcast_in_dim3A_5 = vector.shape_cast %broadcast_in_dim3A : vector<10112x1xf32> to vector<10112x1xf32>
    %broadcast_in_dim3A_6 = vector.broadcast %broadcast_in_dim3A_5 : vector<10112x1xf32> to vector<10112x128xf32>
    %swap3A = arith.constant 0 : index
    %swap3A_7 = arith.constant 0 : index
    %swap3A_8 = vector.load %arg2[%swap3A, %swap3A_7] : memref<10112x128xf32, #tpu.memory_space<vmem>>, vector<10112x128xf32>
    tpu.vector_store %arg2[%swap3A, %swap3A_7], %broadcast_in_dim3A_6 {strides = array<i32>} : memref<10112x128xf32, #tpu.memory_space<vmem>>, vector<10112x128xf32>,
    %get3A_9 = arith.constant 0 : index
    %get3A_10 = arith.constant 0 : index
    %get3A_11 = vector.load %arg1[%get3A_9, %get3A_10] : memref<10000x128xf32, #tpu.memory_space<vmem>>, vector<10000x128xf32>
    %jit3A = arith.constant 0 : i32
    %convert_element_type3A = arith.sitofp %jit3A : i32 to f32
    %pad3A = vector.broadcast %convert_element_type3A : f32 to vector<112x128xf32>
    %pad3A_12 = tpu.concatenate %get3A_11, %pad3A in 0 : vector<10000x128xf32>, vector<112x128xf32> -> vector<10112x128xf32>
    %mul3A = arith.mulf %pad3A_12, %broadcast_in_dim3A_6 : vector<10112x128xf32>
    %slice3A = vector.extract_strided_slice %mul3A {offsets = [0, 0], sizes = [10112, 64], strides = [1, 1]} : vector<10112x128xf32> to vector<10112x64xf32>
    %swap3A_13 = arith.constant 0 : index
    %swap3A_14 = arith.constant 0 : index
    %swap3A_15 = arith.constant 0 : index
    %swap3A_16 = vector.load %arg3[%swap3A_13, %swap3A_14, %swap3A_15] : memref<2x10112x64xf32, #tpu.memory_space<vmem>>, vector<1x10112x64xf32>
    %swap3A_17 = vector.shape_cast %swap3A_16 : vector<1x10112x64xf32> to vector<10112x64xf32>
    %swap3A_18 = vector.shape_cast %slice3A : vector<10112x64xf32> to vector<1x10112x64xf32>
    tpu.vector_store %arg3[%swap3A_13, %swap3A_14, %swap3A_15], %swap3A_18 {strides = array<i32>} : memref<2x10112x64xf32, #tpu.memory_space<vmem>>, vector<1x10112x64xf32>,
    %slice3A_19 = vector.extract_strided_slice %mul3A {offsets = [0, 64], sizes = [10112, 64], strides = [1, 1]} : vector<10112x128xf32> to vector<10112x64xf32>
    %swap3A_20 = arith.constant 1 : index
    %swap3A_21 = arith.constant 0 : index
    %swap3A_22 = arith.constant 0 : index
    %swap3A_23 = vector.load %arg3[%swap3A_20, %swap3A_21, %swap3A_22] : memref<2x10112x64xf32, #tpu.memory_space<vmem>>, vector<1x10112x64xf32>
    %swap3A_24 = vector.shape_cast %swap3A_23 : vector<1x10112x64xf32> to vector<10112x64xf32>
    %swap3A_25 = vector.shape_cast %slice3A_19 : vector<10112x64xf32> to vector<1x10112x64xf32>
    tpu.vector_store %arg3[%swap3A_20, %swap3A_21, %swap3A_22], %swap3A_25 {strides = array<i32>} : memref<2x10112x64xf32, #tpu.memory_space<vmem>>, vector<1x10112x64xf32>,
    return
  }
}

module attributes {stable_mosaic.version = 14 : i64} {
  func.func @_tcb_body(%arg0: i32, %arg1: memref<2x1264x64xf32, #tpu.memory_space<vmem>>, %arg2: memref<1264x128xf32, #tpu.memory_space<vmem>>, %arg3: memref<128x256xf32, #tpu.memory_space<vmem>>, %arg4: memref<1x256xf32, #tpu.memory_space<vmem>>, %arg5: memref<256x128xf32, #tpu.memory_space<vmem>>, %arg6: memref<2x1264x64xf32, #tpu.memory_space<vmem>>) attributes {dimension_semantics = [#tpu.dimension_semantics<arbitrary>], iteration_bounds = array<i64: 8>, scalar_prefetch = 0 : i64, scratch_operands = 0 : i64, tpu.core_type = #tpu.core_type<tc>, window_params = [{transform_indices = @transform_0, window_bounds = array<i64: 2, 1264, 64>}, {transform_indices = @transform_1, window_bounds = array<i64: 1264, 128>}, {pipeline_mode = #tpu.pipeline_mode<synchronous>, transform_indices = @transform_2, window_bounds = array<i64: 128, 256>}, {pipeline_mode = #tpu.pipeline_mode<synchronous>, transform_indices = @transform_3, window_bounds = array<i64: 1, 256>}, {pipeline_mode = #tpu.pipeline_mode<synchronous>, transform_indices = @transform_4, window_bounds = array<i64: 256, 128>}, {transform_indices = @transform_5, window_bounds = array<i64: 2, 1264, 64>}]} {
    %get3A = arith.constant 0 : index
    %get3A_0 = arith.constant 0 : index
    %get3A_1 = vector.load %arg2[%get3A, %get3A_0] : memref<1264x128xf32, #tpu.memory_space<vmem>>, vector<1264x128xf32>
    %get3A_2 = arith.constant 0 : index
    %get3A_3 = arith.constant 0 : index
    %get3A_4 = arith.constant 0 : index
    %get3A_5 = vector.load %arg1[%get3A_2, %get3A_3, %get3A_4] : memref<2x1264x64xf32, #tpu.memory_space<vmem>>, vector<1x1264x64xf32>
    %get3A_6 = vector.shape_cast %get3A_5 : vector<1x1264x64xf32> to vector<1264x64xf32>
    %get3A_7 = arith.constant 1 : index
    %get3A_8 = arith.constant 0 : index
    %get3A_9 = arith.constant 0 : index
    %get3A_10 = vector.load %arg1[%get3A_7, %get3A_8, %get3A_9] : memref<2x1264x64xf32, #tpu.memory_space<vmem>>, vector<1x1264x64xf32>
    %get3A_11 = vector.shape_cast %get3A_10 : vector<1x1264x64xf32> to vector<1264x64xf32>
    %concatenate3A = tpu.concatenate %get3A_6, %get3A_11 in 1 : vector<1264x64xf32>, vector<1264x64xf32> -> vector<1264x128xf32>
    %mul3A = arith.mulf %get3A_1, %concatenate3A : vector<1264x128xf32>
    %get3A_12 = arith.constant 0 : index
    %get3A_13 = arith.constant 0 : index
    %get3A_14 = vector.load %arg3[%get3A_12, %get3A_13] : memref<128x256xf32, #tpu.memory_space<vmem>>, vector<128x256xf32>
    %dot_general3A = arith.constant dense<0.000000e+00> : vector<1264x256xf32>
    %dot_general3A_15 = tpu.matmul %mul3A, %get3A_14, %dot_general3A {dimension_numbers = #tpu.dot_dimension_numbers<[1], [0], [0], [1], [0, 0, 1, 1], [], []>, transpose_lhs_hint = false} : vector<1264x128xf32>, vector<128x256xf32>, vector<1264x256xf32> -> vector<1264x256xf32>
    %get3A_16 = arith.constant 0 : index
    %get3A_17 = arith.constant 0 : index
    %get3A_18 = vector.load %arg4[%get3A_16, %get3A_17] : memref<1x256xf32, #tpu.memory_space<vmem>>, vector<1x256xf32>
    %add3A = vector.broadcast %get3A_18 : vector<1x256xf32> to vector<1264x256xf32>
    %add3A_19 = arith.addf %dot_general3A_15, %add3A : vector<1264x256xf32>
    %max3A = arith.constant 0.000000e+00 : f32
    %max3A_20 = vector.broadcast %max3A : f32 to vector<1264x256xf32>
    %max3A_21 = arith.maximumf %add3A_19, %max3A_20 : vector<1264x256xf32>
    %get3A_22 = arith.constant 0 : index
    %get3A_23 = arith.constant 0 : index
    %get3A_24 = vector.load %arg5[%get3A_22, %get3A_23] : memref<256x128xf32, #tpu.memory_space<vmem>>, vector<256x128xf32>
    %dot_general3A_25 = arith.constant dense<0.000000e+00> : vector<1264x128xf32>
    %dot_general3A_26 = tpu.matmul %max3A_21, %get3A_24, %dot_general3A_25 {dimension_numbers = #tpu.dot_dimension_numbers<[1], [0], [0], [1], [0, 0, 1, 1], [], []>, transpose_lhs_hint = false} : vector<1264x256xf32>, vector<256x128xf32>, vector<1264x128xf32> -> vector<1264x128xf32>
    %mul3A_27 = arith.mulf %get3A_1, %dot_general3A_26 : vector<1264x128xf32>
    %slice3A = vector.extract_strided_slice %mul3A_27 {offsets = [0, 0], sizes = [1264, 64], strides = [1, 1]} : vector<1264x128xf32> to vector<1264x64xf32>
    %swap3A = arith.constant 0 : index
    %swap3A_28 = arith.constant 0 : index
    %swap3A_29 = arith.constant 0 : index
    %swap3A_30 = vector.load %arg6[%swap3A, %swap3A_28, %swap3A_29] : memref<2x1264x64xf32, #tpu.memory_space<vmem>>, vector<1x1264x64xf32>
    %swap3A_31 = vector.shape_cast %swap3A_30 : vector<1x1264x64xf32> to vector<1264x64xf32>
    %swap3A_32 = vector.shape_cast %slice3A : vector<1264x64xf32> to vector<1x1264x64xf32>
    tpu.vector_store %arg6[%swap3A, %swap3A_28, %swap3A_29], %swap3A_32 {strides = array<i32>} : memref<2x1264x64xf32, #tpu.memory_space<vmem>>, vector<1x1264x64xf32>,
    %slice3A_33 = vector.extract_strided_slice %mul3A_27 {offsets = [0, 64], sizes = [1264, 64], strides = [1, 1]} : vector<1264x128xf32> to vector<1264x64xf32>
    %swap3A_34 = arith.constant 1 : index
    %swap3A_35 = arith.constant 0 : index
    %swap3A_36 = arith.constant 0 : index
    %swap3A_37 = vector.load %arg6[%swap3A_34, %swap3A_35, %swap3A_36] : memref<2x1264x64xf32, #tpu.memory_space<vmem>>, vector<1x1264x64xf32>
    %swap3A_38 = vector.shape_cast %swap3A_37 : vector<1x1264x64xf32> to vector<1264x64xf32>
    %swap3A_39 = vector.shape_cast %slice3A_33 : vector<1264x64xf32> to vector<1x1264x64xf32>
    tpu.vector_store %arg6[%swap3A_34, %swap3A_35, %swap3A_36], %swap3A_39 {strides = array<i32>} : memref<2x1264x64xf32, #tpu.memory_space<vmem>>, vector<1x1264x64xf32>,
    return
  }
  func.func @transform_0(%arg0: i32) -> (i32, i32, i32) {
    %c0_i32 = arith.constant 0 : i32
    %c0_i32_0 = arith.constant 0 : i32
    %c0_i32_1 = arith.constant 0 : i32
    return %c0_i32, %arg0, %c0_i32_0 : i32, i32, i32
  }
  func.func @transform_1(%arg0: i32) -> (i32, i32) {
    %c0_i32 = arith.constant 0 : i32
    %c0_i32_0 = arith.constant 0 : i32
    return %arg0, %c0_i32 : i32, i32
  }
  func.func @transform_2(%arg0: i32) -> (i32, i32) {
    %c0_i32 = arith.constant 0 : i32
    %c0_i32_0 = arith.constant 0 : i32
    %c0_i32_1 = arith.constant 0 : i32
    return %c0_i32, %c0_i32_0 : i32, i32
  }
  func.func @transform_3(%arg0: i32) -> (i32, i32) {
    %c0_i32 = arith.constant 0 : i32
    %c0_i32_0 = arith.constant 0 : i32
    %c0_i32_1 = arith.constant 0 : i32
    return %c0_i32, %c0_i32_0 : i32, i32
  }
  func.func @transform_4(%arg0: i32) -> (i32, i32) {
    %c0_i32 = arith.constant 0 : i32
    %c0_i32_0 = arith.constant 0 : i32
    %c0_i32_1 = arith.constant 0 : i32
    return %c0_i32, %c0_i32_0 : i32, i32
  }
  func.func @transform_5(%arg0: i32) -> (i32, i32, i32) {
    %c0_i32 = arith.constant 0 : i32
    %c0_i32_0 = arith.constant 0 : i32
    %c0_i32_1 = arith.constant 0 : i32
    return %c0_i32, %arg0, %c0_i32_0 : i32, i32, i32
  }
}

module attributes {stable_mosaic.version = 14 : i64} {
  func.func @_tcc_body(%arg0: memref<2x10112x64xf32, #tpu.memory_space<vmem>>, %arg1: memref<10112x128xf32, #tpu.memory_space<vmem>>, %arg2: memref<1x128xf32, #tpu.memory_space<vmem>>, %arg3: memref<10000x64xf32, #tpu.memory_space<vmem>>, %arg4: memref<10000x64xf32, #tpu.memory_space<vmem>>) attributes {dimension_semantics = [], scalar_prefetch = 0 : i64, scratch_operands = 0 : i64, tpu.core_type = #tpu.core_type<tc>} {
    %get3A = arith.constant 0 : index
    %get3A_0 = arith.constant 0 : index
    %get3A_1 = vector.load %arg1[%get3A, %get3A_0] : memref<10112x128xf32, #tpu.memory_space<vmem>>, vector<10112x128xf32>
    %get3A_2 = arith.constant 0 : index
    %get3A_3 = arith.constant 0 : index
    %get3A_4 = arith.constant 0 : index
    %get3A_5 = vector.load %arg0[%get3A_2, %get3A_3, %get3A_4] : memref<2x10112x64xf32, #tpu.memory_space<vmem>>, vector<1x10112x64xf32>
    %get3A_6 = vector.shape_cast %get3A_5 : vector<1x10112x64xf32> to vector<10112x64xf32>
    %get3A_7 = arith.constant 1 : index
    %get3A_8 = arith.constant 0 : index
    %get3A_9 = arith.constant 0 : index
    %get3A_10 = vector.load %arg0[%get3A_7, %get3A_8, %get3A_9] : memref<2x10112x64xf32, #tpu.memory_space<vmem>>, vector<1x10112x64xf32>
    %get3A_11 = vector.shape_cast %get3A_10 : vector<1x10112x64xf32> to vector<10112x64xf32>
    %concatenate3A = tpu.concatenate %get3A_6, %get3A_11 in 1 : vector<10112x64xf32>, vector<10112x64xf32> -> vector<10112x128xf32>
    %mul3A = arith.mulf %get3A_1, %concatenate3A : vector<10112x128xf32>
    %get3A_12 = arith.constant 0 : index
    %get3A_13 = arith.constant 0 : index
    %get3A_14 = vector.load %arg2[%get3A_12, %get3A_13] : memref<1x128xf32, #tpu.memory_space<vmem>>, vector<1x128xf32>
    %add3A = vector.broadcast %get3A_14 : vector<1x128xf32> to vector<10112x128xf32>
    %add3A_15 = arith.addf %mul3A, %add3A : vector<10112x128xf32>
    %slice3A = vector.extract_strided_slice %add3A_15 {offsets = [0, 0], sizes = [10000, 64], strides = [1, 1]} : vector<10112x128xf32> to vector<10000x64xf32>
    %swap3A = arith.constant 0 : index
    %swap3A_16 = arith.constant 0 : index
    %swap3A_17 = vector.load %arg3[%swap3A, %swap3A_16] : memref<10000x64xf32, #tpu.memory_space<vmem>>, vector<10000x64xf32>
    tpu.vector_store %arg3[%swap3A, %swap3A_16], %slice3A {strides = array<i32>} : memref<10000x64xf32, #tpu.memory_space<vmem>>, vector<10000x64xf32>,
    %slice3A_18 = vector.extract_strided_slice %add3A_15 {offsets = [0, 64], sizes = [10000, 64], strides = [1, 1]} : vector<10112x128xf32> to vector<10000x64xf32>
    %swap3A_19 = arith.constant 0 : index
    %swap3A_20 = arith.constant 0 : index
    %swap3A_21 = vector.load %arg4[%swap3A_19, %swap3A_20] : memref<10000x64xf32, #tpu.memory_space<vmem>>, vector<10000x64xf32>
    tpu.vector_store %arg4[%swap3A_19, %swap3A_20], %slice3A_18 {strides = array<i32>} : memref<10000x64xf32, #tpu.memory_space<vmem>>, vector<10000x64xf32>,
    return
  }
}

</mosaic_0001>

<sc_bundles>
// kernel: kernel.11.cloned.1.call-start
scs
__scs_entry_jumppad:
0x0: {  	(pc) =	sbr.rel $0x88, $3  }
0x1: {  	(tag) =	ssettag $0x0;
	lr =	simm.s32 $0x1  }
0x2: {  	[smem:$0x3F99] =	sst lr;
	_ =	strace $0xD0000000  }
0x3: {  	_ = 	snop  }
0x4: {  	_ = 	snop  }
0x5: {  	_ = 	snop  }
0x6: {  	_ = 	snop  }
0x7: {  	_ = 	snop  }
__scs_overlays_trampoline_lowered:
0x8: {  	[smem:$0x3FA8] =	sst s0  }
0x9: {  	[smem:$0x3FA9] =	sst s1  }
0xa: {  	[smem:$0x3FAA] =	sst s2  }
0xb: {  	[smem:$0x3FAB] =	sst s3  }
0xc: {  	[smem:$0x3FAC] =	sst s4  }
0xd: {  	[smem:$0x3FAD] =	sst s5  }
0xe: {  	[smem:$0x3FAE] =	sst s6  }
0xf: {  	[smem:$0x3FAF] =	sst s7  }
0x10: {  	[smem:$0x3FB0] =	sst s8  }
0x11: {  	[smem:$0x3FB1] =	sst s9;
	s0 =	simm.s32 @!p0 $0x0  }
0x12: {  	s1 =	sld [smem:$0x3F97];
	s0 =	simm.s32 @p0 $0x1  }
0x13: {  	[smem:$0x3FB2] =	sst s0;
	s0 =	simm.s32 @!p1 $0x0  }
0x14: {  	s2 =	sld [smem:$0x3F96];
	s0 =	simm.s32 @p1 $0x1  }
0x15: {  	[smem:$0x3FB3] =	sst s0;
	s0 =	simm.s32 @!p2 $0x0  }
0x16: {  	s3 =	sld [smem:$0x3FDB];
	s0 =	simm.s32 @p2 $0x1  }
0x17: {  	s4 =	simm.s32 $0x1BF5;
	[smem:$0x3FB5] =	sst s0  }
0x18: {  	s0 =	sld [smem:$0x3F98];
	_ =	swait.ge [sflag:s4], $0x0  }
0x19: {  	s7 =	sld [smem:$0x3F99]  }
0x1a: {  	s8 =	sadd.s32 $0xFFFFE003, lr  }
0x1b: {  	s9 =	sadd.s32 $0xFFFFFEF7, lr;
	s5 =	simm.s32 $0xFFFFFFFF;
	p2 =	slt.u32 s8, $0xFFFFF086  }
0x1c: {  	p1 =	slt.u32 s9, $0xF7A;
	s5 =	simm.s32 @!p2 $0x0  }
0x1d: {  	s5 =	simm.s32 @p1 $0x1;
	p0 =	seq.s32 s7, s2  }
0x1e: {  	s7 =	smul.u32 @!p0 $0xF7A, s2;
	p2 =	seq.s32 @!p0 s5, $0x0  }
0x1f: {  	s9 =	smul.u32 $0xF7A, s1;
	s8 =	simm.s32 @!p0 $0x1BF5;
	p2 =	por !p2, p0  }
0x20: {  	[sflag:s8] =	ssyncset.s32 @!p0 $0xFFFFF086;
	s6 =	sadd.s32 @!p0 s3, s7;
	s7 =	simm.s32 @!p0 $0x108  }
0x21: {  	s3 =	sadd.s32 s3, s9;
	s6 =	sadd.s32 @!p0 $0x88, s6;
	s7 =	simm.s32 @p2 $0x1082  }
0x22: {  	[simem:s7], [sflag:s8] =	dma.local @!p0 [hbm:s6], $0xF7A  }
0x23: {  	s9 =	sor.u32 $0xD0000000, s2;
	s6 =	simm.s32 $0x108;
	_ =	swait.ge @!p0 [sflag:s8], $0x0  }
0x24: {  	s3 =	sadd.s32 $0x88, s3;
	s6 =	simm.s32 @!p1 $0x1082;
	[sflag:s4] =	ssyncset.s32 $0xFFFFF086  }
0x25: {  	[simem:s6], [sflag:s4] =	dma.local [hbm:s3], $0xF7A  }
0x26: {  	[smem:$0x3F99] =	sst s1;
	(tag) =	ssettag s2;
	_ =	strace s9  }
0x27: {  	s1 =	sld [smem:$0x3FA9]  }
0x28: {  	s2 =	sld [smem:$0x3FAA]  }
0x29: {  	s4 =	sld [smem:$0x3FAC]  }
0x2a: {  	p0 =	seq.s32 s5, $0x0;
	s5 =	sld [smem:$0x3FAD]  }
0x2b: {  	s6 =	sld [smem:$0x3FAE]  }
0x2c: {  	s7 =	sld [smem:$0x3FAF]  }
0x2d: {  	s3 =	simm.s32 $0x108;
	s8 =	sld [smem:$0x3FB0]  }
0x2e: {  	s3 =	simm.s32 @!p0 $0x1082;
	s9 =	sld [smem:$0x3FB1]  }
0x2f: {  	lr =	sadd.s32 s0, s3;
	s0 =	sld [smem:$0x3FA8]  }
0x30: {  	s3 =	sld [smem:$0x3FAB]  }
0x31: {  	[smem:$0x3FB4] =	sst s10  }
0x32: {  	s10 =	sld [smem:$0x3FB2];
	_ =	sdelay $0x3  }
0x33: {  	p0 =	seq.s32 s10, $0x1;
	s10 =	sld [smem:$0x3FB4];
	_ =	sdelay $0x3  }
0x34: {  	[smem:$0x3FB4] =	sst s10  }
0x35: {  	s10 =	sld [smem:$0x3FB3];
	_ =	sdelay $0x3  }
0x36: {  	p1 =	seq.s32 s10, $0x1;
	s10 =	sld [smem:$0x3FB4];
	_ =	sdelay $0x3  }
0x37: {  	[smem:$0x3FB4] =	sst s10  }
0x38: {  	s10 =	sld [smem:$0x3FB5]  }
0x39: {  	_ = 	snop;
	(pc) =	sbr.ind lr, $3  }
0x3a: {  	_ = 	snop  }
0x3b: {  	_ = 	snop  }
0x3c: {  	p2 =	seq.s32 s10, $0x1;
	s10 =	sld [smem:$0x3FB4]  }
0x3d: {  	_ =	shalt  }
0x3e: {  	_ =	shalt  }
0x3f: {  	_ =	shalt  }
0x40: {  	_ =	shalt  }
0x41: {  	_ =	shalt  }
0x42: {  	_ =	shalt  }
0x43: {  	_ =	shalt  }
0x44: {  	_ =	shalt  }
0x45: {  	_ =	shalt  }
0x46: {  	_ =	shalt  }
0x47: {  	_ =	shalt  }
0x48: {  	_ =	shalt  }
0x49: {  	_ =	shalt  }
0x4a: {  	_ =	shalt  }
0x4b: {  	_ =	shalt  }
0x4c: {  	_ =	shalt  }
0x4d: {  	_ =	shalt  }
0x4e: {  	_ =	shalt  }
0x4f: {  	_ =	shalt  }
0x50: {  	_ =	shalt  }
0x51: {  	_ =	shalt  }
0x52: {  	_ =	shalt  }
0x53: {  	_ =	shalt  }
0x54: {  	_ =	shalt  }
0x55: {  	_ =	shalt  }
0x56: {  	_ =	shalt  }
0x57: {  	_ =	shalt  }
0x58: {  	_ =	shalt  }
0x59: {  	_ =	shalt  }
0x5a: {  	_ =	shalt  }
0x5b: {  	_ =	shalt  }
0x5c: {  	_ =	shalt  }
0x5d: {  	_ =	shalt  }
0x5e: {  	_ =	shalt  }
0x5f: {  	_ =	shalt  }
0x60: {  	_ =	shalt  }
0x61: {  	_ =	shalt  }
0x62: {  	_ =	shalt  }
0x63: {  	_ =	shalt  }
0x64: {  	_ =	shalt  }
0x65: {  	_ =	shalt  }
0x66: {  	_ =	shalt  }
0x67: {  	_ =	shalt  }
0x68: {  	_ =	shalt  }
0x69: {  	_ =	shalt  }
0x6a: {  	_ =	shalt  }
0x6b: {  	_ =	shalt  }
0x6c: {  	_ =	shalt  }
0x6d: {  	_ =	shalt  }
0x6e: {  	_ =	shalt  }
0x6f: {  	_ =	shalt  }
0x70: {  	_ =	shalt  }
0x71: {  	_ =	shalt  }
0x72: {  	_ =	shalt  }
0x73: {  	_ =	shalt  }
0x74: {  	_ =	shalt  }
0x75: {  	_ =	shalt  }
0x76: {  	_ =	shalt  }
0x77: {  	_ =	shalt  }
0x78: {  	_ =	shalt  }
0x79: {  	_ =	shalt  }
0x7a: {  	_ =	shalt  }
0x7b: {  	_ =	shalt  }
0x7c: {  	_ =	shalt  }
0x7d: {  	_ =	shalt  }
0x7e: {  	_ =	shalt  }
0x7f: {  	_ =	shalt  }
0x80: {  	_ =	shalt  }
0x81: {  	_ =	shalt  }
0x82: {  	_ =	shalt  }
0x83: {  	_ =	shalt  }
0x84: {  	_ =	shalt  }
0x85: {  	_ =	shalt  }
0x86: {  	_ =	shalt  }
0x87: {  	_ =	shalt  }
.Lfunc_end0:
.L_simem_size_0:
called_computation.1_lowered:
.L_overlay_start_0:
0x88: {  	s2 =	sld [smem:$0x3FD9]  }
0x89: {  	s3 =	sld [smem:$0x3FFE];
	_ =	sdelay $0x1  }
0x8a: {  	s1 =	srdreg.scid  }
0x8b: {  	s0 =	sand.u32 $0x1, s1  }
0x8c: {  	s14 =	sshll.u32 s0, $0xA;
	s2 =	sadd.s32 s3, s2  }
0x8d: {  	s2 =	sadd.s32 s2, s14  }
0x8e: {  	[smem:$0x3FC0] =	sst s2  }
0x8f: {  	_ = 	snop  }
0x90: {  	s2 =	sld [smem:$0x3FD0];
	_ =	sdelay $0x2  }
0x91: {  	s15 =	simm.s32 $0xA;
	s4 =	simm.s32 $0x10  }
0x92: {  	[smem:s4], [sflag:s15] =	dma.local [hbm:s2], $0x1  }
0x93: {  	_ =	swait.eq [sflag:s15], $0x1  }
0x94: {  	[sflag:s15] =	ssyncset.done $0x0  }
0x95: {  	[sflag:s15] =	ssyncadd.s32 $0xFFFFFFFF  }
0x96: {  	s16 =	sld [smem:$0x10];
	(tm) =	ssettm $0x1  }
0x97: {  	s17 =	sld [smem:$0x3FFB];
	_ =	sdelay $0x3  }
0x98: {  	_ =	strace s17  }
0x99: {  	s3 =	sld [smem:$0x3FFC];
	_ =	sdelay $0x3  }
0x9a: {  	_ =	strace s3  }
0x9b: {  	s3 =	sld [smem:$0x3FFD];
	_ =	sdelay $0x3  }
0x9c: {  	_ =	strace s3  }
0x9d: {  	_ =	strace $0x8FFFFFFF  }
0x9e: {  	s18 =	sld [smem:$0x3FDB];
	_ =	sdelay $0x1  }
0x9f: {  	s19 =	simm.s32 $_scs_section_size  }
0xa0: {  	s5 =	simm.s32 $_size__tile_overlayer_lowered;
	s6 =	simm.s32 $_tile_overlayer_lowered  }
0xa1: {  	s22 =	simm.s32 $0x1BFF;
	s21 =	sshll.u32 s6, $0x1;
	s3 =	sadd.s32 s19, s18  }
0xa2: {  	s7 =	simm.s32 $0x0;
	s20 =	sshll.u32 s5, $0x1;
	s5 =	sadd.s32 s21, s3  }
0xa3: {  	[timem:s7], [sflag:s22] =	dma.local [hbm:s5], s20  }
0xa4: {  	_ =	swait.ge [sflag:s22], s20  }
0xa5: {  	s4 =	ssub.s32 $0x0, s20;
	[sflag:s22] =	ssyncset.done $0x0  }
0xa6: {  	[sflag:s22] =	ssyncadd.s32 s4;
	_ =	sdelay $0x1  }
0xa7: {  	s23 =	simm.s32 $0x1B8B  }
0xa8: {  	_ =	swait.ge [sflag:s23], $0x1  }
0xa9: {  	[sflag:s23] =	ssyncset.done $0x0  }
0xaa: {  	s25 =	simm.s32 $0x1B8E;
	s24 =	sld [smem:$0x3FFE];
	[sflag:s23] =	ssyncadd.s32 $0xFFFFFFFF  }
0xab: {  	s26 =	simm.s32 $execute0_lowered;
	[smem:$0x3FD2] =	sst s25  }
0xac: {  	s5 =	sshll.u32 s26, $0x1;
	_ =	strace $0x80000049;
	[dreg:$0x1] =	wrdreg $0xFFFFFFFF  }
0xad: {  	s28 =	simm.s32 $_size_execute0_lowered;
	s3 =	sadd.s32 s3, s5;
	[dreg:$0x0] =	wrdreg $0x0  }
0xae: {  	s5 =	sshll.u32 s28, $0x1;
	[dreg:$0x2] =	wrdreg s3  }
0xaf: {  	[dreg:$0x3] =	wrdreg s5  }
0xb0: {  	[dreg:$0x4] =	wrdreg $0xC0  }
0xb1: {  	_ =	task [dreg:s7], $0x5FFFF  }
0xb2: {  	[dreg:$0x1] =	wrdreg $0xFFFFFFFF  }
0xb3: {  	[dreg:$0x0] =	wrdreg $0x60  }
0xb4: {  	[dreg:$0x2] =	wrdreg s24  }
0xb5: {  	[dreg:$0x3] =	wrdreg s16  }
0xb6: {  	[dreg:$0x4] =	wrdreg $0x88000  }
0xb7: {  	[dreg:$0x5] =	wrdreg $0x126000  }
0xb8: {  	[dreg:$0x6] =	wrdreg $0x9  }
0xb9: {  	_ =	task.clear_ibuf [dreg:s7], $0x7FFFF;
	_ =	strace $0x90000049  }
0xba: {  	s29 =	simm.s32 $0x9;
	_ =	strace $0x8000004B  }
0xbb: {  	_ =	swait.ge [sflag:s29], $0x1  }
0xbc: {  	[sflag:s29] =	ssyncadd.s32 $0xFFFFFFFF  }
0xbd: {  	_ =	strace $0x9000004B  }
0xbe: {  	_ =	sfence  }
0xbf: {  	s30 =	sld [smem:$0x0];
	_ =	sdelay $0x2  }
0xc0: {  	s31 =	sshll.u32 s1, $0xD;
	s1 =	sshrl.u32 s1, $0x2  }
0xc1: {  	s3 =	sand.u32 $0x4000, s31;
	s1 =	sadd.s32 s1, s30  }
0xc2: {  	s0 =	sor.u32 s3, s0;
	s1 =	sshll.u32 s1, $0x11  }
0xc3: {  	s0 =	sor.u32 s1, s0  }
0xc4: {  	s0 =	sadd.s32 $0x8F2B, s0  }
0xc5: {  	[sflag:s0] =	ssyncadd.remote.s32 $0x1  }
0xc6: {  	_ =	sfence.sel $0xFFFF  }
0xc7: {  	[dreg:$0x0] =	wrdreg $0xFFFFFFFF;
	(pc) =	sbr.abs _section_cstart, $3  }
0xc8: {  	[dreg:$0x1] =	wrdreg $0xFFFFFFFF  }
0xc9: {  	_ =	task.clear_ibuf [dreg:s7], $0x2FFFF;
	_ =	strace $0x9FFFFFFF  }
0xca: {  	(tm) =	ssettm $0x7FFFFFFF  }
0xcb: {  	_ =	shalt  }
tec
execute0_lowered:
.L_overlay_start_1:
0x0: {  	(tag) =	ssettag $0x1  }
0x1: {  	s0 =	rddreg [dreg:$0x0]  }
0x2: {  	s3 =	rddreg [dreg:$0x1]  }
0x3: {  	s1 =	rddreg [dreg:$0x2]  }
0x4: {  	s2 =	rddreg [dreg:$0x3]  }
0x5: {  	s4 =	srdreg.scid;
	s12 =	stileid.u32  }
0x6: {  	s26 =	simm.s32 $0x600;
	s28 =	simm.s32 $0x5;
	s29 =	simm.s32 $0x700  }
0x7: {  	s30 =	simm.s32 $0x2;
	s31 =	simm.s32 $0x4800;
	s7 =	smul.u32 $0x9E00, s12  }
0x8: {  	s5 =	sand.u32 $0x1, s4;
	s4 =	simm.s32 $0x0;
	s10 =	smul.u32 $0x5000, s12  }
0x9: {  	s8 =	sadd.s32 $0x1E00, s0;
	s20 =	sshll.u32 s12, $0x6;
	s12 =	smul.u32 $0xA00, s12  }
0xa: {  	s6 =	smul.u32 $0x9E000, s5;
	[smem:$0x7FF] =	sst s4;
	s5 =	ssub.s32 $0x2, s5  }
0xb: {  	_ =	strace $0x8000004A;
	s9 =	sshrl.u32 s5, $0x1;
	s19 =	sadd.s32 s7, s1  }
0xc: {  	s10 =	sshrl.u32 s10, $0x3;
	s23 =	sadd.s32 s12, s3;
	s15 =	sadd.s32 s12, s8  }
0xd: {  	[dreg:$0x6] =	wrdreg s26;
	s26 =	simm.s32 $0x9;
	s6 =	sadd.s32 s7, s6  }
0xe: {  	s5 =	ssub.s32 s5, s9;
	s7 =	sadd.s32 s7, s2;
	s11 =	sor.u32 $0x20, s10  }
0xf: {  	s13 =	sadd.s32 s3, s10;
	s10 =	sadd.s32 s8, s10;
	[dreg:$0x5] =	wrdreg s23  }
0x10: {  	s25 =	sshrl.u32 s19, $0x3;
	s9 =	simm.s32 $0xD;
	[dreg:$0x9] =	wrdreg s13  }
0x11: {  	s19 =	simm.s32 $0x100;
	s23 =	simm.s32 $0x4;
	[dreg:$0xd] =	wrdreg s10  }
0x12: {  	s6 =	sshrl.u32 s6, $0x3;
	s14 =	sadd.s32 s3, s11;
	[dreg:$0x11] =	wrdreg s25  }
0x13: {  	s21 =	sadd.s32 $0x40, s13;
	s13 =	sadd.s32 $0x60, s13;
	[dreg:$0xa] =	wrdreg s14  }
0x14: {  	s22 =	sadd.s32 s8, s11;
	s24 =	smax.u32 s5, $0x1;
	[dreg:$0xb] =	wrdreg s21  }
0x15: {  	s10 =	sshrl.u32 s7, $0x3;
	s25 =	simm.s32 $0x800;
	[dreg:$0xc] =	wrdreg s13  }
0x16: {  	s3 =	simm.s32 $0x3;
	s8 =	simm.s32 $0x8;
	[dreg:$0xe] =	wrdreg s22  }
0x17: {  	s11 =	simm.s32 $0x0;
	s0 =	sadd.s32 s6, s0;
	[dreg:$0x10] =	wrdreg s24  }
0x18: {  	s21 =	simm.s32 $0x300;
	[dreg:$0x12] =	wrdreg s10;
	s6 =	sadd.s32 $0xBE00, s0  }
0x19: {  	s22 =	simm.s32 $0x400;
	s0 =	sadd.s32 $0x33600, s0;
	[dreg:$0x7] =	wrdreg s6  }
0x1a: {  	s24 =	simm.s32 $0x1;
	s6 =	sor.u32 $0x1C0D, s20;
	[dreg:$0xf] =	wrdreg s0  }
0x1b: {  	s20 =	simm.s32 $0x200;
	s0 =	simm.s32 $0xA;
	[dreg:$0x8] =	wrdreg s6  }
.LBB2_1:
0x1c: {  	s5 =	rddreg [dreg:$0x7]  }
0x1d: {  	s7 =	rddreg [dreg:$0x11]  }
0x1e: {  	[spmem:s7], [sflag:s6] =	dma.local [hbm:s5], $0x13C0  }
0x1f: {  	_ =	swait.ge [sflag:s9], $0x13C0  }
0x20: {  	[sflag:s9] =	ssyncset.done $0x0  }
0x21: {  	[sflag:s9] =	ssyncadd.s32 $0xFFFFEC40  }
0x22: {  	[spmem:s10], [sflag:s6] =	dma.local [hbm:s5], $0x13C0  }
0x23: {  	_ =	swait.ge [sflag:s9], $0x13C0  }
0x24: {  	[sflag:s9] =	ssyncset.done $0x0  }
0x25: {  	s18 =	rddreg [dreg:$0x9];
	[sflag:s9] =	ssyncadd.s32 $0xFFFFEC40  }
0x26: {  	[tilespmem:s4], [sflag:$0x1] =	stream.linear.gather [hbm4b:s18+s4], $0x100, $0x38;
	[tilespmem:$0x1C400] =	vst v63  }
0x27: {  	s6 =	rddreg [dreg:$0xa]  }
0x28: {  	[tilespmem:s19], [sflag:$0x2] =	stream.linear.gather [hbm4b:s6+s4], $0x100, $0x38;
	[tilespmem:$0x1C400] =	vst v63  }
0x29: {  	s7 =	rddreg [dreg:$0xb]  }
0x2a: {  	[tilespmem:s20], [sflag:$0x3] =	stream.linear.gather [hbm4b:s7+s4], $0x100, $0x38;
	[tilespmem:$0x1C400] =	vst v63  }
0x2b: {  	s9 =	rddreg [dreg:$0xc]  }
0x2c: {  	[tilespmem:s21], [sflag:$0x4] =	stream.linear.gather [hbm4b:s9+s4], $0x100, $0x38;
	[tilespmem:$0x1C400] =	vst v63  }
0x2d: {  	s10 =	rddreg [dreg:$0xd]  }
0x2e: {  	[tilespmem:s22], [sflag:$0x5] =	stream.linear.gather [hbm4b:s10+s4], $0x100, $0x38;
	[tilespmem:$0x1C400] =	vst v63  }
0x2f: {  	s13 =	simm.s32 $0x500;
	p1 =	por $0x1, $0x1;
	s12 =	rddreg [dreg:$0xe]  }
0x30: {  	[tilespmem:s13], [sflag:$0x6] =	stream.linear.gather [hbm4b:s12+s4], $0x100, $0x38;
	[tilespmem:$0x1C400] =	vst v63  }
0x31: {  	s5 =	simm.s32 @!p1 $0xB;
	[bflag:$0x0] =	sbarrier.arrive $0xFFFF  }
0x32: {  	_ =	swait.ge @!p1 [sflag:s5], $0x4000  }
0x33: {  	s16 =	sadd.s32 $0x0, s15;
	[sflag:s5] =	ssyncset.done @!p1 $0x0  }
0x34: {  	s17 =	sadd.s32 $0x40, s16;
	s14 =	rddreg [dreg:$0x6];
	[sflag:s5] =	ssyncadd.s32 @!p1 $0xFFFFC000  }
0x35: {  	[tilespmem:s14], [sflag:$0x7] =	stream.linear.gather [hbm4b:s17+s4], $0x100, $0x38;
	[tilespmem:$0x1C400] =	vst v63  }
0x36: {  	_ =	swait.ge [sflag:s24], $0x100  }
0x37: {  	[sflag:s24] =	ssyncset.done $0x0  }
0x38: {  	[sflag:s24] =	ssyncadd.s32 $0xFFFFFF00  }
0x39: {  	[tilespmem:s25], [sflag:$0x9] =	stream.indirect.gather [spmem:s1], $0x40, s4, s19, $0xb8;
	[tilespmem:$0x1C400] =	vst v63  }
0x3a: {  	_ =	swait.ge [sflag:s26], $0x4000  }
0x3b: {  	p0 =	por $0x0, $0x0;
	s5 =	rddreg [dreg:$0x5]  }
0x3c: {  	[sflag:s26] =	ssyncset.done $0x0;
	s7 =	sadd.s32 @!p0 $0x0, s5  }
0x3d: {  	s12 =	simm.s32 @!p0 $0x0;
	[sflag:s26] =	ssyncadd.s32 $0xFFFFC000;
	s5 =	sadd.s32 @!p0 $0x80, s7  }
0x3e: {  	[tilespmem:s12], [sflag:$0x1] =	stream.linear.gather @!p0 [hbm4b:s5+s12], $0x100, $0x38;
	[tilespmem:$0x1C400] =	vst v63  }
0x3f: {  	_ =	swait.ge [sflag:s28], $0x100  }
0x40: {  	[sflag:s28] =	ssyncset.done $0x0  }
0x41: {  	s5 =	simm.s32 @!p1 $0xC;
	[sflag:s28] =	ssyncadd.s32 $0xFFFFFF00  }
0x42: {  	[spmem:s2] =	stream.indirect.scatter.add.f32 [tilespmem:s25], [sflag:$0xB], $0x40, s22, s19, $0xb8;
	[tilespmem:$0x1C400] =	vst v63  }
0x43: {  	_ =	swait.ge @!p1 [sflag:s5], $0x4000  }
0x44: {  	[sflag:s5] =	ssyncset.done @!p1 $0x0  }
0x45: {  	s18 =	sadd.s32 $0x60, s16;
	[sflag:s5] =	ssyncadd.s32 @!p1 $0xFFFFC000  }
0x46: {  	[tilespmem:s29], [sflag:$0x8] =	stream.linear.gather [hbm4b:s18+s4], $0x100, $0x38;
	[tilespmem:$0x1C400] =	vst v63  }
0x47: {  	_ =	swait.ge [sflag:s30], $0x100  }
0x48: {  	[sflag:s30] =	ssyncset.done $0x0  }
0x49: {  	[sflag:s30] =	ssyncadd.s32 $0xFFFFFF00  }
0x4a: {  	[tilespmem:s31], [sflag:$0xA] =	stream.indirect.gather [spmem:s1], $0x40, s19, s19, $0xb8;
	[tilespmem:$0x1C400] =	vst v63  }
0x4b: {  	_ =	swait.ge [sflag:s0], $0x4000  }
0x4c: {  	[sflag:s0] =	ssyncset.done $0x0  }
0x4d: {  	s5 =	simm.s32 @p0 $0x6;
	[sflag:s0] =	ssyncadd.s32 $0xFFFFC000  }
0x4e: {  	_ =	swait.ge @p0 [sflag:s5], $0x100  }
0x4f: {  	s9 =	simm.s32 @p0 $0x4800;
	s10 =	simm.s32 @p0 $0xB;
	[sflag:s5] =	ssyncset.done @p0 $0x0  }
0x50: {  	s13 =	simm.s32 @p0 $0x500;
	[sflag:s5] =	ssyncadd.s32 @p0 $0xFFFFFF00;
	s5 =	simm.s32 @p0 $0x100  }
0x51: {  	[spmem:s2] =	stream.indirect.scatter.add.f32 @p0 [tilespmem:s9], [sflag:$0xC], $0x40, s13, s5, $0xb8;
	[tilespmem:$0x1C400] =	vst v63  }
0x52: {  	_ =	swait.ge @p0 [sflag:s10], $0x4000  }
0x53: {  	s9 =	simm.s32 @!p0 $0x6;
	[sflag:s10] =	ssyncset.done @p0 $0x0  }
0x54: {  	s13 =	simm.s32 @!p0 $0x100;
	[sflag:s10] =	ssyncadd.s32 @p0 $0xFFFFC000;
	s10 =	sadd.s32 @!p0 $0xA0, s7  }
0x55: {  	[tilespmem:s13], [sflag:$0x2] =	stream.linear.gather @!p0 [hbm4b:s10+s12], $0x100, $0x38;
	[tilespmem:$0x1C400] =	vst v63  }
0x56: {  	_ =	swait.ge @!p0 [sflag:s9], $0x100  }
0x57: {  	s14 =	simm.s32 @!p0 $0x4800;
	[sflag:s9] =	ssyncset.done @!p0 $0x0  }
0x58: {  	s10 =	simm.s32 @!p0 $0xB;
	[sflag:s9] =	ssyncadd.s32 @!p0 $0xFFFFFF00;
	s9 =	simm.s32 @!p0 $0x500  }
0x59: {  	[spmem:s2] =	stream.indirect.scatter.add.f32 @!p0 [tilespmem:s14], [sflag:$0xC], $0x40, s9, s13, $0xb8;
	[tilespmem:$0x1C400] =	vst v63  }
0x5a: {  	_ =	swait.ge @!p0 [sflag:s10], $0x4000  }
0x5b: {  	s14 =	sadd.s32 @!p0 $0x0, s15;
	[sflag:s10] =	ssyncset.done @!p0 $0x0  }
0x5c: {  	s16 =	sadd.s32 @!p0 $0x80, s14;
	[sflag:s10] =	ssyncadd.s32 @!p0 $0xFFFFC000;
	s10 =	simm.s32 @!p0 $0x400  }
0x5d: {  	[tilespmem:s10], [sflag:$0x5] =	stream.linear.gather @!p0 [hbm4b:s16+s12], $0x100, $0x38;
	[tilespmem:$0x1C400] =	vst v63  }
0x5e: {  	_ =	swait.ge [sflag:s3], $0x100  }
0x5f: {  	[sflag:s3] =	ssyncset.done $0x0  }
0x60: {  	[sflag:s3] =	ssyncadd.s32 $0xFFFFFF00  }
0x61: {  	[tilespmem:s25], [sflag:$0x9] =	stream.indirect.gather [spmem:s1], $0x40, s20, s19, $0xb8;
	[tilespmem:$0x1C400] =	vst v63  }
0x62: {  	_ =	swait.ge [sflag:s26], $0x4000  }
0x63: {  	[sflag:s26] =	ssyncset.done $0x0  }
0x64: {  	s10 =	simm.s32 @p0 $0x7;
	[sflag:s26] =	ssyncadd.s32 $0xFFFFC000  }
0x65: {  	_ =	swait.ge @p0 [sflag:s10], $0x100  }
0x66: {  	[sflag:s10] =	ssyncset.done @p0 $0x0  }
0x67: {  	s16 =	simm.s32 @p0 $0x800;
	[sflag:s10] =	ssyncadd.s32 @p0 $0xFFFFFF00;
	s10 =	simm.s32 @p0 $0x600  }
0x68: {  	[spmem:s2] =	stream.indirect.scatter.add.f32 @p0 [tilespmem:s16], [sflag:$0xB], $0x40, s10, s5, $0xb8;
	[tilespmem:$0x1C400] =	vst v63  }
0x69: {  	s5 =	simm.s32 @p0 $0xC  }
0x6a: {  	_ =	swait.ge @p0 [sflag:s5], $0x4000  }
0x6b: {  	[sflag:s5] =	ssyncset.done @p0 $0x0  }
0x6c: {  	s10 =	simm.s32 @!p0 $0x200;
	[sflag:s5] =	ssyncadd.s32 @p0 $0xFFFFC000;
	s5 =	sadd.s32 @!p0 $0xC0, s7  }
0x6d: {  	[tilespmem:s10], [sflag:$0x3] =	stream.linear.gather @!p0 [hbm4b:s5+s12], $0x100, $0x38;
	[tilespmem:$0x1C400] =	vst v63  }
0x6e: {  	s5 =	simm.s32 @!p0 $0x7  }
0x6f: {  	_ =	swait.ge @!p0 [sflag:s5], $0x100  }
0x70: {  	[sflag:s5] =	ssyncset.done @!p0 $0x0  }
0x71: {  	s10 =	simm.s32 @!p0 $0x800;
	[sflag:s5] =	ssyncadd.s32 @!p0 $0xFFFFFF00;
	s5 =	simm.s32 @!p0 $0x600  }
0x72: {  	[spmem:s2] =	stream.indirect.scatter.add.f32 @!p0 [tilespmem:s10], [sflag:$0xB], $0x40, s5, s13, $0xb8;
	[tilespmem:$0x1C400] =	vst v63  }
0x73: {  	s5 =	simm.s32 @!p0 $0xC  }
0x74: {  	_ =	swait.ge @!p0 [sflag:s5], $0x4000  }
0x75: {  	[sflag:s5] =	ssyncset.done @!p0 $0x0  }
0x76: {  	[sflag:s5] =	ssyncadd.s32 @!p0 $0xFFFFC000;
	s5 =	sadd.s32 @!p0 $0xA0, s14  }
0x77: {  	[tilespmem:s9], [sflag:$0x6] =	stream.linear.gather @!p0 [hbm4b:s5+s12], $0x100, $0x38;
	[tilespmem:$0x1C400] =	vst v63  }
0x78: {  	_ =	swait.ge [sflag:s23], $0x100  }
0x79: {  	[sflag:s23] =	ssyncset.done $0x0  }
0x7a: {  	[sflag:s23] =	ssyncadd.s32 $0xFFFFFF00  }
0x7b: {  	[tilespmem:s31], [sflag:$0xA] =	stream.indirect.gather [spmem:s1], $0x40, s21, s19, $0xb8;
	[tilespmem:$0x1C400] =	vst v63  }
0x7c: {  	_ =	swait.ge [sflag:s0], $0x4000  }
0x7d: {  	[sflag:s0] =	ssyncset.done $0x0  }
0x7e: {  	s5 =	sadd.s32 @!p0 $0xE0, s7;
	s7 =	simm.s32 @!p0 $0x300;
	[sflag:s0] =	ssyncadd.s32 $0xFFFFC000  }
0x7f: {  	[tilespmem:s7], [sflag:$0x4] =	stream.linear.gather @!p0 [hbm4b:s5+s12], $0x100, $0x38;
	[tilespmem:$0x1C400] =	vst v63  }
0x80: {  	p2 =	por $0x0, $0x0;
	_ =	swait.ge [sflag:s8], $0x100  }
0x81: {  	s13 =	simm.s32 $0x100;
	s12 =	simm.s32 $0x80;
	[sflag:s8] =	ssyncset.done $0x0  }
.LBB2_2:
0x82: {  	s5 =	simm.s32 @!p2 $0xB;
	[sflag:s8] =	ssyncadd.s32 $0xFFFFFF00  }
0x83: {  	[spmem:s2] =	stream.indirect.scatter.add.f32 [tilespmem:s31], [sflag:$0xC], $0x40, s29, s19, $0xb8;
	[tilespmem:$0x1C400] =	vst v63  }
0x84: {  	_ =	swait.ge @!p2 [sflag:s5], $0x4000  }
0x85: {  	s18 =	sadd.s32 s12, s15;
	[sflag:s5] =	ssyncset.done @!p2 $0x0  }
0x86: {  	s9 =	sadd.s32 $0x40, s18;
	s7 =	rddreg [dreg:$0x6];
	[sflag:s5] =	ssyncadd.s32 @!p2 $0xFFFFC000  }
0x87: {  	[tilespmem:s7], [sflag:$0x7] =	stream.linear.gather [hbm4b:s9+s4], $0x100, $0x38;
	[tilespmem:$0x1C400] =	vst v63  }
0x88: {  	_ =	swait.ge [sflag:s24], $0x100  }
0x89: {  	[sflag:s24] =	ssyncset.done $0x0  }
0x8a: {  	[sflag:s24] =	ssyncadd.s32 $0xFFFFFF00  }
0x8b: {  	[tilespmem:s25], [sflag:$0x9] =	stream.indirect.gather [spmem:s1], $0x40, s4, s19, $0xb8;
	[tilespmem:$0x1C400] =	vst v63  }
0x8c: {  	_ =	swait.ge [sflag:s26], $0x4000  }
0x8d: {  	p1 =	seq.s32 s12, $0x980;
	s7 =	rddreg [dreg:$0x5]  }
0x8e: {  	[sflag:s26] =	ssyncset.done $0x0;
	s14 =	sadd.s32 @!p1 s12, s7  }
0x8f: {  	s16 =	simm.s32 @!p1 $0x0;
	[sflag:s26] =	ssyncadd.s32 $0xFFFFC000;
	s9 =	sadd.s32 @!p1 $0x80, s14  }
0x90: {  	[tilespmem:s16], [sflag:$0x1] =	stream.linear.gather @!p1 [hbm4b:s9+s16], $0x100, $0x38;
	[tilespmem:$0x1C400] =	vst v63  }
0x91: {  	_ =	swait.ge [sflag:s28], $0x100  }
0x92: {  	s10 =	smov.u32 s13;
	s7 =	sadd.s32 @!p1 s12, s15;
	[sflag:s28] =	ssyncset.done $0x0  }
0x93: {  	s12 =	smov.u32 s10;
	s10 =	simm.s32 @!p2 $0xC;
	[sflag:s28] =	ssyncadd.s32 $0xFFFFFF00  }
0x94: {  	[spmem:s2] =	stream.indirect.scatter.add.f32 [tilespmem:s25], [sflag:$0xB], $0x40, s22, s19, $0xb8;
	[tilespmem:$0x1C400] =	vst v63  }
0x95: {  	_ =	swait.ge @!p2 [sflag:s10], $0x4000  }
0x96: {  	[sflag:s10] =	ssyncset.done @!p2 $0x0  }
0x97: {  	s5 =	sadd.s32 $0x60, s18;
	[sflag:s10] =	ssyncadd.s32 @!p2 $0xFFFFC000  }
0x98: {  	[tilespmem:s29], [sflag:$0x8] =	stream.linear.gather [hbm4b:s5+s4], $0x100, $0x38;
	[tilespmem:$0x1C400] =	vst v63  }
0x99: {  	_ =	swait.ge [sflag:s30], $0x100  }
0x9a: {  	[sflag:s30] =	ssyncset.done $0x0  }
0x9b: {  	[sflag:s30] =	ssyncadd.s32 $0xFFFFFF00  }
0x9c: {  	[tilespmem:s31], [sflag:$0xA] =	stream.indirect.gather [spmem:s1], $0x40, s19, s19, $0xb8;
	[tilespmem:$0x1C400] =	vst v63  }
0x9d: {  	_ =	swait.ge [sflag:s0], $0x4000  }
0x9e: {  	[sflag:s0] =	ssyncset.done $0x0  }
0x9f: {  	s5 =	simm.s32 @p1 $0x6;
	[sflag:s0] =	ssyncadd.s32 $0xFFFFC000  }
0xa0: {  	_ =	swait.ge @p1 [sflag:s5], $0x100  }
0xa1: {  	s6 =	simm.s32 @p1 $0x100;
	s18 =	simm.s32 @p1 $0xB;
	[sflag:s5] =	ssyncset.done @p1 $0x0  }
0xa2: {  	s10 =	simm.s32 @p1 $0x4800;
	[sflag:s5] =	ssyncadd.s32 @p1 $0xFFFFFF00;
	s5 =	simm.s32 @p1 $0x500  }
0xa3: {  	[spmem:s2] =	stream.indirect.scatter.add.f32 @p1 [tilespmem:s10], [sflag:$0xC], $0x40, s5, s6, $0xb8;
	[tilespmem:$0x1C400] =	vst v63  }
0xa4: {  	_ =	swait.ge @p1 [sflag:s18], $0x4000  }
0xa5: {  	s5 =	simm.s32 @!p1 $0x6;
	[sflag:s18] =	ssyncset.done @p1 $0x0  }
0xa6: {  	s10 =	simm.s32 @!p1 $0x100;
	[sflag:s18] =	ssyncadd.s32 @p1 $0xFFFFC000;
	s18 =	sadd.s32 @!p1 $0xA0, s14  }
0xa7: {  	[tilespmem:s10], [sflag:$0x2] =	stream.linear.gather @!p1 [hbm4b:s18+s16], $0x100, $0x38;
	[tilespmem:$0x1C400] =	vst v63  }
0xa8: {  	_ =	swait.ge @!p1 [sflag:s5], $0x100  }
0xa9: {  	s17 =	simm.s32 @!p1 $0x4800;
	[sflag:s5] =	ssyncset.done @!p1 $0x0  }
0xaa: {  	s18 =	simm.s32 @!p1 $0xB;
	[sflag:s5] =	ssyncadd.s32 @!p1 $0xFFFFFF00;
	s5 =	simm.s32 @!p1 $0x500  }
0xab: {  	[spmem:s2] =	stream.indirect.scatter.add.f32 @!p1 [tilespmem:s17], [sflag:$0xC], $0x40, s5, s10, $0xb8;
	[tilespmem:$0x1C400] =	vst v63  }
0xac: {  	_ =	swait.ge @!p1 [sflag:s18], $0x4000  }
0xad: {  	[sflag:s18] =	ssyncset.done @!p1 $0x0  }
0xae: {  	s9 =	sadd.s32 @!p1 $0x80, s7;
	s17 =	simm.s32 @!p1 $0x400;
	[sflag:s18] =	ssyncadd.s32 @!p1 $0xFFFFC000  }
0xaf: {  	[tilespmem:s17], [sflag:$0x5] =	stream.linear.gather @!p1 [hbm4b:s9+s16], $0x100, $0x38;
	[tilespmem:$0x1C400] =	vst v63  }
0xb0: {  	_ =	swait.ge [sflag:s3], $0x100  }
0xb1: {  	[sflag:s3] =	ssyncset.done $0x0  }
0xb2: {  	[sflag:s3] =	ssyncadd.s32 $0xFFFFFF00  }
0xb3: {  	[tilespmem:s25], [sflag:$0x9] =	stream.indirect.gather [spmem:s1], $0x40, s20, s19, $0xb8;
	[tilespmem:$0x1C400] =	vst v63  }
0xb4: {  	_ =	swait.ge [sflag:s26], $0x4000  }
0xb5: {  	[sflag:s26] =	ssyncset.done $0x0  }
0xb6: {  	s9 =	simm.s32 @p1 $0x7;
	[sflag:s26] =	ssyncadd.s32 $0xFFFFC000  }
0xb7: {  	_ =	swait.ge @p1 [sflag:s9], $0x100  }
0xb8: {  	s18 =	simm.s32 @p1 $0x800;
	[sflag:s9] =	ssyncset.done @p1 $0x0  }
0xb9: {  	s17 =	simm.s32 @p1 $0xC;
	[sflag:s9] =	ssyncadd.s32 @p1 $0xFFFFFF00;
	s9 =	simm.s32 @p1 $0x600  }
0xba: {  	[spmem:s2] =	stream.indirect.scatter.add.f32 @p1 [tilespmem:s18], [sflag:$0xB], $0x40, s9, s6, $0xb8;
	[tilespmem:$0x1C400] =	vst v63  }
0xbb: {  	_ =	swait.ge @p1 [sflag:s17], $0x4000  }
0xbc: {  	s6 =	simm.s32 @!p1 $0x7;
	[sflag:s17] =	ssyncset.done @p1 $0x0  }
0xbd: {  	s9 =	sadd.s32 @!p1 $0xC0, s14;
	[sflag:s17] =	ssyncadd.s32 @p1 $0xFFFFC000;
	s17 =	simm.s32 @!p1 $0x200  }
0xbe: {  	[tilespmem:s17], [sflag:$0x3] =	stream.linear.gather @!p1 [hbm4b:s9+s16], $0x100, $0x38;
	[tilespmem:$0x1C400] =	vst v63  }
0xbf: {  	_ =	swait.ge @!p1 [sflag:s6], $0x100  }
0xc0: {  	s9 =	simm.s32 @!p1 $0xC;
	[sflag:s6] =	ssyncset.done @!p1 $0x0  }
0xc1: {  	s17 =	simm.s32 @!p1 $0x800;
	[sflag:s6] =	ssyncadd.s32 @!p1 $0xFFFFFF00;
	s6 =	simm.s32 @!p1 $0x600  }
0xc2: {  	[spmem:s2] =	stream.indirect.scatter.add.f32 @!p1 [tilespmem:s17], [sflag:$0xB], $0x40, s6, s10, $0xb8;
	[tilespmem:$0x1C400] =	vst v63  }
0xc3: {  	_ =	swait.ge @!p1 [sflag:s9], $0x4000  }
0xc4: {  	[sflag:s9] =	ssyncset.done @!p1 $0x0  }
0xc5: {  	s7 =	sadd.s32 @!p1 $0xA0, s7;
	[sflag:s9] =	ssyncadd.s32 @!p1 $0xFFFFC000  }
0xc6: {  	[tilespmem:s5], [sflag:$0x6] =	stream.linear.gather @!p1 [hbm4b:s7+s16], $0x100, $0x38;
	[tilespmem:$0x1C400] =	vst v63  }
0xc7: {  	_ =	swait.ge [sflag:s23], $0x100  }
0xc8: {  	[sflag:s23] =	ssyncset.done $0x0  }
0xc9: {  	s13 =	sadd.s32 $0x80, s13;
	[sflag:s23] =	ssyncadd.s32 $0xFFFFFF00  }
0xca: {  	[tilespmem:s31], [sflag:$0xA] =	stream.indirect.gather [spmem:s1], $0x40, s21, s19, $0xb8;
	[tilespmem:$0x1C400] =	vst v63  }
0xcb: {  	p0 =	sne.s32 s13, $0xA00;
	_ =	swait.ge [sflag:s0], $0x4000  }
.Ltmp0:
0xcc: {  	[sflag:s0] =	ssyncset.done $0x0;
	(pc) =	sbr.rel @p0 .LBB2_2-.Ltmp0, $4  }
0xcd: {  	s6 =	simm.s32 @!p1 $0x300;
	s5 =	sadd.s32 @!p1 $0xE0, s14;
	[sflag:s0] =	ssyncadd.s32 $0xFFFFC000  }
0xce: {  	[tilespmem:s6], [sflag:$0x4] =	stream.linear.gather @!p1 [hbm4b:s5+s16], $0x100, $0x38;
	[tilespmem:$0x1C400] =	vst v63  }
0xcf: {  	_ =	swait.ge [sflag:s8], $0x100  }
0xd0: {  	p2 =	seq.s32 s12, $0x0;
	[sflag:s8] =	ssyncset.done $0x0  }
0xd1: {  	s5 =	simm.s32 @!p2 $0xB;
	[sflag:s8] =	ssyncadd.s32 $0xFFFFFF00  }
0xd2: {  	[spmem:s2] =	stream.indirect.scatter.add.f32 [tilespmem:s31], [sflag:$0xC], $0x40, s29, s19, $0xb8;
	[tilespmem:$0x1C400] =	vst v63  }
0xd3: {  	_ =	swait.ge @!p2 [sflag:s5], $0x4000  }
0xd4: {  	s9 =	sadd.s32 s12, s15;
	[sflag:s5] =	ssyncset.done @!p2 $0x0  }
0xd5: {  	s7 =	sadd.s32 $0x40, s9;
	s6 =	rddreg [dreg:$0x6];
	[sflag:s5] =	ssyncadd.s32 @!p2 $0xFFFFC000  }
0xd6: {  	[tilespmem:s6], [sflag:$0x7] =	stream.linear.gather [hbm4b:s7+s4], $0x100, $0x38;
	[tilespmem:$0x1C400] =	vst v63  }
0xd7: {  	_ =	swait.ge [sflag:s24], $0x100  }
0xd8: {  	[sflag:s24] =	ssyncset.done $0x0  }
0xd9: {  	[sflag:s24] =	ssyncadd.s32 $0xFFFFFF00  }
0xda: {  	[tilespmem:s25], [sflag:$0x9] =	stream.indirect.gather [spmem:s1], $0x40, s4, s19, $0xb8;
	[tilespmem:$0x1C400] =	vst v63  }
0xdb: {  	_ =	swait.ge [sflag:s26], $0x4000  }
0xdc: {  	p0 =	seq.s32 s12, $0x980;
	s5 =	rddreg [dreg:$0x5]  }
0xdd: {  	[sflag:s26] =	ssyncset.done $0x0;
	s7 =	sadd.s32 @!p0 s12, s5  }
0xde: {  	s13 =	simm.s32 @!p0 $0x0;
	[sflag:s26] =	ssyncadd.s32 $0xFFFFC000;
	s5 =	sadd.s32 @!p0 $0x80, s7  }
0xdf: {  	[tilespmem:s13], [sflag:$0x1] =	stream.linear.gather @!p0 [hbm4b:s5+s13], $0x100, $0x38;
	[tilespmem:$0x1C400] =	vst v63  }
0xe0: {  	_ =	swait.ge [sflag:s28], $0x100  }
0xe1: {  	[sflag:s28] =	ssyncset.done $0x0  }
0xe2: {  	s5 =	simm.s32 @!p2 $0xC;
	[sflag:s28] =	ssyncadd.s32 $0xFFFFFF00  }
0xe3: {  	[spmem:s2] =	stream.indirect.scatter.add.f32 [tilespmem:s25], [sflag:$0xB], $0x40, s22, s19, $0xb8;
	[tilespmem:$0x1C400] =	vst v63  }
0xe4: {  	_ =	swait.ge @!p2 [sflag:s5], $0x4000  }
0xe5: {  	[sflag:s5] =	ssyncset.done @!p2 $0x0  }
0xe6: {  	s10 =	sadd.s32 $0x60, s9;
	[sflag:s5] =	ssyncadd.s32 @!p2 $0xFFFFC000  }
0xe7: {  	[tilespmem:s29], [sflag:$0x8] =	stream.linear.gather [hbm4b:s10+s4], $0x100, $0x38;
	[tilespmem:$0x1C400] =	vst v63  }
0xe8: {  	_ =	swait.ge [sflag:s30], $0x100  }
0xe9: {  	[sflag:s30] =	ssyncset.done $0x0  }
0xea: {  	[sflag:s30] =	ssyncadd.s32 $0xFFFFFF00  }
0xeb: {  	[tilespmem:s31], [sflag:$0xA] =	stream.indirect.gather [spmem:s1], $0x40, s19, s19, $0xb8;
	[tilespmem:$0x1C400] =	vst v63  }
0xec: {  	_ =	swait.ge [sflag:s0], $0x4000  }
0xed: {  	[sflag:s0] =	ssyncset.done $0x0  }
0xee: {  	s5 =	simm.s32 @p0 $0x6;
	[sflag:s0] =	ssyncadd.s32 $0xFFFFC000  }
0xef: {  	_ =	swait.ge @p0 [sflag:s5], $0x100  }
0xf0: {  	s9 =	simm.s32 @p0 $0xB;
	s6 =	simm.s32 @p0 $0x4800;
	[sflag:s5] =	ssyncset.done @p0 $0x0  }
0xf1: {  	s10 =	simm.s32 @p0 $0x500;
	[sflag:s5] =	ssyncadd.s32 @p0 $0xFFFFFF00;
	s5 =	simm.s32 @p0 $0x100  }
0xf2: {  	[spmem:s2] =	stream.indirect.scatter.add.f32 @p0 [tilespmem:s6], [sflag:$0xC], $0x40, s10, s5, $0xb8;
	[tilespmem:$0x1C400] =	vst v63  }
0xf3: {  	_ =	swait.ge @p0 [sflag:s9], $0x4000  }
0xf4: {  	s6 =	simm.s32 @!p0 $0x6;
	[sflag:s9] =	ssyncset.done @p0 $0x0  }
0xf5: {  	s10 =	simm.s32 @!p0 $0x100;
	[sflag:s9] =	ssyncadd.s32 @p0 $0xFFFFC000;
	s9 =	sadd.s32 @!p0 $0xA0, s7  }
0xf6: {  	[tilespmem:s10], [sflag:$0x2] =	stream.linear.gather @!p0 [hbm4b:s9+s13], $0x100, $0x38;
	[tilespmem:$0x1C400] =	vst v63  }
0xf7: {  	_ =	swait.ge @!p0 [sflag:s6], $0x100  }
0xf8: {  	s14 =	simm.s32 @!p0 $0x4800;
	[sflag:s6] =	ssyncset.done @!p0 $0x0  }
0xf9: {  	s9 =	simm.s32 @!p0 $0xB;
	[sflag:s6] =	ssyncadd.s32 @!p0 $0xFFFFFF00;
	s6 =	simm.s32 @!p0 $0x500  }
0xfa: {  	[spmem:s2] =	stream.indirect.scatter.add.f32 @!p0 [tilespmem:s14], [sflag:$0xC], $0x40, s6, s10, $0xb8;
	[tilespmem:$0x1C400] =	vst v63  }
0xfb: {  	_ =	swait.ge @!p0 [sflag:s9], $0x4000  }
0xfc: {  	s12 =	sadd.s32 @!p0 s12, s15;
	[sflag:s9] =	ssyncset.done @!p0 $0x0  }
0xfd: {  	s14 =	sadd.s32 @!p0 $0x80, s12;
	[sflag:s9] =	ssyncadd.s32 @!p0 $0xFFFFC000;
	s9 =	simm.s32 @!p0 $0x400  }
0xfe: {  	[tilespmem:s9], [sflag:$0x5] =	stream.linear.gather @!p0 [hbm4b:s14+s13], $0x100, $0x38;
	[tilespmem:$0x1C400] =	vst v63  }
0xff: {  	_ =	swait.ge [sflag:s3], $0x100  }
0x100: {  	[sflag:s3] =	ssyncset.done $0x0  }
0x101: {  	[sflag:s3] =	ssyncadd.s32 $0xFFFFFF00  }
0x102: {  	[tilespmem:s25], [sflag:$0x9] =	stream.indirect.gather [spmem:s1], $0x40, s20, s19, $0xb8;
	[tilespmem:$0x1C400] =	vst v63  }
0x103: {  	_ =	swait.ge [sflag:s26], $0x4000  }
0x104: {  	[sflag:s26] =	ssyncset.done $0x0  }
0x105: {  	s9 =	simm.s32 @p0 $0x7;
	[sflag:s26] =	ssyncadd.s32 $0xFFFFC000  }
0x106: {  	_ =	swait.ge @p0 [sflag:s9], $0x100  }
0x107: {  	[sflag:s9] =	ssyncset.done @p0 $0x0  }
0x108: {  	s14 =	simm.s32 @p0 $0x800;
	[sflag:s9] =	ssyncadd.s32 @p0 $0xFFFFFF00;
	s9 =	simm.s32 @p0 $0x600  }
0x109: {  	[spmem:s2] =	stream.indirect.scatter.add.f32 @p0 [tilespmem:s14], [sflag:$0xB], $0x40, s9, s5, $0xb8;
	[tilespmem:$0x1C400] =	vst v63  }
0x10a: {  	s5 =	simm.s32 @p0 $0xC  }
0x10b: {  	_ =	swait.ge @p0 [sflag:s5], $0x4000  }
0x10c: {  	[sflag:s5] =	ssyncset.done @p0 $0x0  }
0x10d: {  	s9 =	simm.s32 @!p0 $0x200;
	[sflag:s5] =	ssyncadd.s32 @p0 $0xFFFFC000;
	s5 =	sadd.s32 @!p0 $0xC0, s7  }
0x10e: {  	[tilespmem:s9], [sflag:$0x3] =	stream.linear.gather @!p0 [hbm4b:s5+s13], $0x100, $0x38;
	[tilespmem:$0x1C400] =	vst v63  }
0x10f: {  	s5 =	simm.s32 @!p0 $0x7  }
0x110: {  	_ =	swait.ge @!p0 [sflag:s5], $0x100  }
0x111: {  	[sflag:s5] =	ssyncset.done @!p0 $0x0  }
0x112: {  	s9 =	simm.s32 @!p0 $0x800;
	[sflag:s5] =	ssyncadd.s32 @!p0 $0xFFFFFF00;
	s5 =	simm.s32 @!p0 $0x600  }
0x113: {  	[spmem:s2] =	stream.indirect.scatter.add.f32 @!p0 [tilespmem:s9], [sflag:$0xB], $0x40, s5, s10, $0xb8;
	[tilespmem:$0x1C400] =	vst v63  }
0x114: {  	s5 =	simm.s32 @!p0 $0xC  }
0x115: {  	_ =	swait.ge @!p0 [sflag:s5], $0x4000  }
0x116: {  	[sflag:s5] =	ssyncset.done @!p0 $0x0  }
0x117: {  	[sflag:s5] =	ssyncadd.s32 @!p0 $0xFFFFC000;
	s5 =	sadd.s32 @!p0 $0xA0, s12  }
0x118: {  	[tilespmem:s6], [sflag:$0x6] =	stream.linear.gather @!p0 [hbm4b:s5+s13], $0x100, $0x38;
	[tilespmem:$0x1C400] =	vst v63  }
0x119: {  	_ =	swait.ge [sflag:s23], $0x100  }
0x11a: {  	[sflag:s23] =	ssyncset.done $0x0  }
0x11b: {  	[sflag:s23] =	ssyncadd.s32 $0xFFFFFF00  }
0x11c: {  	[tilespmem:s31], [sflag:$0xA] =	stream.indirect.gather [spmem:s1], $0x40, s21, s19, $0xb8;
	[tilespmem:$0x1C400] =	vst v63  }
0x11d: {  	_ =	swait.ge [sflag:s0], $0x4000  }
0x11e: {  	[sflag:s0] =	ssyncset.done $0x0  }
0x11f: {  	s5 =	sadd.s32 @!p0 $0xE0, s7;
	s6 =	simm.s32 @!p0 $0x300;
	[sflag:s0] =	ssyncadd.s32 $0xFFFFC000  }
0x120: {  	[tilespmem:s6], [sflag:$0x4] =	stream.linear.gather @!p0 [hbm4b:s5+s13], $0x100, $0x38;
	[tilespmem:$0x1C400] =	vst v63  }
0x121: {  	_ =	swait.ge [sflag:s8], $0x100  }
0x122: {  	[sflag:s8] =	ssyncset.done $0x0  }
0x123: {  	s14 =	simm.s32 $0xB;
	[sflag:s8] =	ssyncadd.s32 $0xFFFFFF00  }
0x124: {  	[spmem:s2] =	stream.indirect.scatter.add.f32 [tilespmem:s31], [sflag:$0xC], $0x40, s29, s19, $0xb8;
	[tilespmem:$0x1C400] =	vst v63  }
0x125: {  	_ =	swait.ge [sflag:s14], $0x4000  }
0x126: {  	[sflag:s14] =	ssyncset.done $0x0  }
0x127: {  	s16 =	simm.s32 $0xC;
	[sflag:s14] =	ssyncadd.s32 $0xFFFFC000  }
0x128: {  	_ =	swait.ge [sflag:s16], $0x4000  }
0x129: {  	[sflag:s16] =	ssyncset.done $0x0  }
0x12a: {  	[sflag:s16] =	ssyncadd.s32 $0xFFFFC000  }
0x12b: {  	[bflag:$0x0] =	sbarrier.arrive $0xFFFF  }
0x12c: {  	s6 =	rddreg [dreg:$0x8]  }
0x12d: {  	s17 =	rddreg [dreg:$0xf]  }
0x12e: {  	s9 =	simm.s32 $0xD;
	s10 =	rddreg [dreg:$0x12]  }
0x12f: {  	[hbm:s17], [sflag:s6] =	dma.local [spmem:s10], $0x13C0  }
0x130: {  	_ =	swait.ge [sflag:s9], $0x13C0  }
0x131: {  	s11 =	sadd.s32 $0x1, s11;
	s18 =	rddreg [dreg:$0x10]  }
0x132: {  	p0 =	sne.s32 s11, s18  }
.Ltmp1:
0x133: {  	_ = 	snop;
	(pc) =	sbr.rel @p0 .LBB2_1-.Ltmp1, $3  }
0x134: {  	_ =	sdelay $0x1  }
0x135: {  	[sflag:s9] =	ssyncset.done $0x0  }
0x136: {  	[sflag:s9] =	ssyncadd.s32 $0xFFFFEC40  }
0x137: {  	_ =	sfence.sel $0x180000  }
0x138: {  	[bflag:$0x0] =	sbarrier.arrive $0xFFFF  }
0x139: {  	_ =	strace $0x9000004A  }
0x13a: {  	s0 =	stileid.u32;
	[bflag:$0x2] =	sbarrier.arrive $0xFFFF  }
0x13b: {  	p0 =	sne.s32 s0, $0x0;
	s0 =	rddreg [dreg:$0x4]  }
0x13c: {  	s0 =	sadd.s32 @!p0 $0x100000, s0  }
0x13d: {  	[sflag:s0] =	ssyncadd.tile.s32 @!p0 $0x1;
	_ =	shalt  }
.Lfunc_end2:
_tile_overlayer_lowered:
.L_overlay_start_2:
0x13e: {  	(tag) =	ssettag $0x2  }
0x13f: {  	s0 =	rddreg [dreg:$0x0];
	s2 =	stileid.u32  }
0x140: {  	s1 =	rddreg [dreg:$0x1];
	p0 =	sne.s32 s2, $0x0  }
0x141: {  	s3 =	rddreg [dreg:$0x2];
	[bflag:$0x3] =	sbarrier.arrive $0xFFFF;
	s2 =	simm.s32 @!p0 $0x1C0D  }
0x142: {  	[timem:s3], [sflag:s2] =	dma.local @!p0 [hbm:s0], s1  }
0x143: {  	s0 =	simm.s32 @!p0 $0xD  }
0x144: {  	_ =	swait.ge @!p0 [sflag:s0], s1  }
0x145: {  	s1 =	ssub.s32 @!p0 $0x0, s1;
	[sflag:s0] =	ssyncset.done @!p0 $0x0  }
0x146: {  	[sflag:s0] =	ssyncadd.s32 @!p0 s1  }
0x147: {  	[bflag:$0x3] =	sbarrier.arrive $0xFFFF  }
0x148: {  	_ =	shalt  }

// kernel: kernel.14.cloned.1.call-start
scs
__scs_entry_jumppad:
0x0: {  	(pc) =	sbr.rel $0x88, $3  }
0x1: {  	(tag) =	ssettag $0x0;
	lr =	simm.s32 $0x1  }
0x2: {  	[smem:$0x3F99] =	sst lr;
	_ =	strace $0xD0000000  }
0x3: {  	_ = 	snop  }
0x4: {  	_ = 	snop  }
0x5: {  	_ = 	snop  }
0x6: {  	_ = 	snop  }
0x7: {  	_ = 	snop  }
__scs_overlays_trampoline_lowered:
0x8: {  	[smem:$0x3FA8] =	sst s0  }
0x9: {  	[smem:$0x3FA9] =	sst s1  }
0xa: {  	[smem:$0x3FAA] =	sst s2  }
0xb: {  	[smem:$0x3FAB] =	sst s3  }
0xc: {  	[smem:$0x3FAC] =	sst s4  }
0xd: {  	[smem:$0x3FAD] =	sst s5  }
0xe: {  	[smem:$0x3FAE] =	sst s6  }
0xf: {  	[smem:$0x3FAF] =	sst s7  }
0x10: {  	[smem:$0x3FB0] =	sst s8  }
0x11: {  	[smem:$0x3FB1] =	sst s9;
	s0 =	simm.s32 @!p0 $0x0  }
0x12: {  	s1 =	sld [smem:$0x3F97];
	s0 =	simm.s32 @p0 $0x1  }
0x13: {  	[smem:$0x3FB2] =	sst s0;
	s0 =	simm.s32 @!p1 $0x0  }
0x14: {  	s2 =	sld [smem:$0x3F96];
	s0 =	simm.s32 @p1 $0x1  }
0x15: {  	[smem:$0x3FB3] =	sst s0;
	s0 =	simm.s32 @!p2 $0x0  }
0x16: {  	s3 =	sld [smem:$0x3FDB];
	s0 =	simm.s32 @p2 $0x1  }
0x17: {  	s4 =	simm.s32 $0x1BF5;
	[smem:$0x3FB5] =	sst s0  }
0x18: {  	s0 =	sld [smem:$0x3F98];
	_ =	swait.ge [sflag:s4], $0x0  }
0x19: {  	s7 =	sld [smem:$0x3F99]  }
0x1a: {  	s8 =	sadd.s32 $0xFFFFE003, lr  }
0x1b: {  	s9 =	sadd.s32 $0xFFFFFEF7, lr;
	s5 =	simm.s32 $0xFFFFFFFF;
	p2 =	slt.u32 s8, $0xFFFFF086  }
0x1c: {  	p1 =	slt.u32 s9, $0xF7A;
	s5 =	simm.s32 @!p2 $0x0  }
0x1d: {  	s5 =	simm.s32 @p1 $0x1;
	p0 =	seq.s32 s7, s2  }
0x1e: {  	s7 =	smul.u32 @!p0 $0xF7A, s2;
	p2 =	seq.s32 @!p0 s5, $0x0  }
0x1f: {  	s9 =	smul.u32 $0xF7A, s1;
	s8 =	simm.s32 @!p0 $0x1BF5;
	p2 =	por !p2, p0  }
0x20: {  	[sflag:s8] =	ssyncset.s32 @!p0 $0xFFFFF086;
	s6 =	sadd.s32 @!p0 s3, s7;
	s7 =	simm.s32 @!p0 $0x108  }
0x21: {  	s3 =	sadd.s32 s3, s9;
	s6 =	sadd.s32 @!p0 $0x88, s6;
	s7 =	simm.s32 @p2 $0x1082  }
0x22: {  	[simem:s7], [sflag:s8] =	dma.local @!p0 [hbm:s6], $0xF7A  }
0x23: {  	s9 =	sor.u32 $0xD0000000, s2;
	s6 =	simm.s32 $0x108;
	_ =	swait.ge @!p0 [sflag:s8], $0x0  }
0x24: {  	s3 =	sadd.s32 $0x88, s3;
	s6 =	simm.s32 @!p1 $0x1082;
	[sflag:s4] =	ssyncset.s32 $0xFFFFF086  }
0x25: {  	[simem:s6], [sflag:s4] =	dma.local [hbm:s3], $0xF7A  }
0x26: {  	[smem:$0x3F99] =	sst s1;
	(tag) =	ssettag s2;
	_ =	strace s9  }
0x27: {  	s1 =	sld [smem:$0x3FA9]  }
0x28: {  	s2 =	sld [smem:$0x3FAA]  }
0x29: {  	s4 =	sld [smem:$0x3FAC]  }
0x2a: {  	p0 =	seq.s32 s5, $0x0;
	s5 =	sld [smem:$0x3FAD]  }
0x2b: {  	s6 =	sld [smem:$0x3FAE]  }
0x2c: {  	s7 =	sld [smem:$0x3FAF]  }
0x2d: {  	s3 =	simm.s32 $0x108;
	s8 =	sld [smem:$0x3FB0]  }
0x2e: {  	s3 =	simm.s32 @!p0 $0x1082;
	s9 =	sld [smem:$0x3FB1]  }
0x2f: {  	lr =	sadd.s32 s0, s3;
	s0 =	sld [smem:$0x3FA8]  }
0x30: {  	s3 =	sld [smem:$0x3FAB]  }
0x31: {  	[smem:$0x3FB4] =	sst s10  }
0x32: {  	s10 =	sld [smem:$0x3FB2];
	_ =	sdelay $0x3  }
0x33: {  	p0 =	seq.s32 s10, $0x1;
	s10 =	sld [smem:$0x3FB4];
	_ =	sdelay $0x3  }
0x34: {  	[smem:$0x3FB4] =	sst s10  }
0x35: {  	s10 =	sld [smem:$0x3FB3];
	_ =	sdelay $0x3  }
0x36: {  	p1 =	seq.s32 s10, $0x1;
	s10 =	sld [smem:$0x3FB4];
	_ =	sdelay $0x3  }
0x37: {  	[smem:$0x3FB4] =	sst s10  }
0x38: {  	s10 =	sld [smem:$0x3FB5]  }
0x39: {  	_ = 	snop;
	(pc) =	sbr.ind lr, $3  }
0x3a: {  	_ = 	snop  }
0x3b: {  	_ = 	snop  }
0x3c: {  	p2 =	seq.s32 s10, $0x1;
	s10 =	sld [smem:$0x3FB4]  }
0x3d: {  	_ =	shalt  }
0x3e: {  	_ =	shalt  }
0x3f: {  	_ =	shalt  }
0x40: {  	_ =	shalt  }
0x41: {  	_ =	shalt  }
0x42: {  	_ =	shalt  }
0x43: {  	_ =	shalt  }
0x44: {  	_ =	shalt  }
0x45: {  	_ =	shalt  }
0x46: {  	_ =	shalt  }
0x47: {  	_ =	shalt  }
0x48: {  	_ =	shalt  }
0x49: {  	_ =	shalt  }
0x4a: {  	_ =	shalt  }
0x4b: {  	_ =	shalt  }
0x4c: {  	_ =	shalt  }
0x4d: {  	_ =	shalt  }
0x4e: {  	_ =	shalt  }
0x4f: {  	_ =	shalt  }
0x50: {  	_ =	shalt  }
0x51: {  	_ =	shalt  }
0x52: {  	_ =	shalt  }
0x53: {  	_ =	shalt  }
0x54: {  	_ =	shalt  }
0x55: {  	_ =	shalt  }
0x56: {  	_ =	shalt  }
0x57: {  	_ =	shalt  }
0x58: {  	_ =	shalt  }
0x59: {  	_ =	shalt  }
0x5a: {  	_ =	shalt  }
0x5b: {  	_ =	shalt  }
0x5c: {  	_ =	shalt  }
0x5d: {  	_ =	shalt  }
0x5e: {  	_ =	shalt  }
0x5f: {  	_ =	shalt  }
0x60: {  	_ =	shalt  }
0x61: {  	_ =	shalt  }
0x62: {  	_ =	shalt  }
0x63: {  	_ =	shalt  }
0x64: {  	_ =	shalt  }
0x65: {  	_ =	shalt  }
0x66: {  	_ =	shalt  }
0x67: {  	_ =	shalt  }
0x68: {  	_ =	shalt  }
0x69: {  	_ =	shalt  }
0x6a: {  	_ =	shalt  }
0x6b: {  	_ =	shalt  }
0x6c: {  	_ =	shalt  }
0x6d: {  	_ =	shalt  }
0x6e: {  	_ =	shalt  }
0x6f: {  	_ =	shalt  }
0x70: {  	_ =	shalt  }
0x71: {  	_ =	shalt  }
0x72: {  	_ =	shalt  }
0x73: {  	_ =	shalt  }
0x74: {  	_ =	shalt  }
0x75: {  	_ =	shalt  }
0x76: {  	_ =	shalt  }
0x77: {  	_ =	shalt  }
0x78: {  	_ =	shalt  }
0x79: {  	_ =	shalt  }
0x7a: {  	_ =	shalt  }
0x7b: {  	_ =	shalt  }
0x7c: {  	_ =	shalt  }
0x7d: {  	_ =	shalt  }
0x7e: {  	_ =	shalt  }
0x7f: {  	_ =	shalt  }
0x80: {  	_ =	shalt  }
0x81: {  	_ =	shalt  }
0x82: {  	_ =	shalt  }
0x83: {  	_ =	shalt  }
0x84: {  	_ =	shalt  }
0x85: {  	_ =	shalt  }
0x86: {  	_ =	shalt  }
0x87: {  	_ =	shalt  }
.Lfunc_end0:
.L_simem_size_0:
called_computation.2_lowered:
.L_overlay_start_0:
0x88: {  	s2 =	sld [smem:$0x3FD9]  }
0x89: {  	s3 =	sld [smem:$0x3FFE];
	_ =	sdelay $0x1  }
0x8a: {  	s1 =	srdreg.scid  }
0x8b: {  	s0 =	sand.u32 $0x1, s1  }
0x8c: {  	s14 =	sshll.u32 s0, $0xA;
	s2 =	sadd.s32 s3, s2  }
0x8d: {  	s2 =	sadd.s32 s2, s14  }
0x8e: {  	[smem:$0x3FC0] =	sst s2  }
0x8f: {  	_ = 	snop  }
0x90: {  	s2 =	sld [smem:$0x3FD0];
	_ =	sdelay $0x2  }
0x91: {  	s15 =	simm.s32 $0xA;
	s4 =	simm.s32 $0x10  }
0x92: {  	[smem:s4], [sflag:s15] =	dma.local [hbm:s2], $0x1  }
0x93: {  	_ =	swait.eq [sflag:s15], $0x1  }
0x94: {  	[sflag:s15] =	ssyncset.done $0x0  }
0x95: {  	[sflag:s15] =	ssyncadd.s32 $0xFFFFFFFF  }
0x96: {  	s16 =	sld [smem:$0x10];
	(tm) =	ssettm $0x1  }
0x97: {  	s17 =	sld [smem:$0x3FFB];
	_ =	sdelay $0x3  }
0x98: {  	_ =	strace s17  }
0x99: {  	s3 =	sld [smem:$0x3FFC];
	_ =	sdelay $0x3  }
0x9a: {  	_ =	strace s3  }
0x9b: {  	s3 =	sld [smem:$0x3FFD];
	_ =	sdelay $0x3  }
0x9c: {  	_ =	strace s3  }
0x9d: {  	_ =	strace $0x8FFFFFFF  }
0x9e: {  	s18 =	sld [smem:$0x3FDB];
	_ =	sdelay $0x1  }
0x9f: {  	s19 =	simm.s32 $_scs_section_size  }
0xa0: {  	s5 =	simm.s32 $_size__tile_overlayer_lowered;
	s6 =	simm.s32 $_tile_overlayer_lowered  }
0xa1: {  	s22 =	simm.s32 $0x1BFF;
	s21 =	sshll.u32 s6, $0x1;
	s3 =	sadd.s32 s19, s18  }
0xa2: {  	s7 =	simm.s32 $0x0;
	s20 =	sshll.u32 s5, $0x1;
	s5 =	sadd.s32 s21, s3  }
0xa3: {  	[timem:s7], [sflag:s22] =	dma.local [hbm:s5], s20  }
0xa4: {  	_ =	swait.ge [sflag:s22], s20  }
0xa5: {  	s4 =	ssub.s32 $0x0, s20;
	[sflag:s22] =	ssyncset.done $0x0  }
0xa6: {  	[sflag:s22] =	ssyncadd.s32 s4;
	_ =	sdelay $0x1  }
0xa7: {  	s23 =	simm.s32 $0x1B8B  }
0xa8: {  	_ =	swait.ge [sflag:s23], $0x1  }
0xa9: {  	[sflag:s23] =	ssyncset.done $0x0  }
0xaa: {  	s25 =	simm.s32 $0x1B8E;
	s24 =	sld [smem:$0x3FFE];
	[sflag:s23] =	ssyncadd.s32 $0xFFFFFFFF  }
0xab: {  	s26 =	simm.s32 $execute0_lowered;
	[smem:$0x3FD2] =	sst s25  }
0xac: {  	s5 =	sshll.u32 s26, $0x1;
	_ =	strace $0x8000004C;
	[dreg:$0x1] =	wrdreg $0xFFFFFFFF  }
0xad: {  	s28 =	simm.s32 $_size_execute0_lowered;
	s3 =	sadd.s32 s3, s5;
	[dreg:$0x0] =	wrdreg $0x0  }
0xae: {  	s5 =	sshll.u32 s28, $0x1;
	[dreg:$0x2] =	wrdreg s3  }
0xaf: {  	[dreg:$0x3] =	wrdreg s5  }
0xb0: {  	[dreg:$0x4] =	wrdreg $0xC0  }
0xb1: {  	_ =	task [dreg:s7], $0x5FFFF  }
0xb2: {  	[dreg:$0x1] =	wrdreg $0xFFFFFFFF  }
0xb3: {  	[dreg:$0x0] =	wrdreg $0x60  }
0xb4: {  	[dreg:$0x2] =	wrdreg s24  }
0xb5: {  	[dreg:$0x3] =	wrdreg s16  }
0xb6: {  	[dreg:$0x4] =	wrdreg $0x88000  }
0xb7: {  	[dreg:$0x5] =	wrdreg $0x126000  }
0xb8: {  	[dreg:$0x6] =	wrdreg $0x9  }
0xb9: {  	_ =	task.clear_ibuf [dreg:s7], $0x7FFFF;
	_ =	strace $0x9000004C  }
0xba: {  	s29 =	simm.s32 $0x9;
	_ =	strace $0x8000004E  }
0xbb: {  	_ =	swait.ge [sflag:s29], $0x1  }
0xbc: {  	[sflag:s29] =	ssyncadd.s32 $0xFFFFFFFF  }
0xbd: {  	_ =	strace $0x9000004E  }
0xbe: {  	_ =	sfence  }
0xbf: {  	s30 =	sld [smem:$0x0];
	_ =	sdelay $0x2  }
0xc0: {  	s31 =	sshll.u32 s1, $0xD;
	s1 =	sshrl.u32 s1, $0x2  }
0xc1: {  	s3 =	sand.u32 $0x4000, s31;
	s1 =	sadd.s32 s1, s30  }
0xc2: {  	s0 =	sor.u32 s3, s0;
	s1 =	sshll.u32 s1, $0x11  }
0xc3: {  	s0 =	sor.u32 s1, s0  }
0xc4: {  	s0 =	sadd.s32 $0x8F2B, s0  }
0xc5: {  	[sflag:s0] =	ssyncadd.remote.s32 $0x1  }
0xc6: {  	_ =	sfence.sel $0xFFFF  }
0xc7: {  	[dreg:$0x0] =	wrdreg $0xFFFFFFFF;
	(pc) =	sbr.abs _section_cstart, $3  }
0xc8: {  	[dreg:$0x1] =	wrdreg $0xFFFFFFFF  }
0xc9: {  	_ =	task.clear_ibuf [dreg:s7], $0x2FFFF;
	_ =	strace $0x9FFFFFFF  }
0xca: {  	(tm) =	ssettm $0x7FFFFFFF  }
0xcb: {  	_ =	shalt  }
tec
execute0_lowered:
.L_overlay_start_1:
0x0: {  	(tag) =	ssettag $0x1  }
0x1: {  	s0 =	rddreg [dreg:$0x0]  }
0x2: {  	s3 =	rddreg [dreg:$0x1]  }
0x3: {  	s1 =	rddreg [dreg:$0x2]  }
0x4: {  	s2 =	rddreg [dreg:$0x3]  }
0x5: {  	s4 =	srdreg.scid;
	s12 =	stileid.u32  }
0x6: {  	s26 =	simm.s32 $0x600;
	s28 =	simm.s32 $0x5;
	s29 =	simm.s32 $0x700  }
0x7: {  	s30 =	simm.s32 $0x2;
	s31 =	simm.s32 $0x4800;
	s7 =	smul.u32 $0x9E00, s12  }
0x8: {  	s5 =	sand.u32 $0x1, s4;
	s4 =	simm.s32 $0x0;
	s10 =	smul.u32 $0x5000, s12  }
0x9: {  	s8 =	sadd.s32 $0x1E00, s0;
	s20 =	sshll.u32 s12, $0x6;
	s12 =	smul.u32 $0xA00, s12  }
0xa: {  	s6 =	smul.u32 $0x9E000, s5;
	[smem:$0x7FF] =	sst s4;
	s5 =	ssub.s32 $0x2, s5  }
0xb: {  	_ =	strace $0x8000004D;
	s9 =	sshrl.u32 s5, $0x1;
	s19 =	sadd.s32 s7, s1  }
0xc: {  	s10 =	sshrl.u32 s10, $0x3;
	s23 =	sadd.s32 s12, s3;
	s15 =	sadd.s32 s12, s8  }
0xd: {  	[dreg:$0x6] =	wrdreg s26;
	s26 =	simm.s32 $0x9;
	s6 =	sadd.s32 s7, s6  }
0xe: {  	s5 =	ssub.s32 s5, s9;
	s7 =	sadd.s32 s7, s2;
	s11 =	sor.u32 $0x20, s10  }
0xf: {  	s13 =	sadd.s32 s3, s10;
	s10 =	sadd.s32 s8, s10;
	[dreg:$0x5] =	wrdreg s23  }
0x10: {  	s25 =	sshrl.u32 s19, $0x3;
	s9 =	simm.s32 $0xD;
	[dreg:$0x9] =	wrdreg s13  }
0x11: {  	s19 =	simm.s32 $0x100;
	s23 =	simm.s32 $0x4;
	[dreg:$0xd] =	wrdreg s10  }
0x12: {  	s6 =	sshrl.u32 s6, $0x3;
	s14 =	sadd.s32 s3, s11;
	[dreg:$0x11] =	wrdreg s25  }
0x13: {  	s21 =	sadd.s32 $0x40, s13;
	s13 =	sadd.s32 $0x60, s13;
	[dreg:$0xa] =	wrdreg s14  }
0x14: {  	s22 =	sadd.s32 s8, s11;
	s24 =	smax.u32 s5, $0x1;
	[dreg:$0xb] =	wrdreg s21  }
0x15: {  	s10 =	sshrl.u32 s7, $0x3;
	s25 =	simm.s32 $0x800;
	[dreg:$0xc] =	wrdreg s13  }
0x16: {  	s3 =	simm.s32 $0x3;
	s8 =	simm.s32 $0x8;
	[dreg:$0xe] =	wrdreg s22  }
0x17: {  	s11 =	simm.s32 $0x0;
	s0 =	sadd.s32 s6, s0;
	[dreg:$0x10] =	wrdreg s24  }
0x18: {  	s21 =	simm.s32 $0x300;
	[dreg:$0x12] =	wrdreg s10;
	s6 =	sadd.s32 $0xBE00, s0  }
0x19: {  	s22 =	simm.s32 $0x400;
	s0 =	sadd.s32 $0x33600, s0;
	[dreg:$0x7] =	wrdreg s6  }
0x1a: {  	s24 =	simm.s32 $0x1;
	s6 =	sor.u32 $0x1C0D, s20;
	[dreg:$0xf] =	wrdreg s0  }
0x1b: {  	s20 =	simm.s32 $0x200;
	s0 =	simm.s32 $0xA;
	[dreg:$0x8] =	wrdreg s6  }
.LBB2_1:
0x1c: {  	s5 =	rddreg [dreg:$0x7]  }
0x1d: {  	s7 =	rddreg [dreg:$0x11]  }
0x1e: {  	[spmem:s7], [sflag:s6] =	dma.local [hbm:s5], $0x13C0  }
0x1f: {  	_ =	swait.ge [sflag:s9], $0x13C0  }
0x20: {  	[sflag:s9] =	ssyncset.done $0x0  }
0x21: {  	[sflag:s9] =	ssyncadd.s32 $0xFFFFEC40  }
0x22: {  	[spmem:s10], [sflag:s6] =	dma.local [hbm:s5], $0x13C0  }
0x23: {  	_ =	swait.ge [sflag:s9], $0x13C0  }
0x24: {  	[sflag:s9] =	ssyncset.done $0x0  }
0x25: {  	s18 =	rddreg [dreg:$0x9];
	[sflag:s9] =	ssyncadd.s32 $0xFFFFEC40  }
0x26: {  	[tilespmem:s4], [sflag:$0x1] =	stream.linear.gather [hbm4b:s18+s4], $0x100, $0x38;
	[tilespmem:$0x1C400] =	vst v63  }
0x27: {  	s6 =	rddreg [dreg:$0xa]  }
0x28: {  	[tilespmem:s19], [sflag:$0x2] =	stream.linear.gather [hbm4b:s6+s4], $0x100, $0x38;
	[tilespmem:$0x1C400] =	vst v63  }
0x29: {  	s7 =	rddreg [dreg:$0xb]  }
0x2a: {  	[tilespmem:s20], [sflag:$0x3] =	stream.linear.gather [hbm4b:s7+s4], $0x100, $0x38;
	[tilespmem:$0x1C400] =	vst v63  }
0x2b: {  	s9 =	rddreg [dreg:$0xc]  }
0x2c: {  	[tilespmem:s21], [sflag:$0x4] =	stream.linear.gather [hbm4b:s9+s4], $0x100, $0x38;
	[tilespmem:$0x1C400] =	vst v63  }
0x2d: {  	s10 =	rddreg [dreg:$0xd]  }
0x2e: {  	[tilespmem:s22], [sflag:$0x5] =	stream.linear.gather [hbm4b:s10+s4], $0x100, $0x38;
	[tilespmem:$0x1C400] =	vst v63  }
0x2f: {  	s13 =	simm.s32 $0x500;
	p1 =	por $0x1, $0x1;
	s12 =	rddreg [dreg:$0xe]  }
0x30: {  	[tilespmem:s13], [sflag:$0x6] =	stream.linear.gather [hbm4b:s12+s4], $0x100, $0x38;
	[tilespmem:$0x1C400] =	vst v63  }
0x31: {  	s5 =	simm.s32 @!p1 $0xB;
	[bflag:$0x0] =	sbarrier.arrive $0xFFFF  }
0x32: {  	_ =	swait.ge @!p1 [sflag:s5], $0x4000  }
0x33: {  	s16 =	sadd.s32 $0x0, s15;
	[sflag:s5] =	ssyncset.done @!p1 $0x0  }
0x34: {  	s17 =	sadd.s32 $0x40, s16;
	s14 =	rddreg [dreg:$0x6];
	[sflag:s5] =	ssyncadd.s32 @!p1 $0xFFFFC000  }
0x35: {  	[tilespmem:s14], [sflag:$0x7] =	stream.linear.gather [hbm4b:s17+s4], $0x100, $0x38;
	[tilespmem:$0x1C400] =	vst v63  }
0x36: {  	_ =	swait.ge [sflag:s24], $0x100  }
0x37: {  	[sflag:s24] =	ssyncset.done $0x0  }
0x38: {  	[sflag:s24] =	ssyncadd.s32 $0xFFFFFF00  }
0x39: {  	[tilespmem:s25], [sflag:$0x9] =	stream.indirect.gather [spmem:s1], $0x40, s4, s19, $0xb8;
	[tilespmem:$0x1C400] =	vst v63  }
0x3a: {  	_ =	swait.ge [sflag:s26], $0x4000  }
0x3b: {  	p0 =	por $0x0, $0x0;
	s5 =	rddreg [dreg:$0x5]  }
0x3c: {  	[sflag:s26] =	ssyncset.done $0x0;
	s7 =	sadd.s32 @!p0 $0x0, s5  }
0x3d: {  	s12 =	simm.s32 @!p0 $0x0;
	[sflag:s26] =	ssyncadd.s32 $0xFFFFC000;
	s5 =	sadd.s32 @!p0 $0x80, s7  }
0x3e: {  	[tilespmem:s12], [sflag:$0x1] =	stream.linear.gather @!p0 [hbm4b:s5+s12], $0x100, $0x38;
	[tilespmem:$0x1C400] =	vst v63  }
0x3f: {  	_ =	swait.ge [sflag:s28], $0x100  }
0x40: {  	[sflag:s28] =	ssyncset.done $0x0  }
0x41: {  	s5 =	simm.s32 @!p1 $0xC;
	[sflag:s28] =	ssyncadd.s32 $0xFFFFFF00  }
0x42: {  	[spmem:s2] =	stream.indirect.scatter.add.f32 [tilespmem:s25], [sflag:$0xB], $0x40, s22, s19, $0xb8;
	[tilespmem:$0x1C400] =	vst v63  }
0x43: {  	_ =	swait.ge @!p1 [sflag:s5], $0x4000  }
0x44: {  	[sflag:s5] =	ssyncset.done @!p1 $0x0  }
0x45: {  	s18 =	sadd.s32 $0x60, s16;
	[sflag:s5] =	ssyncadd.s32 @!p1 $0xFFFFC000  }
0x46: {  	[tilespmem:s29], [sflag:$0x8] =	stream.linear.gather [hbm4b:s18+s4], $0x100, $0x38;
	[tilespmem:$0x1C400] =	vst v63  }
0x47: {  	_ =	swait.ge [sflag:s30], $0x100  }
0x48: {  	[sflag:s30] =	ssyncset.done $0x0  }
0x49: {  	[sflag:s30] =	ssyncadd.s32 $0xFFFFFF00  }
0x4a: {  	[tilespmem:s31], [sflag:$0xA] =	stream.indirect.gather [spmem:s1], $0x40, s19, s19, $0xb8;
	[tilespmem:$0x1C400] =	vst v63  }
0x4b: {  	_ =	swait.ge [sflag:s0], $0x4000  }
0x4c: {  	[sflag:s0] =	ssyncset.done $0x0  }
0x4d: {  	s5 =	simm.s32 @p0 $0x6;
	[sflag:s0] =	ssyncadd.s32 $0xFFFFC000  }
0x4e: {  	_ =	swait.ge @p0 [sflag:s5], $0x100  }
0x4f: {  	s9 =	simm.s32 @p0 $0x4800;
	s10 =	simm.s32 @p0 $0xB;
	[sflag:s5] =	ssyncset.done @p0 $0x0  }
0x50: {  	s13 =	simm.s32 @p0 $0x500;
	[sflag:s5] =	ssyncadd.s32 @p0 $0xFFFFFF00;
	s5 =	simm.s32 @p0 $0x100  }
0x51: {  	[spmem:s2] =	stream.indirect.scatter.add.f32 @p0 [tilespmem:s9], [sflag:$0xC], $0x40, s13, s5, $0xb8;
	[tilespmem:$0x1C400] =	vst v63  }
0x52: {  	_ =	swait.ge @p0 [sflag:s10], $0x4000  }
0x53: {  	s9 =	simm.s32 @!p0 $0x6;
	[sflag:s10] =	ssyncset.done @p0 $0x0  }
0x54: {  	s13 =	simm.s32 @!p0 $0x100;
	[sflag:s10] =	ssyncadd.s32 @p0 $0xFFFFC000;
	s10 =	sadd.s32 @!p0 $0xA0, s7  }
0x55: {  	[tilespmem:s13], [sflag:$0x2] =	stream.linear.gather @!p0 [hbm4b:s10+s12], $0x100, $0x38;
	[tilespmem:$0x1C400] =	vst v63  }
0x56: {  	_ =	swait.ge @!p0 [sflag:s9], $0x100  }
0x57: {  	s14 =	simm.s32 @!p0 $0x4800;
	[sflag:s9] =	ssyncset.done @!p0 $0x0  }
0x58: {  	s10 =	simm.s32 @!p0 $0xB;
	[sflag:s9] =	ssyncadd.s32 @!p0 $0xFFFFFF00;
	s9 =	simm.s32 @!p0 $0x500  }
0x59: {  	[spmem:s2] =	stream.indirect.scatter.add.f32 @!p0 [tilespmem:s14], [sflag:$0xC], $0x40, s9, s13, $0xb8;
	[tilespmem:$0x1C400] =	vst v63  }
0x5a: {  	_ =	swait.ge @!p0 [sflag:s10], $0x4000  }
0x5b: {  	s14 =	sadd.s32 @!p0 $0x0, s15;
	[sflag:s10] =	ssyncset.done @!p0 $0x0  }
0x5c: {  	s16 =	sadd.s32 @!p0 $0x80, s14;
	[sflag:s10] =	ssyncadd.s32 @!p0 $0xFFFFC000;
	s10 =	simm.s32 @!p0 $0x400  }
0x5d: {  	[tilespmem:s10], [sflag:$0x5] =	stream.linear.gather @!p0 [hbm4b:s16+s12], $0x100, $0x38;
	[tilespmem:$0x1C400] =	vst v63  }
0x5e: {  	_ =	swait.ge [sflag:s3], $0x100  }
0x5f: {  	[sflag:s3] =	ssyncset.done $0x0  }
0x60: {  	[sflag:s3] =	ssyncadd.s32 $0xFFFFFF00  }
0x61: {  	[tilespmem:s25], [sflag:$0x9] =	stream.indirect.gather [spmem:s1], $0x40, s20, s19, $0xb8;
	[tilespmem:$0x1C400] =	vst v63  }
0x62: {  	_ =	swait.ge [sflag:s26], $0x4000  }
0x63: {  	[sflag:s26] =	ssyncset.done $0x0  }
0x64: {  	s10 =	simm.s32 @p0 $0x7;
	[sflag:s26] =	ssyncadd.s32 $0xFFFFC000  }
0x65: {  	_ =	swait.ge @p0 [sflag:s10], $0x100  }
0x66: {  	[sflag:s10] =	ssyncset.done @p0 $0x0  }
0x67: {  	s16 =	simm.s32 @p0 $0x800;
	[sflag:s10] =	ssyncadd.s32 @p0 $0xFFFFFF00;
	s10 =	simm.s32 @p0 $0x600  }
0x68: {  	[spmem:s2] =	stream.indirect.scatter.add.f32 @p0 [tilespmem:s16], [sflag:$0xB], $0x40, s10, s5, $0xb8;
	[tilespmem:$0x1C400] =	vst v63  }
0x69: {  	s5 =	simm.s32 @p0 $0xC  }
0x6a: {  	_ =	swait.ge @p0 [sflag:s5], $0x4000  }
0x6b: {  	[sflag:s5] =	ssyncset.done @p0 $0x0  }
0x6c: {  	s10 =	simm.s32 @!p0 $0x200;
	[sflag:s5] =	ssyncadd.s32 @p0 $0xFFFFC000;
	s5 =	sadd.s32 @!p0 $0xC0, s7  }
0x6d: {  	[tilespmem:s10], [sflag:$0x3] =	stream.linear.gather @!p0 [hbm4b:s5+s12], $0x100, $0x38;
	[tilespmem:$0x1C400] =	vst v63  }
0x6e: {  	s5 =	simm.s32 @!p0 $0x7  }
0x6f: {  	_ =	swait.ge @!p0 [sflag:s5], $0x100  }
0x70: {  	[sflag:s5] =	ssyncset.done @!p0 $0x0  }
0x71: {  	s10 =	simm.s32 @!p0 $0x800;
	[sflag:s5] =	ssyncadd.s32 @!p0 $0xFFFFFF00;
	s5 =	simm.s32 @!p0 $0x600  }
0x72: {  	[spmem:s2] =	stream.indirect.scatter.add.f32 @!p0 [tilespmem:s10], [sflag:$0xB], $0x40, s5, s13, $0xb8;
	[tilespmem:$0x1C400] =	vst v63  }
0x73: {  	s5 =	simm.s32 @!p0 $0xC  }
0x74: {  	_ =	swait.ge @!p0 [sflag:s5], $0x4000  }
0x75: {  	[sflag:s5] =	ssyncset.done @!p0 $0x0  }
0x76: {  	[sflag:s5] =	ssyncadd.s32 @!p0 $0xFFFFC000;
	s5 =	sadd.s32 @!p0 $0xA0, s14  }
0x77: {  	[tilespmem:s9], [sflag:$0x6] =	stream.linear.gather @!p0 [hbm4b:s5+s12], $0x100, $0x38;
	[tilespmem:$0x1C400] =	vst v63  }
0x78: {  	_ =	swait.ge [sflag:s23], $0x100  }
0x79: {  	[sflag:s23] =	ssyncset.done $0x0  }
0x7a: {  	[sflag:s23] =	ssyncadd.s32 $0xFFFFFF00  }
0x7b: {  	[tilespmem:s31], [sflag:$0xA] =	stream.indirect.gather [spmem:s1], $0x40, s21, s19, $0xb8;
	[tilespmem:$0x1C400] =	vst v63  }
0x7c: {  	_ =	swait.ge [sflag:s0], $0x4000  }
0x7d: {  	[sflag:s0] =	ssyncset.done $0x0  }
0x7e: {  	s5 =	sadd.s32 @!p0 $0xE0, s7;
	s7 =	simm.s32 @!p0 $0x300;
	[sflag:s0] =	ssyncadd.s32 $0xFFFFC000  }
0x7f: {  	[tilespmem:s7], [sflag:$0x4] =	stream.linear.gather @!p0 [hbm4b:s5+s12], $0x100, $0x38;
	[tilespmem:$0x1C400] =	vst v63  }
0x80: {  	p2 =	por $0x0, $0x0;
	_ =	swait.ge [sflag:s8], $0x100  }
0x81: {  	s13 =	simm.s32 $0x100;
	s12 =	simm.s32 $0x80;
	[sflag:s8] =	ssyncset.done $0x0  }
.LBB2_2:
0x82: {  	s5 =	simm.s32 @!p2 $0xB;
	[sflag:s8] =	ssyncadd.s32 $0xFFFFFF00  }
0x83: {  	[spmem:s2] =	stream.indirect.scatter.add.f32 [tilespmem:s31], [sflag:$0xC], $0x40, s29, s19, $0xb8;
	[tilespmem:$0x1C400] =	vst v63  }
0x84: {  	_ =	swait.ge @!p2 [sflag:s5], $0x4000  }
0x85: {  	s18 =	sadd.s32 s12, s15;
	[sflag:s5] =	ssyncset.done @!p2 $0x0  }
0x86: {  	s9 =	sadd.s32 $0x40, s18;
	s7 =	rddreg [dreg:$0x6];
	[sflag:s5] =	ssyncadd.s32 @!p2 $0xFFFFC000  }
0x87: {  	[tilespmem:s7], [sflag:$0x7] =	stream.linear.gather [hbm4b:s9+s4], $0x100, $0x38;
	[tilespmem:$0x1C400] =	vst v63  }
0x88: {  	_ =	swait.ge [sflag:s24], $0x100  }
0x89: {  	[sflag:s24] =	ssyncset.done $0x0  }
0x8a: {  	[sflag:s24] =	ssyncadd.s32 $0xFFFFFF00  }
0x8b: {  	[tilespmem:s25], [sflag:$0x9] =	stream.indirect.gather [spmem:s1], $0x40, s4, s19, $0xb8;
	[tilespmem:$0x1C400] =	vst v63  }
0x8c: {  	_ =	swait.ge [sflag:s26], $0x4000  }
0x8d: {  	p1 =	seq.s32 s12, $0x980;
	s7 =	rddreg [dreg:$0x5]  }
0x8e: {  	[sflag:s26] =	ssyncset.done $0x0;
	s14 =	sadd.s32 @!p1 s12, s7  }
0x8f: {  	s16 =	simm.s32 @!p1 $0x0;
	[sflag:s26] =	ssyncadd.s32 $0xFFFFC000;
	s9 =	sadd.s32 @!p1 $0x80, s14  }
0x90: {  	[tilespmem:s16], [sflag:$0x1] =	stream.linear.gather @!p1 [hbm4b:s9+s16], $0x100, $0x38;
	[tilespmem:$0x1C400] =	vst v63  }
0x91: {  	_ =	swait.ge [sflag:s28], $0x100  }
0x92: {  	s10 =	smov.u32 s13;
	s7 =	sadd.s32 @!p1 s12, s15;
	[sflag:s28] =	ssyncset.done $0x0  }
0x93: {  	s12 =	smov.u32 s10;
	s10 =	simm.s32 @!p2 $0xC;
	[sflag:s28] =	ssyncadd.s32 $0xFFFFFF00  }
0x94: {  	[spmem:s2] =	stream.indirect.scatter.add.f32 [tilespmem:s25], [sflag:$0xB], $0x40, s22, s19, $0xb8;
	[tilespmem:$0x1C400] =	vst v63  }
0x95: {  	_ =	swait.ge @!p2 [sflag:s10], $0x4000  }
0x96: {  	[sflag:s10] =	ssyncset.done @!p2 $0x0  }
0x97: {  	s5 =	sadd.s32 $0x60, s18;
	[sflag:s10] =	ssyncadd.s32 @!p2 $0xFFFFC000  }
0x98: {  	[tilespmem:s29], [sflag:$0x8] =	stream.linear.gather [hbm4b:s5+s4], $0x100, $0x38;
	[tilespmem:$0x1C400] =	vst v63  }
0x99: {  	_ =	swait.ge [sflag:s30], $0x100  }
0x9a: {  	[sflag:s30] =	ssyncset.done $0x0  }
0x9b: {  	[sflag:s30] =	ssyncadd.s32 $0xFFFFFF00  }
0x9c: {  	[tilespmem:s31], [sflag:$0xA] =	stream.indirect.gather [spmem:s1], $0x40, s19, s19, $0xb8;
	[tilespmem:$0x1C400] =	vst v63  }
0x9d: {  	_ =	swait.ge [sflag:s0], $0x4000  }
0x9e: {  	[sflag:s0] =	ssyncset.done $0x0  }
0x9f: {  	s5 =	simm.s32 @p1 $0x6;
	[sflag:s0] =	ssyncadd.s32 $0xFFFFC000  }
0xa0: {  	_ =	swait.ge @p1 [sflag:s5], $0x100  }
0xa1: {  	s6 =	simm.s32 @p1 $0x100;
	s18 =	simm.s32 @p1 $0xB;
	[sflag:s5] =	ssyncset.done @p1 $0x0  }
0xa2: {  	s10 =	simm.s32 @p1 $0x4800;
	[sflag:s5] =	ssyncadd.s32 @p1 $0xFFFFFF00;
	s5 =	simm.s32 @p1 $0x500  }
0xa3: {  	[spmem:s2] =	stream.indirect.scatter.add.f32 @p1 [tilespmem:s10], [sflag:$0xC], $0x40, s5, s6, $0xb8;
	[tilespmem:$0x1C400] =	vst v63  }
0xa4: {  	_ =	swait.ge @p1 [sflag:s18], $0x4000  }
0xa5: {  	s5 =	simm.s32 @!p1 $0x6;
	[sflag:s18] =	ssyncset.done @p1 $0x0  }
0xa6: {  	s10 =	simm.s32 @!p1 $0x100;
	[sflag:s18] =	ssyncadd.s32 @p1 $0xFFFFC000;
	s18 =	sadd.s32 @!p1 $0xA0, s14  }
0xa7: {  	[tilespmem:s10], [sflag:$0x2] =	stream.linear.gather @!p1 [hbm4b:s18+s16], $0x100, $0x38;
	[tilespmem:$0x1C400] =	vst v63  }
0xa8: {  	_ =	swait.ge @!p1 [sflag:s5], $0x100  }
0xa9: {  	s17 =	simm.s32 @!p1 $0x4800;
	[sflag:s5] =	ssyncset.done @!p1 $0x0  }
0xaa: {  	s18 =	simm.s32 @!p1 $0xB;
	[sflag:s5] =	ssyncadd.s32 @!p1 $0xFFFFFF00;
	s5 =	simm.s32 @!p1 $0x500  }
0xab: {  	[spmem:s2] =	stream.indirect.scatter.add.f32 @!p1 [tilespmem:s17], [sflag:$0xC], $0x40, s5, s10, $0xb8;
	[tilespmem:$0x1C400] =	vst v63  }
0xac: {  	_ =	swait.ge @!p1 [sflag:s18], $0x4000  }
0xad: {  	[sflag:s18] =	ssyncset.done @!p1 $0x0  }
0xae: {  	s9 =	sadd.s32 @!p1 $0x80, s7;
	s17 =	simm.s32 @!p1 $0x400;
	[sflag:s18] =	ssyncadd.s32 @!p1 $0xFFFFC000  }
0xaf: {  	[tilespmem:s17], [sflag:$0x5] =	stream.linear.gather @!p1 [hbm4b:s9+s16], $0x100, $0x38;
	[tilespmem:$0x1C400] =	vst v63  }
0xb0: {  	_ =	swait.ge [sflag:s3], $0x100  }
0xb1: {  	[sflag:s3] =	ssyncset.done $0x0  }
0xb2: {  	[sflag:s3] =	ssyncadd.s32 $0xFFFFFF00  }
0xb3: {  	[tilespmem:s25], [sflag:$0x9] =	stream.indirect.gather [spmem:s1], $0x40, s20, s19, $0xb8;
	[tilespmem:$0x1C400] =	vst v63  }
0xb4: {  	_ =	swait.ge [sflag:s26], $0x4000  }
0xb5: {  	[sflag:s26] =	ssyncset.done $0x0  }
0xb6: {  	s9 =	simm.s32 @p1 $0x7;
	[sflag:s26] =	ssyncadd.s32 $0xFFFFC000  }
0xb7: {  	_ =	swait.ge @p1 [sflag:s9], $0x100  }
0xb8: {  	s18 =	simm.s32 @p1 $0x800;
	[sflag:s9] =	ssyncset.done @p1 $0x0  }
0xb9: {  	s17 =	simm.s32 @p1 $0xC;
	[sflag:s9] =	ssyncadd.s32 @p1 $0xFFFFFF00;
	s9 =	simm.s32 @p1 $0x600  }
0xba: {  	[spmem:s2] =	stream.indirect.scatter.add.f32 @p1 [tilespmem:s18], [sflag:$0xB], $0x40, s9, s6, $0xb8;
	[tilespmem:$0x1C400] =	vst v63  }
0xbb: {  	_ =	swait.ge @p1 [sflag:s17], $0x4000  }
0xbc: {  	s6 =	simm.s32 @!p1 $0x7;
	[sflag:s17] =	ssyncset.done @p1 $0x0  }
0xbd: {  	s9 =	sadd.s32 @!p1 $0xC0, s14;
	[sflag:s17] =	ssyncadd.s32 @p1 $0xFFFFC000;
	s17 =	simm.s32 @!p1 $0x200  }
0xbe: {  	[tilespmem:s17], [sflag:$0x3] =	stream.linear.gather @!p1 [hbm4b:s9+s16], $0x100, $0x38;
	[tilespmem:$0x1C400] =	vst v63  }
0xbf: {  	_ =	swait.ge @!p1 [sflag:s6], $0x100  }
0xc0: {  	s9 =	simm.s32 @!p1 $0xC;
	[sflag:s6] =	ssyncset.done @!p1 $0x0  }
0xc1: {  	s17 =	simm.s32 @!p1 $0x800;
	[sflag:s6] =	ssyncadd.s32 @!p1 $0xFFFFFF00;
	s6 =	simm.s32 @!p1 $0x600  }
0xc2: {  	[spmem:s2] =	stream.indirect.scatter.add.f32 @!p1 [tilespmem:s17], [sflag:$0xB], $0x40, s6, s10, $0xb8;
	[tilespmem:$0x1C400] =	vst v63  }
0xc3: {  	_ =	swait.ge @!p1 [sflag:s9], $0x4000  }
0xc4: {  	[sflag:s9] =	ssyncset.done @!p1 $0x0  }
0xc5: {  	s7 =	sadd.s32 @!p1 $0xA0, s7;
	[sflag:s9] =	ssyncadd.s32 @!p1 $0xFFFFC000  }
0xc6: {  	[tilespmem:s5], [sflag:$0x6] =	stream.linear.gather @!p1 [hbm4b:s7+s16], $0x100, $0x38;
	[tilespmem:$0x1C400] =	vst v63  }
0xc7: {  	_ =	swait.ge [sflag:s23], $0x100  }
0xc8: {  	[sflag:s23] =	ssyncset.done $0x0  }
0xc9: {  	s13 =	sadd.s32 $0x80, s13;
	[sflag:s23] =	ssyncadd.s32 $0xFFFFFF00  }
0xca: {  	[tilespmem:s31], [sflag:$0xA] =	stream.indirect.gather [spmem:s1], $0x40, s21, s19, $0xb8;
	[tilespmem:$0x1C400] =	vst v63  }
0xcb: {  	p0 =	sne.s32 s13, $0xA00;
	_ =	swait.ge [sflag:s0], $0x4000  }
.Ltmp0:
0xcc: {  	[sflag:s0] =	ssyncset.done $0x0;
	(pc) =	sbr.rel @p0 .LBB2_2-.Ltmp0, $4  }
0xcd: {  	s6 =	simm.s32 @!p1 $0x300;
	s5 =	sadd.s32 @!p1 $0xE0, s14;
	[sflag:s0] =	ssyncadd.s32 $0xFFFFC000  }
0xce: {  	[tilespmem:s6], [sflag:$0x4] =	stream.linear.gather @!p1 [hbm4b:s5+s16], $0x100, $0x38;
	[tilespmem:$0x1C400] =	vst v63  }
0xcf: {  	_ =	swait.ge [sflag:s8], $0x100  }
0xd0: {  	p2 =	seq.s32 s12, $0x0;
	[sflag:s8] =	ssyncset.done $0x0  }
0xd1: {  	s5 =	simm.s32 @!p2 $0xB;
	[sflag:s8] =	ssyncadd.s32 $0xFFFFFF00  }
0xd2: {  	[spmem:s2] =	stream.indirect.scatter.add.f32 [tilespmem:s31], [sflag:$0xC], $0x40, s29, s19, $0xb8;
	[tilespmem:$0x1C400] =	vst v63  }
0xd3: {  	_ =	swait.ge @!p2 [sflag:s5], $0x4000  }
0xd4: {  	s9 =	sadd.s32 s12, s15;
	[sflag:s5] =	ssyncset.done @!p2 $0x0  }
0xd5: {  	s7 =	sadd.s32 $0x40, s9;
	s6 =	rddreg [dreg:$0x6];
	[sflag:s5] =	ssyncadd.s32 @!p2 $0xFFFFC000  }
0xd6: {  	[tilespmem:s6], [sflag:$0x7] =	stream.linear.gather [hbm4b:s7+s4], $0x100, $0x38;
	[tilespmem:$0x1C400] =	vst v63  }
0xd7: {  	_ =	swait.ge [sflag:s24], $0x100  }
0xd8: {  	[sflag:s24] =	ssyncset.done $0x0  }
0xd9: {  	[sflag:s24] =	ssyncadd.s32 $0xFFFFFF00  }
0xda: {  	[tilespmem:s25], [sflag:$0x9] =	stream.indirect.gather [spmem:s1], $0x40, s4, s19, $0xb8;
	[tilespmem:$0x1C400] =	vst v63  }
0xdb: {  	_ =	swait.ge [sflag:s26], $0x4000  }
0xdc: {  	p0 =	seq.s32 s12, $0x980;
	s5 =	rddreg [dreg:$0x5]  }
0xdd: {  	[sflag:s26] =	ssyncset.done $0x0;
	s7 =	sadd.s32 @!p0 s12, s5  }
0xde: {  	s13 =	simm.s32 @!p0 $0x0;
	[sflag:s26] =	ssyncadd.s32 $0xFFFFC000;
	s5 =	sadd.s32 @!p0 $0x80, s7  }
0xdf: {  	[tilespmem:s13], [sflag:$0x1] =	stream.linear.gather @!p0 [hbm4b:s5+s13], $0x100, $0x38;
	[tilespmem:$0x1C400] =	vst v63  }
0xe0: {  	_ =	swait.ge [sflag:s28], $0x100  }
0xe1: {  	[sflag:s28] =	ssyncset.done $0x0  }
0xe2: {  	s5 =	simm.s32 @!p2 $0xC;
	[sflag:s28] =	ssyncadd.s32 $0xFFFFFF00  }
0xe3: {  	[spmem:s2] =	stream.indirect.scatter.add.f32 [tilespmem:s25], [sflag:$0xB], $0x40, s22, s19, $0xb8;
	[tilespmem:$0x1C400] =	vst v63  }
0xe4: {  	_ =	swait.ge @!p2 [sflag:s5], $0x4000  }
0xe5: {  	[sflag:s5] =	ssyncset.done @!p2 $0x0  }
0xe6: {  	s10 =	sadd.s32 $0x60, s9;
	[sflag:s5] =	ssyncadd.s32 @!p2 $0xFFFFC000  }
0xe7: {  	[tilespmem:s29], [sflag:$0x8] =	stream.linear.gather [hbm4b:s10+s4], $0x100, $0x38;
	[tilespmem:$0x1C400] =	vst v63  }
0xe8: {  	_ =	swait.ge [sflag:s30], $0x100  }
0xe9: {  	[sflag:s30] =	ssyncset.done $0x0  }
0xea: {  	[sflag:s30] =	ssyncadd.s32 $0xFFFFFF00  }
0xeb: {  	[tilespmem:s31], [sflag:$0xA] =	stream.indirect.gather [spmem:s1], $0x40, s19, s19, $0xb8;
	[tilespmem:$0x1C400] =	vst v63  }
0xec: {  	_ =	swait.ge [sflag:s0], $0x4000  }
0xed: {  	[sflag:s0] =	ssyncset.done $0x0  }
0xee: {  	s5 =	simm.s32 @p0 $0x6;
	[sflag:s0] =	ssyncadd.s32 $0xFFFFC000  }
0xef: {  	_ =	swait.ge @p0 [sflag:s5], $0x100  }
0xf0: {  	s9 =	simm.s32 @p0 $0xB;
	s6 =	simm.s32 @p0 $0x4800;
	[sflag:s5] =	ssyncset.done @p0 $0x0  }
0xf1: {  	s10 =	simm.s32 @p0 $0x500;
	[sflag:s5] =	ssyncadd.s32 @p0 $0xFFFFFF00;
	s5 =	simm.s32 @p0 $0x100  }
0xf2: {  	[spmem:s2] =	stream.indirect.scatter.add.f32 @p0 [tilespmem:s6], [sflag:$0xC], $0x40, s10, s5, $0xb8;
	[tilespmem:$0x1C400] =	vst v63  }
0xf3: {  	_ =	swait.ge @p0 [sflag:s9], $0x4000  }
0xf4: {  	s6 =	simm.s32 @!p0 $0x6;
	[sflag:s9] =	ssyncset.done @p0 $0x0  }
0xf5: {  	s10 =	simm.s32 @!p0 $0x100;
	[sflag:s9] =	ssyncadd.s32 @p0 $0xFFFFC000;
	s9 =	sadd.s32 @!p0 $0xA0, s7  }
0xf6: {  	[tilespmem:s10], [sflag:$0x2] =	stream.linear.gather @!p0 [hbm4b:s9+s13], $0x100, $0x38;
	[tilespmem:$0x1C400] =	vst v63  }
0xf7: {  	_ =	swait.ge @!p0 [sflag:s6], $0x100  }
0xf8: {  	s14 =	simm.s32 @!p0 $0x4800;
	[sflag:s6] =	ssyncset.done @!p0 $0x0  }
0xf9: {  	s9 =	simm.s32 @!p0 $0xB;
	[sflag:s6] =	ssyncadd.s32 @!p0 $0xFFFFFF00;
	s6 =	simm.s32 @!p0 $0x500  }
0xfa: {  	[spmem:s2] =	stream.indirect.scatter.add.f32 @!p0 [tilespmem:s14], [sflag:$0xC], $0x40, s6, s10, $0xb8;
	[tilespmem:$0x1C400] =	vst v63  }
0xfb: {  	_ =	swait.ge @!p0 [sflag:s9], $0x4000  }
0xfc: {  	s12 =	sadd.s32 @!p0 s12, s15;
	[sflag:s9] =	ssyncset.done @!p0 $0x0  }
0xfd: {  	s14 =	sadd.s32 @!p0 $0x80, s12;
	[sflag:s9] =	ssyncadd.s32 @!p0 $0xFFFFC000;
	s9 =	simm.s32 @!p0 $0x400  }
0xfe: {  	[tilespmem:s9], [sflag:$0x5] =	stream.linear.gather @!p0 [hbm4b:s14+s13], $0x100, $0x38;
	[tilespmem:$0x1C400] =	vst v63  }
0xff: {  	_ =	swait.ge [sflag:s3], $0x100  }
0x100: {  	[sflag:s3] =	ssyncset.done $0x0  }
0x101: {  	[sflag:s3] =	ssyncadd.s32 $0xFFFFFF00  }
0x102: {  	[tilespmem:s25], [sflag:$0x9] =	stream.indirect.gather [spmem:s1], $0x40, s20, s19, $0xb8;
	[tilespmem:$0x1C400] =	vst v63  }
0x103: {  	_ =	swait.ge [sflag:s26], $0x4000  }
0x104: {  	[sflag:s26] =	ssyncset.done $0x0  }
0x105: {  	s9 =	simm.s32 @p0 $0x7;
	[sflag:s26] =	ssyncadd.s32 $0xFFFFC000  }
0x106: {  	_ =	swait.ge @p0 [sflag:s9], $0x100  }
0x107: {  	[sflag:s9] =	ssyncset.done @p0 $0x0  }
0x108: {  	s14 =	simm.s32 @p0 $0x800;
	[sflag:s9] =	ssyncadd.s32 @p0 $0xFFFFFF00;
	s9 =	simm.s32 @p0 $0x600  }
0x109: {  	[spmem:s2] =	stream.indirect.scatter.add.f32 @p0 [tilespmem:s14], [sflag:$0xB], $0x40, s9, s5, $0xb8;
	[tilespmem:$0x1C400] =	vst v63  }
0x10a: {  	s5 =	simm.s32 @p0 $0xC  }
0x10b: {  	_ =	swait.ge @p0 [sflag:s5], $0x4000  }
0x10c: {  	[sflag:s5] =	ssyncset.done @p0 $0x0  }
0x10d: {  	s9 =	simm.s32 @!p0 $0x200;
	[sflag:s5] =	ssyncadd.s32 @p0 $0xFFFFC000;
	s5 =	sadd.s32 @!p0 $0xC0, s7  }
0x10e: {  	[tilespmem:s9], [sflag:$0x3] =	stream.linear.gather @!p0 [hbm4b:s5+s13], $0x100, $0x38;
	[tilespmem:$0x1C400] =	vst v63  }
0x10f: {  	s5 =	simm.s32 @!p0 $0x7  }
0x110: {  	_ =	swait.ge @!p0 [sflag:s5], $0x100  }
0x111: {  	[sflag:s5] =	ssyncset.done @!p0 $0x0  }
0x112: {  	s9 =	simm.s32 @!p0 $0x800;
	[sflag:s5] =	ssyncadd.s32 @!p0 $0xFFFFFF00;
	s5 =	simm.s32 @!p0 $0x600  }
0x113: {  	[spmem:s2] =	stream.indirect.scatter.add.f32 @!p0 [tilespmem:s9], [sflag:$0xB], $0x40, s5, s10, $0xb8;
	[tilespmem:$0x1C400] =	vst v63  }
0x114: {  	s5 =	simm.s32 @!p0 $0xC  }
0x115: {  	_ =	swait.ge @!p0 [sflag:s5], $0x4000  }
0x116: {  	[sflag:s5] =	ssyncset.done @!p0 $0x0  }
0x117: {  	[sflag:s5] =	ssyncadd.s32 @!p0 $0xFFFFC000;
	s5 =	sadd.s32 @!p0 $0xA0, s12  }
0x118: {  	[tilespmem:s6], [sflag:$0x6] =	stream.linear.gather @!p0 [hbm4b:s5+s13], $0x100, $0x38;
	[tilespmem:$0x1C400] =	vst v63  }
0x119: {  	_ =	swait.ge [sflag:s23], $0x100  }
0x11a: {  	[sflag:s23] =	ssyncset.done $0x0  }
0x11b: {  	[sflag:s23] =	ssyncadd.s32 $0xFFFFFF00  }
0x11c: {  	[tilespmem:s31], [sflag:$0xA] =	stream.indirect.gather [spmem:s1], $0x40, s21, s19, $0xb8;
	[tilespmem:$0x1C400] =	vst v63  }
0x11d: {  	_ =	swait.ge [sflag:s0], $0x4000  }
0x11e: {  	[sflag:s0] =	ssyncset.done $0x0  }
0x11f: {  	s5 =	sadd.s32 @!p0 $0xE0, s7;
	s6 =	simm.s32 @!p0 $0x300;
	[sflag:s0] =	ssyncadd.s32 $0xFFFFC000  }
0x120: {  	[tilespmem:s6], [sflag:$0x4] =	stream.linear.gather @!p0 [hbm4b:s5+s13], $0x100, $0x38;
	[tilespmem:$0x1C400] =	vst v63  }
0x121: {  	_ =	swait.ge [sflag:s8], $0x100  }
0x122: {  	[sflag:s8] =	ssyncset.done $0x0  }
0x123: {  	s14 =	simm.s32 $0xB;
	[sflag:s8] =	ssyncadd.s32 $0xFFFFFF00  }
0x124: {  	[spmem:s2] =	stream.indirect.scatter.add.f32 [tilespmem:s31], [sflag:$0xC], $0x40, s29, s19, $0xb8;
	[tilespmem:$0x1C400] =	vst v63  }
0x125: {  	_ =	swait.ge [sflag:s14], $0x4000  }
0x126: {  	[sflag:s14] =	ssyncset.done $0x0  }
0x127: {  	s16 =	simm.s32 $0xC;
	[sflag:s14] =	ssyncadd.s32 $0xFFFFC000  }
0x128: {  	_ =	swait.ge [sflag:s16], $0x4000  }
0x129: {  	[sflag:s16] =	ssyncset.done $0x0  }
0x12a: {  	[sflag:s16] =	ssyncadd.s32 $0xFFFFC000  }
0x12b: {  	[bflag:$0x0] =	sbarrier.arrive $0xFFFF  }
0x12c: {  	s6 =	rddreg [dreg:$0x8]  }
0x12d: {  	s17 =	rddreg [dreg:$0xf]  }
0x12e: {  	s9 =	simm.s32 $0xD;
	s10 =	rddreg [dreg:$0x12]  }
0x12f: {  	[hbm:s17], [sflag:s6] =	dma.local [spmem:s10], $0x13C0  }
0x130: {  	_ =	swait.ge [sflag:s9], $0x13C0  }
0x131: {  	s11 =	sadd.s32 $0x1, s11;
	s18 =	rddreg [dreg:$0x10]  }
0x132: {  	p0 =	sne.s32 s11, s18  }
.Ltmp1:
0x133: {  	_ = 	snop;
	(pc) =	sbr.rel @p0 .LBB2_1-.Ltmp1, $3  }
0x134: {  	_ =	sdelay $0x1  }
0x135: {  	[sflag:s9] =	ssyncset.done $0x0  }
0x136: {  	[sflag:s9] =	ssyncadd.s32 $0xFFFFEC40  }
0x137: {  	_ =	sfence.sel $0x180000  }
0x138: {  	[bflag:$0x0] =	sbarrier.arrive $0xFFFF  }
0x139: {  	_ =	strace $0x9000004D  }
0x13a: {  	s0 =	stileid.u32;
	[bflag:$0x2] =	sbarrier.arrive $0xFFFF  }
0x13b: {  	p0 =	sne.s32 s0, $0x0;
	s0 =	rddreg [dreg:$0x4]  }
0x13c: {  	s0 =	sadd.s32 @!p0 $0x100000, s0  }
0x13d: {  	[sflag:s0] =	ssyncadd.tile.s32 @!p0 $0x1;
	_ =	shalt  }
.Lfunc_end2:
_tile_overlayer_lowered:
.L_overlay_start_2:
0x13e: {  	(tag) =	ssettag $0x2  }
0x13f: {  	s0 =	rddreg [dreg:$0x0];
	s2 =	stileid.u32  }
0x140: {  	s1 =	rddreg [dreg:$0x1];
	p0 =	sne.s32 s2, $0x0  }
0x141: {  	s3 =	rddreg [dreg:$0x2];
	[bflag:$0x3] =	sbarrier.arrive $0xFFFF;
	s2 =	simm.s32 @!p0 $0x1C0D  }
0x142: {  	[timem:s3], [sflag:s2] =	dma.local @!p0 [hbm:s0], s1  }
0x143: {  	s0 =	simm.s32 @!p0 $0xD  }
0x144: {  	_ =	swait.ge @!p0 [sflag:s0], s1  }
0x145: {  	s1 =	ssub.s32 @!p0 $0x0, s1;
	[sflag:s0] =	ssyncset.done @!p0 $0x0  }
0x146: {  	[sflag:s0] =	ssyncadd.s32 @!p0 s1  }
0x147: {  	[bflag:$0x3] =	sbarrier.arrive $0xFFFF  }
0x148: {  	_ =	shalt  }

// kernel: kernel.8.cloned.1.call-start
scs
__scs_entry_jumppad:
0x0: {  	(pc) =	sbr.rel $0x88, $3  }
0x1: {  	(tag) =	ssettag $0x0;
	lr =	simm.s32 $0x1  }
0x2: {  	[smem:$0x3F99] =	sst lr;
	_ =	strace $0xD0000000  }
0x3: {  	_ = 	snop  }
0x4: {  	_ = 	snop  }
0x5: {  	_ = 	snop  }
0x6: {  	_ = 	snop  }
0x7: {  	_ = 	snop  }
__scs_overlays_trampoline_lowered:
0x8: {  	[smem:$0x3FA8] =	sst s0  }
0x9: {  	[smem:$0x3FA9] =	sst s1  }
0xa: {  	[smem:$0x3FAA] =	sst s2  }
0xb: {  	[smem:$0x3FAB] =	sst s3  }
0xc: {  	[smem:$0x3FAC] =	sst s4  }
0xd: {  	[smem:$0x3FAD] =	sst s5  }
0xe: {  	[smem:$0x3FAE] =	sst s6  }
0xf: {  	[smem:$0x3FAF] =	sst s7  }
0x10: {  	[smem:$0x3FB0] =	sst s8  }
0x11: {  	[smem:$0x3FB1] =	sst s9;
	s0 =	simm.s32 @!p0 $0x0  }
0x12: {  	s1 =	sld [smem:$0x3F97];
	s0 =	simm.s32 @p0 $0x1  }
0x13: {  	[smem:$0x3FB2] =	sst s0;
	s0 =	simm.s32 @!p1 $0x0  }
0x14: {  	s2 =	sld [smem:$0x3F96];
	s0 =	simm.s32 @p1 $0x1  }
0x15: {  	[smem:$0x3FB3] =	sst s0;
	s0 =	simm.s32 @!p2 $0x0  }
0x16: {  	s3 =	sld [smem:$0x3FDB];
	s0 =	simm.s32 @p2 $0x1  }
0x17: {  	s4 =	simm.s32 $0x1BF5;
	[smem:$0x3FB5] =	sst s0  }
0x18: {  	s0 =	sld [smem:$0x3F98];
	_ =	swait.ge [sflag:s4], $0x0  }
0x19: {  	s7 =	sld [smem:$0x3F99]  }
0x1a: {  	s8 =	sadd.s32 $0xFFFFE003, lr  }
0x1b: {  	s9 =	sadd.s32 $0xFFFFFEF7, lr;
	s5 =	simm.s32 $0xFFFFFFFF;
	p2 =	slt.u32 s8, $0xFFFFF086  }
0x1c: {  	p1 =	slt.u32 s9, $0xF7A;
	s5 =	simm.s32 @!p2 $0x0  }
0x1d: {  	s5 =	simm.s32 @p1 $0x1;
	p0 =	seq.s32 s7, s2  }
0x1e: {  	s7 =	smul.u32 @!p0 $0xF7A, s2;
	p2 =	seq.s32 @!p0 s5, $0x0  }
0x1f: {  	s9 =	smul.u32 $0xF7A, s1;
	s8 =	simm.s32 @!p0 $0x1BF5;
	p2 =	por !p2, p0  }
0x20: {  	[sflag:s8] =	ssyncset.s32 @!p0 $0xFFFFF086;
	s6 =	sadd.s32 @!p0 s3, s7;
	s7 =	simm.s32 @!p0 $0x108  }
0x21: {  	s3 =	sadd.s32 s3, s9;
	s6 =	sadd.s32 @!p0 $0x88, s6;
	s7 =	simm.s32 @p2 $0x1082  }
0x22: {  	[simem:s7], [sflag:s8] =	dma.local @!p0 [hbm:s6], $0xF7A  }
0x23: {  	s9 =	sor.u32 $0xD0000000, s2;
	s6 =	simm.s32 $0x108;
	_ =	swait.ge @!p0 [sflag:s8], $0x0  }
0x24: {  	s3 =	sadd.s32 $0x88, s3;
	s6 =	simm.s32 @!p1 $0x1082;
	[sflag:s4] =	ssyncset.s32 $0xFFFFF086  }
0x25: {  	[simem:s6], [sflag:s4] =	dma.local [hbm:s3], $0xF7A  }
0x26: {  	[smem:$0x3F99] =	sst s1;
	(tag) =	ssettag s2;
	_ =	strace s9  }
0x27: {  	s1 =	sld [smem:$0x3FA9]  }
0x28: {  	s2 =	sld [smem:$0x3FAA]  }
0x29: {  	s4 =	sld [smem:$0x3FAC]  }
0x2a: {  	p0 =	seq.s32 s5, $0x0;
	s5 =	sld [smem:$0x3FAD]  }
0x2b: {  	s6 =	sld [smem:$0x3FAE]  }
0x2c: {  	s7 =	sld [smem:$0x3FAF]  }
0x2d: {  	s3 =	simm.s32 $0x108;
	s8 =	sld [smem:$0x3FB0]  }
0x2e: {  	s3 =	simm.s32 @!p0 $0x1082;
	s9 =	sld [smem:$0x3FB1]  }
0x2f: {  	lr =	sadd.s32 s0, s3;
	s0 =	sld [smem:$0x3FA8]  }
0x30: {  	s3 =	sld [smem:$0x3FAB]  }
0x31: {  	[smem:$0x3FB4] =	sst s10  }
0x32: {  	s10 =	sld [smem:$0x3FB2];
	_ =	sdelay $0x3  }
0x33: {  	p0 =	seq.s32 s10, $0x1;
	s10 =	sld [smem:$0x3FB4];
	_ =	sdelay $0x3  }
0x34: {  	[smem:$0x3FB4] =	sst s10  }
0x35: {  	s10 =	sld [smem:$0x3FB3];
	_ =	sdelay $0x3  }
0x36: {  	p1 =	seq.s32 s10, $0x1;
	s10 =	sld [smem:$0x3FB4];
	_ =	sdelay $0x3  }
0x37: {  	[smem:$0x3FB4] =	sst s10  }
0x38: {  	s10 =	sld [smem:$0x3FB5]  }
0x39: {  	_ = 	snop;
	(pc) =	sbr.ind lr, $3  }
0x3a: {  	_ = 	snop  }
0x3b: {  	_ = 	snop  }
0x3c: {  	p2 =	seq.s32 s10, $0x1;
	s10 =	sld [smem:$0x3FB4]  }
0x3d: {  	_ =	shalt  }
0x3e: {  	_ =	shalt  }
0x3f: {  	_ =	shalt  }
0x40: {  	_ =	shalt  }
0x41: {  	_ =	shalt  }
0x42: {  	_ =	shalt  }
0x43: {  	_ =	shalt  }
0x44: {  	_ =	shalt  }
0x45: {  	_ =	shalt  }
0x46: {  	_ =	shalt  }
0x47: {  	_ =	shalt  }
0x48: {  	_ =	shalt  }
0x49: {  	_ =	shalt  }
0x4a: {  	_ =	shalt  }
0x4b: {  	_ =	shalt  }
0x4c: {  	_ =	shalt  }
0x4d: {  	_ =	shalt  }
0x4e: {  	_ =	shalt  }
0x4f: {  	_ =	shalt  }
0x50: {  	_ =	shalt  }
0x51: {  	_ =	shalt  }
0x52: {  	_ =	shalt  }
0x53: {  	_ =	shalt  }
0x54: {  	_ =	shalt  }
0x55: {  	_ =	shalt  }
0x56: {  	_ =	shalt  }
0x57: {  	_ =	shalt  }
0x58: {  	_ =	shalt  }
0x59: {  	_ =	shalt  }
0x5a: {  	_ =	shalt  }
0x5b: {  	_ =	shalt  }
0x5c: {  	_ =	shalt  }
0x5d: {  	_ =	shalt  }
0x5e: {  	_ =	shalt  }
0x5f: {  	_ =	shalt  }
0x60: {  	_ =	shalt  }
0x61: {  	_ =	shalt  }
0x62: {  	_ =	shalt  }
0x63: {  	_ =	shalt  }
0x64: {  	_ =	shalt  }
0x65: {  	_ =	shalt  }
0x66: {  	_ =	shalt  }
0x67: {  	_ =	shalt  }
0x68: {  	_ =	shalt  }
0x69: {  	_ =	shalt  }
0x6a: {  	_ =	shalt  }
0x6b: {  	_ =	shalt  }
0x6c: {  	_ =	shalt  }
0x6d: {  	_ =	shalt  }
0x6e: {  	_ =	shalt  }
0x6f: {  	_ =	shalt  }
0x70: {  	_ =	shalt  }
0x71: {  	_ =	shalt  }
0x72: {  	_ =	shalt  }
0x73: {  	_ =	shalt  }
0x74: {  	_ =	shalt  }
0x75: {  	_ =	shalt  }
0x76: {  	_ =	shalt  }
0x77: {  	_ =	shalt  }
0x78: {  	_ =	shalt  }
0x79: {  	_ =	shalt  }
0x7a: {  	_ =	shalt  }
0x7b: {  	_ =	shalt  }
0x7c: {  	_ =	shalt  }
0x7d: {  	_ =	shalt  }
0x7e: {  	_ =	shalt  }
0x7f: {  	_ =	shalt  }
0x80: {  	_ =	shalt  }
0x81: {  	_ =	shalt  }
0x82: {  	_ =	shalt  }
0x83: {  	_ =	shalt  }
0x84: {  	_ =	shalt  }
0x85: {  	_ =	shalt  }
0x86: {  	_ =	shalt  }
0x87: {  	_ =	shalt  }
.Lfunc_end0:
.L_simem_size_0:
called_computation_lowered:
.L_overlay_start_0:
0x88: {  	s2 =	sld [smem:$0x3FD9]  }
0x89: {  	s3 =	sld [smem:$0x3FFE];
	_ =	sdelay $0x1  }
0x8a: {  	s1 =	srdreg.scid  }
0x8b: {  	s0 =	sand.u32 $0x1, s1  }
0x8c: {  	s14 =	sshll.u32 s0, $0xA;
	s2 =	sadd.s32 s3, s2  }
0x8d: {  	s2 =	sadd.s32 s2, s14  }
0x8e: {  	[smem:$0x3FC0] =	sst s2  }
0x8f: {  	_ = 	snop  }
0x90: {  	s2 =	sld [smem:$0x3FD0];
	_ =	sdelay $0x2  }
0x91: {  	s15 =	simm.s32 $0xA;
	s4 =	simm.s32 $0x10  }
0x92: {  	[smem:s4], [sflag:s15] =	dma.local [hbm:s2], $0x1  }
0x93: {  	_ =	swait.eq [sflag:s15], $0x1  }
0x94: {  	[sflag:s15] =	ssyncset.done $0x0  }
0x95: {  	[sflag:s15] =	ssyncadd.s32 $0xFFFFFFFF  }
0x96: {  	s16 =	sld [smem:$0x11];
	(tm) =	ssettm $0x1  }
0x97: {  	s17 =	sld [smem:$0x3FFB];
	_ =	sdelay $0x3  }
0x98: {  	_ =	strace s17  }
0x99: {  	s3 =	sld [smem:$0x3FFC];
	_ =	sdelay $0x3  }
0x9a: {  	_ =	strace s3  }
0x9b: {  	s3 =	sld [smem:$0x3FFD];
	_ =	sdelay $0x3  }
0x9c: {  	_ =	strace s3  }
0x9d: {  	_ =	strace $0x8FFFFFFF  }
0x9e: {  	s18 =	sld [smem:$0x3FDB];
	_ =	sdelay $0x1  }
0x9f: {  	s19 =	simm.s32 $_scs_section_size  }
0xa0: {  	s5 =	simm.s32 $_size__tile_overlayer_lowered;
	s6 =	simm.s32 $_tile_overlayer_lowered  }
0xa1: {  	s22 =	simm.s32 $0x1BFF;
	s21 =	sshll.u32 s6, $0x1;
	s3 =	sadd.s32 s19, s18  }
0xa2: {  	s7 =	simm.s32 $0x0;
	s20 =	sshll.u32 s5, $0x1;
	s5 =	sadd.s32 s21, s3  }
0xa3: {  	[timem:s7], [sflag:s22] =	dma.local [hbm:s5], s20  }
0xa4: {  	_ =	swait.ge [sflag:s22], s20  }
0xa5: {  	s4 =	ssub.s32 $0x0, s20;
	[sflag:s22] =	ssyncset.done $0x0  }
0xa6: {  	[sflag:s22] =	ssyncadd.s32 s4;
	_ =	sdelay $0x1  }
0xa7: {  	s23 =	simm.s32 $0x1B8B  }
0xa8: {  	_ =	swait.ge [sflag:s23], $0x1  }
0xa9: {  	[sflag:s23] =	ssyncset.done $0x0  }
0xaa: {  	s25 =	simm.s32 $0x1B8E;
	s24 =	sld [smem:$0x3FFE];
	[sflag:s23] =	ssyncadd.s32 $0xFFFFFFFF  }
0xab: {  	s26 =	simm.s32 $execute0_lowered;
	[smem:$0x3FD2] =	sst s25  }
0xac: {  	s5 =	sshll.u32 s26, $0x1;
	_ =	strace $0x80000046;
	[dreg:$0x1] =	wrdreg $0xFFFFFFFF  }
0xad: {  	s28 =	simm.s32 $_size_execute0_lowered;
	s3 =	sadd.s32 s3, s5;
	[dreg:$0x0] =	wrdreg $0x0  }
0xae: {  	s5 =	sshll.u32 s28, $0x1;
	[dreg:$0x2] =	wrdreg s3  }
0xaf: {  	[dreg:$0x3] =	wrdreg s5  }
0xb0: {  	[dreg:$0x4] =	wrdreg $0xC0  }
0xb1: {  	_ =	task [dreg:s7], $0x5FFFF  }
0xb2: {  	[dreg:$0x1] =	wrdreg $0xFFFFFFFF  }
0xb3: {  	[dreg:$0x0] =	wrdreg $0x60  }
0xb4: {  	[dreg:$0x2] =	wrdreg s16  }
0xb5: {  	[dreg:$0x3] =	wrdreg s24  }
0xb6: {  	[dreg:$0x4] =	wrdreg $0x9  }
0xb7: {  	_ =	task.clear_ibuf [dreg:s7], $0x5FFFF;
	_ =	strace $0x90000046  }
0xb8: {  	s29 =	simm.s32 $0x9;
	_ =	strace $0x80000048  }
0xb9: {  	_ =	swait.ge [sflag:s29], $0x1  }
0xba: {  	[sflag:s29] =	ssyncadd.s32 $0xFFFFFFFF  }
0xbb: {  	_ =	strace $0x90000048  }
0xbc: {  	_ =	sfence  }
0xbd: {  	s30 =	sld [smem:$0x0];
	_ =	sdelay $0x2  }
0xbe: {  	s31 =	sshll.u32 s1, $0xD;
	s1 =	sshrl.u32 s1, $0x2  }
0xbf: {  	s3 =	sand.u32 $0x4000, s31;
	s1 =	sadd.s32 s1, s30  }
0xc0: {  	s0 =	sor.u32 s3, s0;
	s1 =	sshll.u32 s1, $0x11  }
0xc1: {  	s0 =	sor.u32 s1, s0  }
0xc2: {  	s0 =	sadd.s32 $0x8F2B, s0  }
0xc3: {  	[sflag:s0] =	ssyncadd.remote.s32 $0x1  }
0xc4: {  	_ =	sfence.sel $0xFFFF  }
0xc5: {  	[dreg:$0x0] =	wrdreg $0xFFFFFFFF;
	(pc) =	sbr.abs _section_cstart, $3  }
0xc6: {  	[dreg:$0x1] =	wrdreg $0xFFFFFFFF  }
0xc7: {  	_ =	task.clear_ibuf [dreg:s7], $0x2FFFF;
	_ =	strace $0x9FFFFFFF  }
0xc8: {  	(tm) =	ssettm $0x7FFFFFFF  }
0xc9: {  	_ =	shalt  }
tec
execute0_lowered:
.L_overlay_start_1:
0x0: {  	(tag) =	ssettag $0x1  }
0x1: {  	s0 =	srdreg.scid;
	s3 =	rddreg [dreg:$0x0]  }
0x2: {  	s5 =	rddreg [dreg:$0x1];
	s4 =	sand.u32 $0x1, s0  }
0x3: {  	s1 =	stileid.u32;
	s8 =	simm.s32 $0x0;
	s2 =	sshll.u32 s4, $0x4  }
0x4: {  	s4 =	ssub.s32 $0x2, s4;
	s6 =	sor.u32 s1, s2;
	s2 =	simm.s32 $0x0  }
0x5: {  	s7 =	sshrl.u32 s4, $0x1;
	s6 =	smul.u32 $0x500, s6;
	[smem:$0x7FF] =	sst s2  }
0x6: {  	s0 =	rddreg [dreg:$0x2];
	s7 =	ssub.s32 s4, s7;
	_ =	strace $0x80000047  }
0x7: {  	s5 =	sadd.s32 s6, s5;
	s3 =	sadd.s32 s3, s6;
	s6 =	simm.s32 $0x1  }
0x8: {  	v0 =	vlaneseq.u32;
	v1 =	vimm.f32 $0.0e+00;
	v2 =	vimm.f32 $1.000000000e+00;
	s4 =	sadd.s32 $0xBE00, s5;
	s5 =	smax.u32 s7, $0x1;
	s7 =	simm.s32 $0x2800  }
.LBB2_1:
0x9: {  	[tilespmem:s2], [sflag:$0x1] =	stream.linear.gather [hbm4b:s3+s2], $0x2800, $0x38;
	[tilespmem:$0x5000] =	vst v63  }
0xa: {  	_ =	swait.ge [sflag:s6], $0x2800  }
0xb: {  	[sflag:s6] =	ssyncset.done $0x0  }
0xc: {  	s9 =	simm.s32 $0x0;
	[sflag:s6] =	ssyncadd.s32 $0xFFFFD800  }
.LBB2_2:
0xd: {  	v3 =	vor.u32 s9, v0;
	p0 =	sne.s32 s9, $0x2770  }
.Ltmp0:
0xe: {  	_ = 	snop;
	(pc) =	sbr.rel @p0 .LBB2_2-.Ltmp0, $2  }
0xf: {  	_ =	sdelay $0x2  }
0x10: {  	s9 =	sadd.s32 $0x10, s9;
	[tilespmem:v3+s7+$0x0] =	vst.idx.msk $0xffff, v1  }
0x11: {  	s9 =	simm.s32 $0x0;
	s10 =	simm.s32 $0x0  }
.LBB2_4:
0x12: {  	s11 =	sand.u32 $0x3800, s10;
	s12 =	sand.u32 $0x380, s9  }
0x13: {  	s11 =	sor.u32 s12, s11  }
0x14: {  	v3 =	vld [tilespmem:s11+$0x0];
	_ =	sdelay $0x7  }
0x15: {  	[tilespmem:v3+s7+$0x0] =	vst.idx.add.f32.msk $0xffff, v2  }
0x16: {  	v3 =	vld [tilespmem:s11+$0x10];
	_ =	sdelay $0x7  }
0x17: {  	[tilespmem:v3+s7+$0x0] =	vst.idx.add.f32.msk $0xffff, v2  }
0x18: {  	v3 =	vld [tilespmem:s11+$0x20];
	_ =	sdelay $0x7  }
0x19: {  	[tilespmem:v3+s7+$0x0] =	vst.idx.add.f32.msk $0xffff, v2  }
0x1a: {  	v3 =	vld [tilespmem:s11+$0x30];
	_ =	sdelay $0x7  }
0x1b: {  	[tilespmem:v3+s7+$0x0] =	vst.idx.add.f32.msk $0xffff, v2  }
0x1c: {  	v3 =	vld [tilespmem:s11+$0x40];
	_ =	sdelay $0x7  }
0x1d: {  	[tilespmem:v3+s7+$0x0] =	vst.idx.add.f32.msk $0xffff, v2  }
0x1e: {  	v3 =	vld [tilespmem:s11+$0x50];
	_ =	sdelay $0x7  }
0x1f: {  	[tilespmem:v3+s7+$0x0] =	vst.idx.add.f32.msk $0xffff, v2  }
0x20: {  	v3 =	vld [tilespmem:s11+$0x60];
	_ =	sdelay $0x7  }
0x21: {  	[tilespmem:v3+s7+$0x0] =	vst.idx.add.f32.msk $0xffff, v2  }
0x22: {  	v3 =	vld [tilespmem:s11+$0x70];
	_ =	sdelay $0x7  }
0x23: {  	[tilespmem:v3+s7+$0x0] =	vst.idx.add.f32.msk $0xffff, v2  }
0x24: {  	v3 =	vld [tilespmem:s11+$0x400];
	_ =	sdelay $0x7  }
0x25: {  	[tilespmem:v3+s7+$0x0] =	vst.idx.add.f32.msk $0xffff, v2  }
0x26: {  	v3 =	vld [tilespmem:s11+$0x410];
	_ =	sdelay $0x7  }
0x27: {  	[tilespmem:v3+s7+$0x0] =	vst.idx.add.f32.msk $0xffff, v2  }
0x28: {  	v3 =	vld [tilespmem:s11+$0x420];
	_ =	sdelay $0x7  }
0x29: {  	[tilespmem:v3+s7+$0x0] =	vst.idx.add.f32.msk $0xffff, v2  }
0x2a: {  	v3 =	vld [tilespmem:s11+$0x430];
	_ =	sdelay $0x7  }
0x2b: {  	[tilespmem:v3+s7+$0x0] =	vst.idx.add.f32.msk $0xffff, v2  }
0x2c: {  	v3 =	vld [tilespmem:s11+$0x440];
	_ =	sdelay $0x7  }
0x2d: {  	[tilespmem:v3+s7+$0x0] =	vst.idx.add.f32.msk $0xffff, v2  }
0x2e: {  	v3 =	vld [tilespmem:s11+$0x450];
	_ =	sdelay $0x7  }
0x2f: {  	[tilespmem:v3+s7+$0x0] =	vst.idx.add.f32.msk $0xffff, v2  }
0x30: {  	v3 =	vld [tilespmem:s11+$0x460];
	_ =	sdelay $0x7  }
0x31: {  	[tilespmem:v3+s7+$0x0] =	vst.idx.add.f32.msk $0xffff, v2  }
0x32: {  	v3 =	vld [tilespmem:s11+$0x470];
	_ =	sdelay $0x2  }
0x33: {  	p0 =	sne.s32 s10, $0x2700  }
.Ltmp1:
0x34: {  	_ = 	snop;
	(pc) =	sbr.rel @p0 .LBB2_4-.Ltmp1, $2  }
0x35: {  	_ =	sdelay $0x2  }
0x36: {  	s9 =	sadd.s32 $0x80, s9;
	s10 =	sadd.s32 $0x100, s10;
	[tilespmem:v3+s7+$0x0] =	vst.idx.add.f32.msk $0xffff, v2  }
0x37: {  	s8 =	sadd.s32 $0x1, s8  }
0x38: {  	p0 =	sne.s32 s8, s5  }
.Ltmp2:
0x39: {  	_ = 	snop;
	(pc) =	sbr.rel @p0 .LBB2_1-.Ltmp2, $4  }
0x3a: {  	[hbm4b:s4+s2] =	stream.linear.scatter [tilespmem:s7], [sflag:$0x1], $0x2780, $0x38;
	[tilespmem:$0x5000] =	vst v63  }
0x3b: {  	_ =	swait.ge [sflag:s6], $0x2780  }
0x3c: {  	[sflag:s6] =	ssyncset.done $0x0  }
0x3d: {  	[sflag:s6] =	ssyncadd.s32 $0xFFFFD880  }
0x3e: {  	_ =	sfence.sel $0x180000  }
0x3f: {  	[bflag:$0x0] =	sbarrier.arrive $0xFFFF  }
0x40: {  	p0 =	sne.s32 s1, $0x0;
	_ =	strace $0x90000047  }
0x41: {  	s0 =	sadd.s32 @!p0 $0x100000, s0;
	[bflag:$0x2] =	sbarrier.arrive $0xFFFF  }
0x42: {  	[sflag:s0] =	ssyncadd.tile.s32 @!p0 $0x1;
	_ =	shalt  }
.Lfunc_end2:
_tile_overlayer_lowered:
.L_overlay_start_2:
0x43: {  	(tag) =	ssettag $0x2  }
0x44: {  	s0 =	rddreg [dreg:$0x0];
	s2 =	stileid.u32  }
0x45: {  	s1 =	rddreg [dreg:$0x1];
	p0 =	sne.s32 s2, $0x0  }
0x46: {  	s3 =	rddreg [dreg:$0x2];
	[bflag:$0x3] =	sbarrier.arrive $0xFFFF;
	s2 =	simm.s32 @!p0 $0x1C01  }
0x47: {  	[timem:s3], [sflag:s2] =	dma.local @!p0 [hbm:s0], s1  }
0x48: {  	s0 =	simm.s32 @!p0 $0x1  }
0x49: {  	_ =	swait.ge @!p0 [sflag:s0], s1  }
0x4a: {  	s1 =	ssub.s32 @!p0 $0x0, s1;
	[sflag:s0] =	ssyncset.done @!p0 $0x0  }
0x4b: {  	[sflag:s0] =	ssyncadd.s32 @!p0 s1  }
0x4c: {  	[bflag:$0x3] =	sbarrier.arrive $0xFFFF  }
0x4d: {  	_ =	shalt  }

</sc_bundles>
